<compile_context>
chip_gen: v7x
topology: tpu7x:2x2x1
jax: 0.10.2.dev20260603
libtpu: 0.0.44.dev20260713+nightly
codegen_flags: <defaults>
</compile_context>

<pallas_src>
import jax
import jax.numpy as jnp
from jax import lax
from jax.experimental import pallas as pl
from jax.experimental.pallas import tpu as pltpu
from jax.experimental.pallas import tpu_sc as plsc

NSYS = 4
NA = 48
NM = 5
NP = 64
ROW = NM * NP
ROWP = 384
BW = 640
BWR = 576
NKEY = NSYS * NA * NA
STOT = 9216
NORB = 3456

KT = 512
ST = 512
NKT = NKEY // KT
NST = STOT // ST

NC = 2
NS = 16
NW = NC * NS
KPW = NKEY // NW
CHUNK = 96
WCH = KPW // CHUNK


def _w_body(cg_s, v_r, w_ref, m_ref):
    @pl.when(pl.program_id(0) == 0)
    def _build_m():
        rowi = lax.broadcasted_iota(jnp.int32, (ROW, BW), 0)
        coli = lax.broadcasted_iota(jnp.int32, (ROW, BW), 1)
        r_i = coli // 24
        c_i = coli - r_i * 24
        n1p = r_i // 3
        a_i = r_i - n1p * 3
        n2p = c_i // 3
        b_i = c_i - n2p * 3
        tgt = n1p * 8 + n2p
        m = jnp.zeros((ROW, BW), jnp.float32)
        for a0 in range(3):
            for b0 in range(3):
                for m0 in range(NM):
                    mask = ((rowi == tgt + m0 * 64) & (a_i == a0)
                            & (b_i == b0) & (r_i < 24))
                    m = m + jnp.where(
                        mask, cg_s[(a0 * 3 + b0) * NM + m0], 0.0)
        m_ref[...] = m

    w_ref[0] = jnp.dot(v_r[0], m_ref[...],
                       preferred_element_type=jnp.float32)


def _tc_transform(values3, cg_flat):
    return pl.pallas_call(
        _w_body,
        grid=(NST,),
        in_specs=[
            pl.BlockSpec(memory_space=pltpu.SMEM),
            pl.BlockSpec((1, ST, ROW), lambda st: (st, 0, 0)),
        ],
        out_specs=pl.BlockSpec((1, ST, BW), lambda st: (st, 0, 0)),
        out_shape=jax.ShapeDtypeStruct((NST, ST, BW), jnp.float32),
        scratch_shapes=[pltpu.VMEM((ROW, BW), jnp.float32)],
    )(cg_flat, values3)


def _seg_body(sys_r, i1_r, i2_r, w_r, acc_ref):
    st = pl.program_id(0)
    s_v = sys_r[0, 0]
    i1v = i1_r[0, 0]
    i2v = i2_r[0, 0]
    k1 = (s_v * NA + i1v) * NA + i2v
    w = w_r[0]
    for ktc in range(NKT):
        col = lax.broadcasted_iota(jnp.int32, (ST, KT), 1) + ktc * KT
        e1 = (k1[:, None] == col).astype(jnp.float32)
        d1 = lax.dot_general(e1, w, (((0,), (0,)), ((), ())),
                             preferred_element_type=jnp.float32)

        @pl.when(st == 0)
        def _init():
            acc_ref[ktc] = d1

        @pl.when(st != 0)
        def _accum():
            acc_ref[ktc] += d1


def _tc_segment_sum(w3, sys3, i13, i23):
    return pl.pallas_call(
        _seg_body,
        grid=(NST,),
        in_specs=[
            pl.BlockSpec((1, 1, ST), lambda st: (st, 0, 0)),
            pl.BlockSpec((1, 1, ST), lambda st: (st, 0, 0)),
            pl.BlockSpec((1, 1, ST), lambda st: (st, 0, 0)),
            pl.BlockSpec((1, ST, BW), lambda st: (st, 0, 0)),
        ],
        out_specs=pl.BlockSpec((NKT, KT, BW), lambda st: (0, 0, 0)),
        out_shape=jax.ShapeDtypeStruct((NKT, KT, BW), jnp.float32),
    )(sys3, i13, i23, w3)


def _perm_body(g_hbm, gt_out, vals_v, tidx_v):
    c = lax.axis_index("c")
    s = lax.axis_index("s")
    w = c * NS + s
    iota16 = lax.iota(jnp.int32, 16)
    for j in range(WCH):
        for t in range(CHUNK // 16):
            gi0, rem0 = divmod(t * 16, NA)
            g48 = w * (KPW // NA) + j * (CHUNK // NA) + gi0
            sys_j = g48 // NA
            a1_j = g48 - sys_j * NA
            base_v = jnp.full((16,), sys_j * (NA * NA) + a1_j, jnp.int32)
            tidx_v[j, pl.ds(t * 16, 16)] = base_v + (rem0 + iota16) * NA
        pltpu.sync_copy(g_hbm.at[pl.ds(w * KPW + j * CHUNK, CHUNK)], vals_v)
        pltpu.sync_copy(vals_v, gt_out.at[tidx_v.at[j]])


def _sc_permute(g2):
    run = pl.kernel(
        _perm_body,
        out_type=jax.ShapeDtypeStruct((NKEY, BW), jnp.float32),
        mesh=plsc.VectorSubcoreMesh(core_axis_name="c", subcore_axis_name="s",
                                    num_cores=NC, num_subcores=NS),
        scratch_types=[
            pltpu.VMEM((CHUNK, BW), jnp.float32),
            pltpu.VMEM((WCH, CHUNK), jnp.int32),
        ],
    )
    return run(g2)


def _tc_body(gA, gtB, out_ref):
    a3 = gA[0, 0][:, 0:BWR].reshape(NA, 24, 24).transpose(1, 0, 2)
    b3 = gtB[0, 0][:, 0:BWR].reshape(NA, 24, 24).transpose(2, 0, 1)
    payload = 0.5 * (a3 + b3)
    padded = jnp.concatenate(
        [jnp.zeros((24, NA, 8), jnp.float32), payload,
         jnp.zeros((24, NA, 40), jnp.float32)], axis=2).reshape(24, NORB)
    out_ref[0, 0] = jnp.zeros((72, NORB), jnp.float32)
    out_ref[0, 0, 8:32, :] = padded


def _tc_build(g6, gt6):
    return pl.pallas_call(
        _tc_body,
        grid=(NSYS, NA),
        in_specs=[
            pl.BlockSpec((1, 1, NA, BW), lambda s, a: (s, a, 0, 0)),
            pl.BlockSpec((1, 1, NA, BW), lambda s, a: (s, a, 0, 0)),
        ],
        out_specs=pl.BlockSpec((1, 1, 72, NORB), lambda s, a: (s, a, 0, 0)),
        out_shape=jax.ShapeDtypeStruct((NSYS, NA, 72, NORB), jnp.float32),
    )(g6, gt6)


def kernel(values, cg, sys_idx, i1, i2):
    values3 = values.reshape(NST, ST, ROW)
    sys3 = sys_idx.astype(jnp.int32).reshape(NST, 1, ST)
    i13 = i1.astype(jnp.int32).reshape(NST, 1, ST)
    i23 = i2.astype(jnp.int32).reshape(NST, 1, ST)
    w3 = _tc_transform(values3, cg.reshape(3 * 3 * NM))
    g = _tc_segment_sum(w3, sys3, i13, i23).reshape(NKEY, BW)
    gt = _sc_permute(g)
    g6 = g.reshape(NSYS, NA, NA, BW)
    gt6 = gt.reshape(NSYS, NA, NA, BW)
    h = _tc_build(g6, gt6)
    return h.reshape(NSYS, NORB, NORB)

# --- scband reference (transcript-rebuilt; emitter-appended) ---
"""Pipeline reference for scband-blocks2-matrix-66073776882374 (READ-ONLY COPY).

The authoritative reference and input builder live on the scoring server;
editing this copy changes nothing except your own understanding.
"""

import jax, jax.numpy as jnp
import numpy as np

N_SYS = 4
N_ATOMS = 48
N_RAD = 8
L1 = 1
L2 = 1
LAM = 2
# per-atom orbital layout: for l in sorted order, for radial, for mu -> contiguous
ORB_PER_ATOM = N_RAD * (1 + 3 + 5)  # 72
L1_OFFSET = N_RAD * 1               # l=0 block occupies first N_RAD*1 orbitals
L2_OFFSET = N_RAD * 1
N_ORB = N_ATOMS * ORB_PER_ATOM      # 3456
S = N_SYS * N_ATOMS * N_ATOMS       # 9216


def setup_inputs(seed: int = 0) -> dict:
    key = jax.random.key(seed)
    k1, k2, k3, k4, k5 = jax.random.split(key, 5)
    values = jax.random.normal(k1, (S, 2 * LAM + 1, N_RAD * N_RAD), dtype=jnp.float32)
    cg = jax.random.normal(k2, (2 * L1 + 1, 2 * L2 + 1, 2 * LAM + 1), dtype=jnp.float32)
    sys_idx = jax.random.randint(k3, (S,), 0, N_SYS, dtype=jnp.int64)
    i1 = jax.random.randint(k4, (S,), 0, N_ATOMS, dtype=jnp.int64)
    i2 = jax.random.randint(k5, (S,), 0, N_ATOMS, dtype=jnp.int64)
    return {"values": values, "cg": cg, "sys_idx": sys_idx, "i1": i1, "i2": i2}


def reference(values, cg, sys_idx, i1, i2):
    # 1) decouple the coupled (lambda) components back to uncoupled (m1, m2)
    #    values: [S, 2*LAM+1, P] with P = N_RAD*N_RAD, cg: [2*L1+1, 2*L2+1, 2*LAM+1]
    dec = jnp.einsum('smp,abm->sabp', values, cg)  # [S, 3, 3, 64]
    dec = dec.reshape(S, 2 * L1 + 1, 2 * L2 + 1, N_RAD, N_RAD)
    # 2) reorder to per-pair orbital block with layout (radial-major, then mu):
    #    local orbital index = radial*(2l+1) + (mu+l)
    block = dec.transpose(0, 3, 1, 4, 2).reshape(S, N_RAD * (2 * L1 + 1), N_RAD * (2 * L2 + 1))  # [S,24,24]
    nb1 = N_RAD * (2 * L1 + 1)
    nb2 = N_RAD * (2 * L2 + 1)
    # 3) global orbital indices per sample (orbital_map layout: atom -> l -> radial -> mu)
    rows = i1[:, None] * ORB_PER_ATOM + L1_OFFSET + jnp.arange(nb1)[None, :]  # [S, 24]
    cols = i2[:, None] * ORB_PER_ATOM + L2_OFFSET + jnp.arange(nb2)[None, :]  # [S, 24]
    flat = (sys_idx[:, None, None] * (N_ORB * N_ORB)
            + rows[:, :, None] * N_ORB
            + cols[:, None, :]).reshape(-1)
    # 4) scatter-add coupled block contributions into dense Hamiltonians
    H = jnp.zeros((N_SYS * N_ORB * N_ORB,), dtype=jnp.float32).at[flat].add(block.reshape(-1))
    H = H.reshape(N_SYS, N_ORB, N_ORB)
    # 5) hermitian symmetrization (is_hermitian=True in the module)
    H = 0.5 * (H + jnp.swapaxes(H, 1, 2))
    return H

if __name__ == "__main__":
    import jax
    _d = setup_inputs()
    print(jax.jit(kernel)(*tuple(_d.values())))

</pallas_src>

<mosaic_0001>
#map = affine_map<(d0, d1) -> (0, 0)>
module attributes {stable_mosaic.version = 14 : i64} {
  func.func @_perm_body(%arg0: i32, %arg1: i32, %arg2: memref<9216x640xf32, #tpu.memory_space<hbm>>, %arg3: memref<9216x640xf32, #tpu.memory_space<hbm>>, %arg4: memref<96x640xf32, #tpu.memory_space<vmem>>, %arg5: memref<3x96xi32, #tpu.memory_space<vmem>>) attributes {dimension_semantics = [#tpu.dimension_semantics<core_parallel>, #tpu.dimension_semantics<subcore_parallel>], iteration_bounds = array<i64: 2, 16>, scalar_prefetch = 0 : i64, scratch_operands = 2 : i64, tpu.core_type = #tpu.core_type<sc_vector_subcore>, window_params = [{transform_indices = #map}, {transform_indices = #map}]} {
    %mul3A = arith.constant 16 : i32
    %mul3A_0 = arith.muli %arg0, %mul3A : i32
    %add3A = arith.addi %mul3A_0, %arg1 : i32
    %iota3A = tpu.iota {dimensions = array<i32: 0>} : vector<16xi32>
    %mul3A_1 = arith.constant 6 : i32
    %mul3A_2 = arith.muli %add3A, %mul3A_1 : i32
    %add3A_3 = arith.constant 0 : i32
    %add3A_4 = arith.addi %mul3A_2, %add3A_3 : i32
    %add3A_5 = arith.constant 0 : i32
    %add3A_6 = arith.addi %add3A_4, %add3A_5 : i32
    %jit3A = arith.constant 48 : i32
    %div3A = arith.divsi %add3A_6, %jit3A : i32
    %sign3A = arith.constant 0 : i32
    %sign3A_7 = arith.cmpi sgt, %add3A_6, %sign3A : i32
    %sign3A_8 = arith.extui %sign3A_7 : i1 to i32
    %sign3A_9 = arith.constant 0 : i32
    %sign3A_10 = arith.cmpi slt, %add3A_6, %sign3A_9 : i32
    %sign3A_11 = arith.extui %sign3A_10 : i1 to i32
    %sign3A_12 = arith.subi %sign3A_8, %sign3A_11 : i32
    %sign3A_13 = arith.constant 0 : i32
    %sign3A_14 = arith.cmpi sgt, %jit3A, %sign3A_13 : i32
    %sign3A_15 = arith.extui %sign3A_14 : i1 to i32
    %sign3A_16 = arith.constant 0 : i32
    %sign3A_17 = arith.cmpi slt, %jit3A, %sign3A_16 : i32
    %sign3A_18 = arith.extui %sign3A_17 : i1 to i32
    %sign3A_19 = arith.subi %sign3A_15, %sign3A_18 : i32
    %ne3A = arith.cmpi ne, %sign3A_12, %sign3A_19 : i32
    %rem3A = arith.remsi %add3A_6, %jit3A : i32
    %ne3A_20 = arith.constant 0 : i32
    %ne3A_21 = arith.cmpi ne, %rem3A, %ne3A_20 : i32
    %and3A = arith.andi %ne3A, %ne3A_21 : i1
    %sub3A = arith.constant 1 : i32
    %sub3A_22 = arith.subi %div3A, %sub3A : i32
    %select_n3A = arith.select %and3A, %sub3A_22, %div3A : i32
    %mul3A_23 = arith.constant 48 : i32
    %mul3A_24 = arith.muli %select_n3A, %mul3A_23 : i32
    %sub3A_25 = arith.subi %add3A_6, %mul3A_24 : i32
    %mul3A_26 = arith.constant 2304 : i32
    %mul3A_27 = arith.muli %select_n3A, %mul3A_26 : i32
    %add3A_28 = arith.addi %mul3A_27, %sub3A_25 : i32
    %broadcast_in_dim3A = vector.broadcast %add3A_28 : i32 to vector<16xi32>
    %add3A_29 = arith.constant 0 : i32
    %add3A_30 = vector.broadcast %add3A_29 : i32 to vector<16xi32>
    %add3A_31 = arith.addi %add3A_30, %iota3A : vector<16xi32>
    %mul3A_32 = arith.constant 48 : i32
    %mul3A_33 = vector.broadcast %mul3A_32 : i32 to vector<16xi32>
    %mul3A_34 = arith.muli %add3A_31, %mul3A_33 : vector<16xi32>
    %add3A_35 = arith.addi %broadcast_in_dim3A, %mul3A_34 : vector<16xi32>
    %swap3A = arith.constant 0 : i32
    %swap3A_36 = arith.index_cast %swap3A : i32 to index
    %swap3A_37 = arith.constant 0 : index
    %swap3A_38 = tpu.vector_load %arg5[%swap3A_36, %swap3A_37] {strides = array<i32>} : memref<3x96xi32, #tpu.memory_space<vmem>>, vector<1x16xi32>,
    %swap3A_39 = vector.shape_cast %swap3A_38 : vector<1x16xi32> to vector<16xi32>
    %swap3A_40 = vector.shape_cast %add3A_35 : vector<16xi32> to vector<1x16xi32>
    tpu.vector_store %arg5[%swap3A_36, %swap3A_37], %swap3A_40 {strides = array<i32>} : memref<3x96xi32, #tpu.memory_space<vmem>>, vector<1x16xi32>,
    %mul3A_41 = arith.constant 6 : i32
    %mul3A_42 = arith.muli %add3A, %mul3A_41 : i32
    %add3A_43 = arith.constant 0 : i32
    %add3A_44 = arith.addi %mul3A_42, %add3A_43 : i32
    %add3A_45 = arith.constant 0 : i32
    %add3A_46 = arith.addi %add3A_44, %add3A_45 : i32
    %jit3A_47 = arith.constant 48 : i32
    %div3A_48 = arith.divsi %add3A_46, %jit3A_47 : i32
    %sign3A_49 = arith.constant 0 : i32
    %sign3A_50 = arith.cmpi sgt, %add3A_46, %sign3A_49 : i32
    %sign3A_51 = arith.extui %sign3A_50 : i1 to i32
    %sign3A_52 = arith.constant 0 : i32
    %sign3A_53 = arith.cmpi slt, %add3A_46, %sign3A_52 : i32
    %sign3A_54 = arith.extui %sign3A_53 : i1 to i32
    %sign3A_55 = arith.subi %sign3A_51, %sign3A_54 : i32
    %sign3A_56 = arith.constant 0 : i32
    %sign3A_57 = arith.cmpi sgt, %jit3A_47, %sign3A_56 : i32
    %sign3A_58 = arith.extui %sign3A_57 : i1 to i32
    %sign3A_59 = arith.constant 0 : i32
    %sign3A_60 = arith.cmpi slt, %jit3A_47, %sign3A_59 : i32
    %sign3A_61 = arith.extui %sign3A_60 : i1 to i32
    %sign3A_62 = arith.subi %sign3A_58, %sign3A_61 : i32
    %ne3A_63 = arith.cmpi ne, %sign3A_55, %sign3A_62 : i32
    %rem3A_64 = arith.remsi %add3A_46, %jit3A_47 : i32
    %ne3A_65 = arith.constant 0 : i32
    %ne3A_66 = arith.cmpi ne, %rem3A_64, %ne3A_65 : i32
    %and3A_67 = arith.andi %ne3A_63, %ne3A_66 : i1
    %sub3A_68 = arith.constant 1 : i32
    %sub3A_69 = arith.subi %div3A_48, %sub3A_68 : i32
    %select_n3A_70 = arith.select %and3A_67, %sub3A_69, %div3A_48 : i32
    %mul3A_71 = arith.constant 48 : i32
    %mul3A_72 = arith.muli %select_n3A_70, %mul3A_71 : i32
    %sub3A_73 = arith.subi %add3A_46, %mul3A_72 : i32
    %mul3A_74 = arith.constant 2304 : i32
    %mul3A_75 = arith.muli %select_n3A_70, %mul3A_74 : i32
    %add3A_76 = arith.addi %mul3A_75, %sub3A_73 : i32
    %broadcast_in_dim3A_77 = vector.broadcast %add3A_76 : i32 to vector<16xi32>
    %add3A_78 = arith.constant 16 : i32
    %add3A_79 = vector.broadcast %add3A_78 : i32 to vector<16xi32>
    %add3A_80 = arith.addi %add3A_79, %iota3A : vector<16xi32>
    %mul3A_81 = arith.constant 48 : i32
    %mul3A_82 = vector.broadcast %mul3A_81 : i32 to vector<16xi32>
    %mul3A_83 = arith.muli %add3A_80, %mul3A_82 : vector<16xi32>
    %add3A_84 = arith.addi %broadcast_in_dim3A_77, %mul3A_83 : vector<16xi32>
    %swap3A_85 = arith.constant 0 : i32
    %swap3A_86 = arith.index_cast %swap3A_85 : i32 to index
    %swap3A_87 = arith.constant 16 : index
    %swap3A_88 = tpu.vector_load %arg5[%swap3A_86, %swap3A_87] {strides = array<i32>} : memref<3x96xi32, #tpu.memory_space<vmem>>, vector<1x16xi32>,
    %swap3A_89 = vector.shape_cast %swap3A_88 : vector<1x16xi32> to vector<16xi32>
    %swap3A_90 = vector.shape_cast %add3A_84 : vector<16xi32> to vector<1x16xi32>
    tpu.vector_store %arg5[%swap3A_86, %swap3A_87], %swap3A_90 {strides = array<i32>} : memref<3x96xi32, #tpu.memory_space<vmem>>, vector<1x16xi32>,
    %mul3A_91 = arith.constant 6 : i32
    %mul3A_92 = arith.muli %add3A, %mul3A_91 : i32
    %add3A_93 = arith.constant 0 : i32
    %add3A_94 = arith.addi %mul3A_92, %add3A_93 : i32
    %add3A_95 = arith.constant 0 : i32
    %add3A_96 = arith.addi %add3A_94, %add3A_95 : i32
    %jit3A_97 = arith.constant 48 : i32
    %div3A_98 = arith.divsi %add3A_96, %jit3A_97 : i32
    %sign3A_99 = arith.constant 0 : i32
    %sign3A_100 = arith.cmpi sgt, %add3A_96, %sign3A_99 : i32
    %sign3A_101 = arith.extui %sign3A_100 : i1 to i32
    %sign3A_102 = arith.constant 0 : i32
    %sign3A_103 = arith.cmpi slt, %add3A_96, %sign3A_102 : i32
    %sign3A_104 = arith.extui %sign3A_103 : i1 to i32
    %sign3A_105 = arith.subi %sign3A_101, %sign3A_104 : i32
    %sign3A_106 = arith.constant 0 : i32
    %sign3A_107 = arith.cmpi sgt, %jit3A_97, %sign3A_106 : i32
    %sign3A_108 = arith.extui %sign3A_107 : i1 to i32
    %sign3A_109 = arith.constant 0 : i32
    %sign3A_110 = arith.cmpi slt, %jit3A_97, %sign3A_109 : i32
    %sign3A_111 = arith.extui %sign3A_110 : i1 to i32
    %sign3A_112 = arith.subi %sign3A_108, %sign3A_111 : i32
    %ne3A_113 = arith.cmpi ne, %sign3A_105, %sign3A_112 : i32
    %rem3A_114 = arith.remsi %add3A_96, %jit3A_97 : i32
    %ne3A_115 = arith.constant 0 : i32
    %ne3A_116 = arith.cmpi ne, %rem3A_114, %ne3A_115 : i32
    %and3A_117 = arith.andi %ne3A_113, %ne3A_116 : i1
    %sub3A_118 = arith.constant 1 : i32
    %sub3A_119 = arith.subi %div3A_98, %sub3A_118 : i32
    %select_n3A_120 = arith.select %and3A_117, %sub3A_119, %div3A_98 : i32
    %mul3A_121 = arith.constant 48 : i32
    %mul3A_122 = arith.muli %select_n3A_120, %mul3A_121 : i32
    %sub3A_123 = arith.subi %add3A_96, %mul3A_122 : i32
    %mul3A_124 = arith.constant 2304 : i32
    %mul3A_125 = arith.muli %select_n3A_120, %mul3A_124 : i32
    %add3A_126 = arith.addi %mul3A_125, %sub3A_123 : i32
    %broadcast_in_dim3A_127 = vector.broadcast %add3A_126 : i32 to vector<16xi32>
    %add3A_128 = arith.constant 32 : i32
    %add3A_129 = vector.broadcast %add3A_128 : i32 to vector<16xi32>
    %add3A_130 = arith.addi %add3A_129, %iota3A : vector<16xi32>
    %mul3A_131 = arith.constant 48 : i32
    %mul3A_132 = vector.broadcast %mul3A_131 : i32 to vector<16xi32>
    %mul3A_133 = arith.muli %add3A_130, %mul3A_132 : vector<16xi32>
    %add3A_134 = arith.addi %broadcast_in_dim3A_127, %mul3A_133 : vector<16xi32>
    %swap3A_135 = arith.constant 0 : i32
    %swap3A_136 = arith.index_cast %swap3A_135 : i32 to index
    %swap3A_137 = arith.constant 32 : index
    %swap3A_138 = tpu.vector_load %arg5[%swap3A_136, %swap3A_137] {strides = array<i32>} : memref<3x96xi32, #tpu.memory_space<vmem>>, vector<1x16xi32>,
    %swap3A_139 = vector.shape_cast %swap3A_138 : vector<1x16xi32> to vector<16xi32>
    %swap3A_140 = vector.shape_cast %add3A_134 : vector<16xi32> to vector<1x16xi32>
    tpu.vector_store %arg5[%swap3A_136, %swap3A_137], %swap3A_140 {strides = array<i32>} : memref<3x96xi32, #tpu.memory_space<vmem>>, vector<1x16xi32>,
    %mul3A_141 = arith.constant 6 : i32
    %mul3A_142 = arith.muli %add3A, %mul3A_141 : i32
    %add3A_143 = arith.constant 0 : i32
    %add3A_144 = arith.addi %mul3A_142, %add3A_143 : i32
    %add3A_145 = arith.constant 1 : i32
    %add3A_146 = arith.addi %add3A_144, %add3A_145 : i32
    %jit3A_147 = arith.constant 48 : i32
    %div3A_148 = arith.divsi %add3A_146, %jit3A_147 : i32
    %sign3A_149 = arith.constant 0 : i32
    %sign3A_150 = arith.cmpi sgt, %add3A_146, %sign3A_149 : i32
    %sign3A_151 = arith.extui %sign3A_150 : i1 to i32
    %sign3A_152 = arith.constant 0 : i32
    %sign3A_153 = arith.cmpi slt, %add3A_146, %sign3A_152 : i32
    %sign3A_154 = arith.extui %sign3A_153 : i1 to i32
    %sign3A_155 = arith.subi %sign3A_151, %sign3A_154 : i32
    %sign3A_156 = arith.constant 0 : i32
    %sign3A_157 = arith.cmpi sgt, %jit3A_147, %sign3A_156 : i32
    %sign3A_158 = arith.extui %sign3A_157 : i1 to i32
    %sign3A_159 = arith.constant 0 : i32
    %sign3A_160 = arith.cmpi slt, %jit3A_147, %sign3A_159 : i32
    %sign3A_161 = arith.extui %sign3A_160 : i1 to i32
    %sign3A_162 = arith.subi %sign3A_158, %sign3A_161 : i32
    %ne3A_163 = arith.cmpi ne, %sign3A_155, %sign3A_162 : i32
    %rem3A_164 = arith.remsi %add3A_146, %jit3A_147 : i32
    %ne3A_165 = arith.constant 0 : i32
    %ne3A_166 = arith.cmpi ne, %rem3A_164, %ne3A_165 : i32
    %and3A_167 = arith.andi %ne3A_163, %ne3A_166 : i1
    %sub3A_168 = arith.constant 1 : i32
    %sub3A_169 = arith.subi %div3A_148, %sub3A_168 : i32
    %select_n3A_170 = arith.select %and3A_167, %sub3A_169, %div3A_148 : i32
    %mul3A_171 = arith.constant 48 : i32
    %mul3A_172 = arith.muli %select_n3A_170, %mul3A_171 : i32
    %sub3A_173 = arith.subi %add3A_146, %mul3A_172 : i32
    %mul3A_174 = arith.constant 2304 : i32
    %mul3A_175 = arith.muli %select_n3A_170, %mul3A_174 : i32
    %add3A_176 = arith.addi %mul3A_175, %sub3A_173 : i32
    %broadcast_in_dim3A_177 = vector.broadcast %add3A_176 : i32 to vector<16xi32>
    %add3A_178 = arith.constant 0 : i32
    %add3A_179 = vector.broadcast %add3A_178 : i32 to vector<16xi32>
    %add3A_180 = arith.addi %add3A_179, %iota3A : vector<16xi32>
    %mul3A_181 = arith.constant 48 : i32
    %mul3A_182 = vector.broadcast %mul3A_181 : i32 to vector<16xi32>
    %mul3A_183 = arith.muli %add3A_180, %mul3A_182 : vector<16xi32>
    %add3A_184 = arith.addi %broadcast_in_dim3A_177, %mul3A_183 : vector<16xi32>
    %swap3A_185 = arith.constant 0 : i32
    %swap3A_186 = arith.index_cast %swap3A_185 : i32 to index
    %swap3A_187 = arith.constant 48 : index
    %swap3A_188 = tpu.vector_load %arg5[%swap3A_186, %swap3A_187] {strides = array<i32>} : memref<3x96xi32, #tpu.memory_space<vmem>>, vector<1x16xi32>,
    %swap3A_189 = vector.shape_cast %swap3A_188 : vector<1x16xi32> to vector<16xi32>
    %swap3A_190 = vector.shape_cast %add3A_184 : vector<16xi32> to vector<1x16xi32>
    tpu.vector_store %arg5[%swap3A_186, %swap3A_187], %swap3A_190 {strides = array<i32>} : memref<3x96xi32, #tpu.memory_space<vmem>>, vector<1x16xi32>,
    %mul3A_191 = arith.constant 6 : i32
    %mul3A_192 = arith.muli %add3A, %mul3A_191 : i32
    %add3A_193 = arith.constant 0 : i32
    %add3A_194 = arith.addi %mul3A_192, %add3A_193 : i32
    %add3A_195 = arith.constant 1 : i32
    %add3A_196 = arith.addi %add3A_194, %add3A_195 : i32
    %jit3A_197 = arith.constant 48 : i32
    %div3A_198 = arith.divsi %add3A_196, %jit3A_197 : i32
    %sign3A_199 = arith.constant 0 : i32
    %sign3A_200 = arith.cmpi sgt, %add3A_196, %sign3A_199 : i32
    %sign3A_201 = arith.extui %sign3A_200 : i1 to i32
    %sign3A_202 = arith.constant 0 : i32
    %sign3A_203 = arith.cmpi slt, %add3A_196, %sign3A_202 : i32
    %sign3A_204 = arith.extui %sign3A_203 : i1 to i32
    %sign3A_205 = arith.subi %sign3A_201, %sign3A_204 : i32
    %sign3A_206 = arith.constant 0 : i32
    %sign3A_207 = arith.cmpi sgt, %jit3A_197, %sign3A_206 : i32
    %sign3A_208 = arith.extui %sign3A_207 : i1 to i32
    %sign3A_209 = arith.constant 0 : i32
    %sign3A_210 = arith.cmpi slt, %jit3A_197, %sign3A_209 : i32
    %sign3A_211 = arith.extui %sign3A_210 : i1 to i32
    %sign3A_212 = arith.subi %sign3A_208, %sign3A_211 : i32
    %ne3A_213 = arith.cmpi ne, %sign3A_205, %sign3A_212 : i32
    %rem3A_214 = arith.remsi %add3A_196, %jit3A_197 : i32
    %ne3A_215 = arith.constant 0 : i32
    %ne3A_216 = arith.cmpi ne, %rem3A_214, %ne3A_215 : i32
    %and3A_217 = arith.andi %ne3A_213, %ne3A_216 : i1
    %sub3A_218 = arith.constant 1 : i32
    %sub3A_219 = arith.subi %div3A_198, %sub3A_218 : i32
    %select_n3A_220 = arith.select %and3A_217, %sub3A_219, %div3A_198 : i32
    %mul3A_221 = arith.constant 48 : i32
    %mul3A_222 = arith.muli %select_n3A_220, %mul3A_221 : i32
    %sub3A_223 = arith.subi %add3A_196, %mul3A_222 : i32
    %mul3A_224 = arith.constant 2304 : i32
    %mul3A_225 = arith.muli %select_n3A_220, %mul3A_224 : i32
    %add3A_226 = arith.addi %mul3A_225, %sub3A_223 : i32
    %broadcast_in_dim3A_227 = vector.broadcast %add3A_226 : i32 to vector<16xi32>
    %add3A_228 = arith.constant 16 : i32
    %add3A_229 = vector.broadcast %add3A_228 : i32 to vector<16xi32>
    %add3A_230 = arith.addi %add3A_229, %iota3A : vector<16xi32>
    %mul3A_231 = arith.constant 48 : i32
    %mul3A_232 = vector.broadcast %mul3A_231 : i32 to vector<16xi32>
    %mul3A_233 = arith.muli %add3A_230, %mul3A_232 : vector<16xi32>
    %add3A_234 = arith.addi %broadcast_in_dim3A_227, %mul3A_233 : vector<16xi32>
    %swap3A_235 = arith.constant 0 : i32
    %swap3A_236 = arith.index_cast %swap3A_235 : i32 to index
    %swap3A_237 = arith.constant 64 : index
    %swap3A_238 = tpu.vector_load %arg5[%swap3A_236, %swap3A_237] {strides = array<i32>} : memref<3x96xi32, #tpu.memory_space<vmem>>, vector<1x16xi32>,
    %swap3A_239 = vector.shape_cast %swap3A_238 : vector<1x16xi32> to vector<16xi32>
    %swap3A_240 = vector.shape_cast %add3A_234 : vector<16xi32> to vector<1x16xi32>
    tpu.vector_store %arg5[%swap3A_236, %swap3A_237], %swap3A_240 {strides = array<i32>} : memref<3x96xi32, #tpu.memory_space<vmem>>, vector<1x16xi32>,
    %mul3A_241 = arith.constant 6 : i32
    %mul3A_242 = arith.muli %add3A, %mul3A_241 : i32
    %add3A_243 = arith.constant 0 : i32
    %add3A_244 = arith.addi %mul3A_242, %add3A_243 : i32
    %add3A_245 = arith.constant 1 : i32
    %add3A_246 = arith.addi %add3A_244, %add3A_245 : i32
    %jit3A_247 = arith.constant 48 : i32
    %div3A_248 = arith.divsi %add3A_246, %jit3A_247 : i32
    %sign3A_249 = arith.constant 0 : i32
    %sign3A_250 = arith.cmpi sgt, %add3A_246, %sign3A_249 : i32
    %sign3A_251 = arith.extui %sign3A_250 : i1 to i32
    %sign3A_252 = arith.constant 0 : i32
    %sign3A_253 = arith.cmpi slt, %add3A_246, %sign3A_252 : i32
    %sign3A_254 = arith.extui %sign3A_253 : i1 to i32
    %sign3A_255 = arith.subi %sign3A_251, %sign3A_254 : i32
    %sign3A_256 = arith.constant 0 : i32
    %sign3A_257 = arith.cmpi sgt, %jit3A_247, %sign3A_256 : i32
    %sign3A_258 = arith.extui %sign3A_257 : i1 to i32
    %sign3A_259 = arith.constant 0 : i32
    %sign3A_260 = arith.cmpi slt, %jit3A_247, %sign3A_259 : i32
    %sign3A_261 = arith.extui %sign3A_260 : i1 to i32
    %sign3A_262 = arith.subi %sign3A_258, %sign3A_261 : i32
    %ne3A_263 = arith.cmpi ne, %sign3A_255, %sign3A_262 : i32
    %rem3A_264 = arith.remsi %add3A_246, %jit3A_247 : i32
    %ne3A_265 = arith.constant 0 : i32
    %ne3A_266 = arith.cmpi ne, %rem3A_264, %ne3A_265 : i32
    %and3A_267 = arith.andi %ne3A_263, %ne3A_266 : i1
    %sub3A_268 = arith.constant 1 : i32
    %sub3A_269 = arith.subi %div3A_248, %sub3A_268 : i32
    %select_n3A_270 = arith.select %and3A_267, %sub3A_269, %div3A_248 : i32
    %mul3A_271 = arith.constant 48 : i32
    %mul3A_272 = arith.muli %select_n3A_270, %mul3A_271 : i32
    %sub3A_273 = arith.subi %add3A_246, %mul3A_272 : i32
    %mul3A_274 = arith.constant 2304 : i32
    %mul3A_275 = arith.muli %select_n3A_270, %mul3A_274 : i32
    %add3A_276 = arith.addi %mul3A_275, %sub3A_273 : i32
    %broadcast_in_dim3A_277 = vector.broadcast %add3A_276 : i32 to vector<16xi32>
    %add3A_278 = arith.constant 32 : i32
    %add3A_279 = vector.broadcast %add3A_278 : i32 to vector<16xi32>
    %add3A_280 = arith.addi %add3A_279, %iota3A : vector<16xi32>
    %mul3A_281 = arith.constant 48 : i32
    %mul3A_282 = vector.broadcast %mul3A_281 : i32 to vector<16xi32>
    %mul3A_283 = arith.muli %add3A_280, %mul3A_282 : vector<16xi32>
    %add3A_284 = arith.addi %broadcast_in_dim3A_277, %mul3A_283 : vector<16xi32>
    %swap3A_285 = arith.constant 0 : i32
    %swap3A_286 = arith.index_cast %swap3A_285 : i32 to index
    %swap3A_287 = arith.constant 80 : index
    %swap3A_288 = tpu.vector_load %arg5[%swap3A_286, %swap3A_287] {strides = array<i32>} : memref<3x96xi32, #tpu.memory_space<vmem>>, vector<1x16xi32>,
    %swap3A_289 = vector.shape_cast %swap3A_288 : vector<1x16xi32> to vector<16xi32>
    %swap3A_290 = vector.shape_cast %add3A_284 : vector<16xi32> to vector<1x16xi32>
    tpu.vector_store %arg5[%swap3A_286, %swap3A_287], %swap3A_290 {strides = array<i32>} : memref<3x96xi32, #tpu.memory_space<vmem>>, vector<1x16xi32>,
    %mul3A_291 = arith.constant 288 : i32
    %mul3A_292 = arith.muli %add3A, %mul3A_291 : i32
    %add3A_293 = arith.constant 0 : i32
    %add3A_294 = arith.addi %mul3A_292, %add3A_293 : i32
    "tpu.region"() ({
      %run_scoped3A_905 = tpu.sem_alloc : memref<!tpu.dma_semaphore, #tpu.memory_space<semaphore_mem>>
      %dma_start3A = arith.constant 0 : i32
      %dma_start3A_906 = tpu.memref_slice %arg2[%add3A_294, %dma_start3A] : memref<9216x640xf32, #tpu.memory_space<hbm>> -> memref<96x640xf32, #tpu.memory_space<hbm>>
      %dma_start3A_907 = arith.constant 0 : i32
      %dma_start3A_908 = tpu.memref_slice %arg2[%add3A_294, %dma_start3A_907] : memref<9216x640xf32, #tpu.memory_space<hbm>> -> memref<96x640xf32, #tpu.memory_space<hbm>>
      tpu.enqueue_dma source(%dma_start3A_908 : memref<96x640xf32, #tpu.memory_space<hbm>>) target(%arg4 : memref<96x640xf32, #tpu.memory_space<vmem>>) target_semaphore(%run_scoped3A_905 : memref<!tpu.dma_semaphore, #tpu.memory_space<semaphore_mem>>)
      %dma_wait3A = arith.constant 0 : i32
      %dma_wait3A_909 = tpu.memref_slice %arg2[%add3A_294, %dma_wait3A] : memref<9216x640xf32, #tpu.memory_space<hbm>> -> memref<96x640xf32, #tpu.memory_space<hbm>>
      %dma_wait3A_910 = arith.constant 0 : i32
      %dma_wait3A_911 = tpu.memref_slice %arg2[%add3A_294, %dma_wait3A_910] : memref<9216x640xf32, #tpu.memory_space<hbm>> -> memref<96x640xf32, #tpu.memory_space<hbm>>
      tpu.wait_dma2 semaphore(%run_scoped3A_905 : memref<!tpu.dma_semaphore, #tpu.memory_space<semaphore_mem>>) src(%dma_wait3A_911 : memref<96x640xf32, #tpu.memory_space<hbm>>) dst(%arg4 : memref<96x640xf32, #tpu.memory_space<vmem>>)
      tpu.yield
    }) : () -> ()
    %run_scoped3A = arith.constant 0 : i32
    "tpu.region"() ({
      %run_scoped3A_905 = tpu.sem_alloc : memref<!tpu.dma_semaphore, #tpu.memory_space<semaphore_mem>>
      %dma_start3A = arith.constant 0 : i32
      %dma_start3A_906 = tpu.memref_slice %arg5[%run_scoped3A, %dma_start3A] : memref<3x96xi32, #tpu.memory_space<vmem>> -> memref<1x96xi32, #tpu.memory_space<vmem>>
      %dma_start3A_907 = tpu.memref_squeeze %dma_start3A_906 : memref<1x96xi32, #tpu.memory_space<vmem>> -> memref<96xi32, #tpu.memory_space<vmem>>
      %dma_start3A_908 = arith.constant 0 : i32
      %dma_start3A_909 = arith.constant 0 : i32
      %dma_start3A_910 = tpu.memref_slice %arg3[%dma_start3A_908, %dma_start3A_909] : memref<9216x640xf32, #tpu.memory_space<hbm>> -> memref<9216x640xf32, #tpu.memory_space<hbm>>
      tpu.enqueue_indirect_dma source(%arg4 : memref<96x640xf32, #tpu.memory_space<vmem>>) target(%dma_start3A_910 : memref<9216x640xf32, #tpu.memory_space<hbm>>) offsets(%dma_start3A_907 : memref<96xi32, #tpu.memory_space<vmem>>) semaphore(%run_scoped3A_905 : memref<!tpu.dma_semaphore, #tpu.memory_space<semaphore_mem>>)
      %dma_wait3A = arith.constant 0 : i32
      %dma_wait3A_911 = tpu.memref_slice %arg5[%run_scoped3A, %dma_wait3A] : memref<3x96xi32, #tpu.memory_space<vmem>> -> memref<1x96xi32, #tpu.memory_space<vmem>>
      %dma_wait3A_912 = tpu.memref_squeeze %dma_wait3A_911 : memref<1x96xi32, #tpu.memory_space<vmem>> -> memref<96xi32, #tpu.memory_space<vmem>>
      %dma_wait3A_913 = arith.constant 0 : i32
      %dma_wait3A_914 = arith.constant 0 : i32
      %dma_wait3A_915 = tpu.memref_slice %arg3[%dma_wait3A_913, %dma_wait3A_914] : memref<9216x640xf32, #tpu.memory_space<hbm>> -> memref<9216x640xf32, #tpu.memory_space<hbm>>
      tpu.wait_indirect_dma semaphore(%run_scoped3A_905 : memref<!tpu.dma_semaphore, #tpu.memory_space<semaphore_mem>>) src(%arg4 : memref<96x640xf32, #tpu.memory_space<vmem>>) dst(%dma_wait3A_915 : memref<9216x640xf32, #tpu.memory_space<hbm>>)
      tpu.yield
    }) : () -> ()
    %mul3A_295 = arith.constant 6 : i32
    %mul3A_296 = arith.muli %add3A, %mul3A_295 : i32
    %add3A_297 = arith.constant 2 : i32
    %add3A_298 = arith.addi %mul3A_296, %add3A_297 : i32
    %add3A_299 = arith.constant 0 : i32
    %add3A_300 = arith.addi %add3A_298, %add3A_299 : i32
    %jit3A_301 = arith.constant 48 : i32
    %div3A_302 = arith.divsi %add3A_300, %jit3A_301 : i32
    %sign3A_303 = arith.constant 0 : i32
    %sign3A_304 = arith.cmpi sgt, %add3A_300, %sign3A_303 : i32
    %sign3A_305 = arith.extui %sign3A_304 : i1 to i32
    %sign3A_306 = arith.constant 0 : i32
    %sign3A_307 = arith.cmpi slt, %add3A_300, %sign3A_306 : i32
    %sign3A_308 = arith.extui %sign3A_307 : i1 to i32
    %sign3A_309 = arith.subi %sign3A_305, %sign3A_308 : i32
    %sign3A_310 = arith.constant 0 : i32
    %sign3A_311 = arith.cmpi sgt, %jit3A_301, %sign3A_310 : i32
    %sign3A_312 = arith.extui %sign3A_311 : i1 to i32
    %sign3A_313 = arith.constant 0 : i32
    %sign3A_314 = arith.cmpi slt, %jit3A_301, %sign3A_313 : i32
    %sign3A_315 = arith.extui %sign3A_314 : i1 to i32
    %sign3A_316 = arith.subi %sign3A_312, %sign3A_315 : i32
    %ne3A_317 = arith.cmpi ne, %sign3A_309, %sign3A_316 : i32
    %rem3A_318 = arith.remsi %add3A_300, %jit3A_301 : i32
    %ne3A_319 = arith.constant 0 : i32
    %ne3A_320 = arith.cmpi ne, %rem3A_318, %ne3A_319 : i32
    %and3A_321 = arith.andi %ne3A_317, %ne3A_320 : i1
    %sub3A_322 = arith.constant 1 : i32
    %sub3A_323 = arith.subi %div3A_302, %sub3A_322 : i32
    %select_n3A_324 = arith.select %and3A_321, %sub3A_323, %div3A_302 : i32
    %mul3A_325 = arith.constant 48 : i32
    %mul3A_326 = arith.muli %select_n3A_324, %mul3A_325 : i32
    %sub3A_327 = arith.subi %add3A_300, %mul3A_326 : i32
    %mul3A_328 = arith.constant 2304 : i32
    %mul3A_329 = arith.muli %select_n3A_324, %mul3A_328 : i32
    %add3A_330 = arith.addi %mul3A_329, %sub3A_327 : i32
    %broadcast_in_dim3A_331 = vector.broadcast %add3A_330 : i32 to vector<16xi32>
    %add3A_332 = arith.constant 0 : i32
    %add3A_333 = vector.broadcast %add3A_332 : i32 to vector<16xi32>
    %add3A_334 = arith.addi %add3A_333, %iota3A : vector<16xi32>
    %mul3A_335 = arith.constant 48 : i32
    %mul3A_336 = vector.broadcast %mul3A_335 : i32 to vector<16xi32>
    %mul3A_337 = arith.muli %add3A_334, %mul3A_336 : vector<16xi32>
    %add3A_338 = arith.addi %broadcast_in_dim3A_331, %mul3A_337 : vector<16xi32>
    %swap3A_339 = arith.constant 1 : i32
    %swap3A_340 = arith.index_cast %swap3A_339 : i32 to index
    %swap3A_341 = arith.constant 0 : index
    %swap3A_342 = tpu.vector_load %arg5[%swap3A_340, %swap3A_341] {strides = array<i32>} : memref<3x96xi32, #tpu.memory_space<vmem>>, vector<1x16xi32>,
    %swap3A_343 = vector.shape_cast %swap3A_342 : vector<1x16xi32> to vector<16xi32>
    %swap3A_344 = vector.shape_cast %add3A_338 : vector<16xi32> to vector<1x16xi32>
    tpu.vector_store %arg5[%swap3A_340, %swap3A_341], %swap3A_344 {strides = array<i32>} : memref<3x96xi32, #tpu.memory_space<vmem>>, vector<1x16xi32>,
    %mul3A_345 = arith.constant 6 : i32
    %mul3A_346 = arith.muli %add3A, %mul3A_345 : i32
    %add3A_347 = arith.constant 2 : i32
    %add3A_348 = arith.addi %mul3A_346, %add3A_347 : i32
    %add3A_349 = arith.constant 0 : i32
    %add3A_350 = arith.addi %add3A_348, %add3A_349 : i32
    %jit3A_351 = arith.constant 48 : i32
    %div3A_352 = arith.divsi %add3A_350, %jit3A_351 : i32
    %sign3A_353 = arith.constant 0 : i32
    %sign3A_354 = arith.cmpi sgt, %add3A_350, %sign3A_353 : i32
    %sign3A_355 = arith.extui %sign3A_354 : i1 to i32
    %sign3A_356 = arith.constant 0 : i32
    %sign3A_357 = arith.cmpi slt, %add3A_350, %sign3A_356 : i32
    %sign3A_358 = arith.extui %sign3A_357 : i1 to i32
    %sign3A_359 = arith.subi %sign3A_355, %sign3A_358 : i32
    %sign3A_360 = arith.constant 0 : i32
    %sign3A_361 = arith.cmpi sgt, %jit3A_351, %sign3A_360 : i32
    %sign3A_362 = arith.extui %sign3A_361 : i1 to i32
    %sign3A_363 = arith.constant 0 : i32
    %sign3A_364 = arith.cmpi slt, %jit3A_351, %sign3A_363 : i32
    %sign3A_365 = arith.extui %sign3A_364 : i1 to i32
    %sign3A_366 = arith.subi %sign3A_362, %sign3A_365 : i32
    %ne3A_367 = arith.cmpi ne, %sign3A_359, %sign3A_366 : i32
    %rem3A_368 = arith.remsi %add3A_350, %jit3A_351 : i32
    %ne3A_369 = arith.constant 0 : i32
    %ne3A_370 = arith.cmpi ne, %rem3A_368, %ne3A_369 : i32
    %and3A_371 = arith.andi %ne3A_367, %ne3A_370 : i1
    %sub3A_372 = arith.constant 1 : i32
    %sub3A_373 = arith.subi %div3A_352, %sub3A_372 : i32
    %select_n3A_374 = arith.select %and3A_371, %sub3A_373, %div3A_352 : i32
    %mul3A_375 = arith.constant 48 : i32
    %mul3A_376 = arith.muli %select_n3A_374, %mul3A_375 : i32
    %sub3A_377 = arith.subi %add3A_350, %mul3A_376 : i32
    %mul3A_378 = arith.constant 2304 : i32
    %mul3A_379 = arith.muli %select_n3A_374, %mul3A_378 : i32
    %add3A_380 = arith.addi %mul3A_379, %sub3A_377 : i32
    %broadcast_in_dim3A_381 = vector.broadcast %add3A_380 : i32 to vector<16xi32>
    %add3A_382 = arith.constant 16 : i32
    %add3A_383 = vector.broadcast %add3A_382 : i32 to vector<16xi32>
    %add3A_384 = arith.addi %add3A_383, %iota3A : vector<16xi32>
    %mul3A_385 = arith.constant 48 : i32
    %mul3A_386 = vector.broadcast %mul3A_385 : i32 to vector<16xi32>
    %mul3A_387 = arith.muli %add3A_384, %mul3A_386 : vector<16xi32>
    %add3A_388 = arith.addi %broadcast_in_dim3A_381, %mul3A_387 : vector<16xi32>
    %swap3A_389 = arith.constant 1 : i32
    %swap3A_390 = arith.index_cast %swap3A_389 : i32 to index
    %swap3A_391 = arith.constant 16 : index
    %swap3A_392 = tpu.vector_load %arg5[%swap3A_390, %swap3A_391] {strides = array<i32>} : memref<3x96xi32, #tpu.memory_space<vmem>>, vector<1x16xi32>,
    %swap3A_393 = vector.shape_cast %swap3A_392 : vector<1x16xi32> to vector<16xi32>
    %swap3A_394 = vector.shape_cast %add3A_388 : vector<16xi32> to vector<1x16xi32>
    tpu.vector_store %arg5[%swap3A_390, %swap3A_391], %swap3A_394 {strides = array<i32>} : memref<3x96xi32, #tpu.memory_space<vmem>>, vector<1x16xi32>,
    %mul3A_395 = arith.constant 6 : i32
    %mul3A_396 = arith.muli %add3A, %mul3A_395 : i32
    %add3A_397 = arith.constant 2 : i32
    %add3A_398 = arith.addi %mul3A_396, %add3A_397 : i32
    %add3A_399 = arith.constant 0 : i32
    %add3A_400 = arith.addi %add3A_398, %add3A_399 : i32
    %jit3A_401 = arith.constant 48 : i32
    %div3A_402 = arith.divsi %add3A_400, %jit3A_401 : i32
    %sign3A_403 = arith.constant 0 : i32
    %sign3A_404 = arith.cmpi sgt, %add3A_400, %sign3A_403 : i32
    %sign3A_405 = arith.extui %sign3A_404 : i1 to i32
    %sign3A_406 = arith.constant 0 : i32
    %sign3A_407 = arith.cmpi slt, %add3A_400, %sign3A_406 : i32
    %sign3A_408 = arith.extui %sign3A_407 : i1 to i32
    %sign3A_409 = arith.subi %sign3A_405, %sign3A_408 : i32
    %sign3A_410 = arith.constant 0 : i32
    %sign3A_411 = arith.cmpi sgt, %jit3A_401, %sign3A_410 : i32
    %sign3A_412 = arith.extui %sign3A_411 : i1 to i32
    %sign3A_413 = arith.constant 0 : i32
    %sign3A_414 = arith.cmpi slt, %jit3A_401, %sign3A_413 : i32
    %sign3A_415 = arith.extui %sign3A_414 : i1 to i32
    %sign3A_416 = arith.subi %sign3A_412, %sign3A_415 : i32
    %ne3A_417 = arith.cmpi ne, %sign3A_409, %sign3A_416 : i32
    %rem3A_418 = arith.remsi %add3A_400, %jit3A_401 : i32
    %ne3A_419 = arith.constant 0 : i32
    %ne3A_420 = arith.cmpi ne, %rem3A_418, %ne3A_419 : i32
    %and3A_421 = arith.andi %ne3A_417, %ne3A_420 : i1
    %sub3A_422 = arith.constant 1 : i32
    %sub3A_423 = arith.subi %div3A_402, %sub3A_422 : i32
    %select_n3A_424 = arith.select %and3A_421, %sub3A_423, %div3A_402 : i32
    %mul3A_425 = arith.constant 48 : i32
    %mul3A_426 = arith.muli %select_n3A_424, %mul3A_425 : i32
    %sub3A_427 = arith.subi %add3A_400, %mul3A_426 : i32
    %mul3A_428 = arith.constant 2304 : i32
    %mul3A_429 = arith.muli %select_n3A_424, %mul3A_428 : i32
    %add3A_430 = arith.addi %mul3A_429, %sub3A_427 : i32
    %broadcast_in_dim3A_431 = vector.broadcast %add3A_430 : i32 to vector<16xi32>
    %add3A_432 = arith.constant 32 : i32
    %add3A_433 = vector.broadcast %add3A_432 : i32 to vector<16xi32>
    %add3A_434 = arith.addi %add3A_433, %iota3A : vector<16xi32>
    %mul3A_435 = arith.constant 48 : i32
    %mul3A_436 = vector.broadcast %mul3A_435 : i32 to vector<16xi32>
    %mul3A_437 = arith.muli %add3A_434, %mul3A_436 : vector<16xi32>
    %add3A_438 = arith.addi %broadcast_in_dim3A_431, %mul3A_437 : vector<16xi32>
    %swap3A_439 = arith.constant 1 : i32
    %swap3A_440 = arith.index_cast %swap3A_439 : i32 to index
    %swap3A_441 = arith.constant 32 : index
    %swap3A_442 = tpu.vector_load %arg5[%swap3A_440, %swap3A_441] {strides = array<i32>} : memref<3x96xi32, #tpu.memory_space<vmem>>, vector<1x16xi32>,
    %swap3A_443 = vector.shape_cast %swap3A_442 : vector<1x16xi32> to vector<16xi32>
    %swap3A_444 = vector.shape_cast %add3A_438 : vector<16xi32> to vector<1x16xi32>
    tpu.vector_store %arg5[%swap3A_440, %swap3A_441], %swap3A_444 {strides = array<i32>} : memref<3x96xi32, #tpu.memory_space<vmem>>, vector<1x16xi32>,
    %mul3A_445 = arith.constant 6 : i32
    %mul3A_446 = arith.muli %add3A, %mul3A_445 : i32
    %add3A_447 = arith.constant 2 : i32
    %add3A_448 = arith.addi %mul3A_446, %add3A_447 : i32
    %add3A_449 = arith.constant 1 : i32
    %add3A_450 = arith.addi %add3A_448, %add3A_449 : i32
    %jit3A_451 = arith.constant 48 : i32
    %div3A_452 = arith.divsi %add3A_450, %jit3A_451 : i32
    %sign3A_453 = arith.constant 0 : i32
    %sign3A_454 = arith.cmpi sgt, %add3A_450, %sign3A_453 : i32
    %sign3A_455 = arith.extui %sign3A_454 : i1 to i32
    %sign3A_456 = arith.constant 0 : i32
    %sign3A_457 = arith.cmpi slt, %add3A_450, %sign3A_456 : i32
    %sign3A_458 = arith.extui %sign3A_457 : i1 to i32
    %sign3A_459 = arith.subi %sign3A_455, %sign3A_458 : i32
    %sign3A_460 = arith.constant 0 : i32
    %sign3A_461 = arith.cmpi sgt, %jit3A_451, %sign3A_460 : i32
    %sign3A_462 = arith.extui %sign3A_461 : i1 to i32
    %sign3A_463 = arith.constant 0 : i32
    %sign3A_464 = arith.cmpi slt, %jit3A_451, %sign3A_463 : i32
    %sign3A_465 = arith.extui %sign3A_464 : i1 to i32
    %sign3A_466 = arith.subi %sign3A_462, %sign3A_465 : i32
    %ne3A_467 = arith.cmpi ne, %sign3A_459, %sign3A_466 : i32
    %rem3A_468 = arith.remsi %add3A_450, %jit3A_451 : i32
    %ne3A_469 = arith.constant 0 : i32
    %ne3A_470 = arith.cmpi ne, %rem3A_468, %ne3A_469 : i32
    %and3A_471 = arith.andi %ne3A_467, %ne3A_470 : i1
    %sub3A_472 = arith.constant 1 : i32
    %sub3A_473 = arith.subi %div3A_452, %sub3A_472 : i32
    %select_n3A_474 = arith.select %and3A_471, %sub3A_473, %div3A_452 : i32
    %mul3A_475 = arith.constant 48 : i32
    %mul3A_476 = arith.muli %select_n3A_474, %mul3A_475 : i32
    %sub3A_477 = arith.subi %add3A_450, %mul3A_476 : i32
    %mul3A_478 = arith.constant 2304 : i32
    %mul3A_479 = arith.muli %select_n3A_474, %mul3A_478 : i32
    %add3A_480 = arith.addi %mul3A_479, %sub3A_477 : i32
    %broadcast_in_dim3A_481 = vector.broadcast %add3A_480 : i32 to vector<16xi32>
    %add3A_482 = arith.constant 0 : i32
    %add3A_483 = vector.broadcast %add3A_482 : i32 to vector<16xi32>
    %add3A_484 = arith.addi %add3A_483, %iota3A : vector<16xi32>
    %mul3A_485 = arith.constant 48 : i32
    %mul3A_486 = vector.broadcast %mul3A_485 : i32 to vector<16xi32>
    %mul3A_487 = arith.muli %add3A_484, %mul3A_486 : vector<16xi32>
    %add3A_488 = arith.addi %broadcast_in_dim3A_481, %mul3A_487 : vector<16xi32>
    %swap3A_489 = arith.constant 1 : i32
    %swap3A_490 = arith.index_cast %swap3A_489 : i32 to index
    %swap3A_491 = arith.constant 48 : index
    %swap3A_492 = tpu.vector_load %arg5[%swap3A_490, %swap3A_491] {strides = array<i32>} : memref<3x96xi32, #tpu.memory_space<vmem>>, vector<1x16xi32>,
    %swap3A_493 = vector.shape_cast %swap3A_492 : vector<1x16xi32> to vector<16xi32>
    %swap3A_494 = vector.shape_cast %add3A_488 : vector<16xi32> to vector<1x16xi32>
    tpu.vector_store %arg5[%swap3A_490, %swap3A_491], %swap3A_494 {strides = array<i32>} : memref<3x96xi32, #tpu.memory_space<vmem>>, vector<1x16xi32>,
    %mul3A_495 = arith.constant 6 : i32
    %mul3A_496 = arith.muli %add3A, %mul3A_495 : i32
    %add3A_497 = arith.constant 2 : i32
    %add3A_498 = arith.addi %mul3A_496, %add3A_497 : i32
    %add3A_499 = arith.constant 1 : i32
    %add3A_500 = arith.addi %add3A_498, %add3A_499 : i32
    %jit3A_501 = arith.constant 48 : i32
    %div3A_502 = arith.divsi %add3A_500, %jit3A_501 : i32
    %sign3A_503 = arith.constant 0 : i32
    %sign3A_504 = arith.cmpi sgt, %add3A_500, %sign3A_503 : i32
    %sign3A_505 = arith.extui %sign3A_504 : i1 to i32
    %sign3A_506 = arith.constant 0 : i32
    %sign3A_507 = arith.cmpi slt, %add3A_500, %sign3A_506 : i32
    %sign3A_508 = arith.extui %sign3A_507 : i1 to i32
    %sign3A_509 = arith.subi %sign3A_505, %sign3A_508 : i32
    %sign3A_510 = arith.constant 0 : i32
    %sign3A_511 = arith.cmpi sgt, %jit3A_501, %sign3A_510 : i32
    %sign3A_512 = arith.extui %sign3A_511 : i1 to i32
    %sign3A_513 = arith.constant 0 : i32
    %sign3A_514 = arith.cmpi slt, %jit3A_501, %sign3A_513 : i32
    %sign3A_515 = arith.extui %sign3A_514 : i1 to i32
    %sign3A_516 = arith.subi %sign3A_512, %sign3A_515 : i32
    %ne3A_517 = arith.cmpi ne, %sign3A_509, %sign3A_516 : i32
    %rem3A_518 = arith.remsi %add3A_500, %jit3A_501 : i32
    %ne3A_519 = arith.constant 0 : i32
    %ne3A_520 = arith.cmpi ne, %rem3A_518, %ne3A_519 : i32
    %and3A_521 = arith.andi %ne3A_517, %ne3A_520 : i1
    %sub3A_522 = arith.constant 1 : i32
    %sub3A_523 = arith.subi %div3A_502, %sub3A_522 : i32
    %select_n3A_524 = arith.select %and3A_521, %sub3A_523, %div3A_502 : i32
    %mul3A_525 = arith.constant 48 : i32
    %mul3A_526 = arith.muli %select_n3A_524, %mul3A_525 : i32
    %sub3A_527 = arith.subi %add3A_500, %mul3A_526 : i32
    %mul3A_528 = arith.constant 2304 : i32
    %mul3A_529 = arith.muli %select_n3A_524, %mul3A_528 : i32
    %add3A_530 = arith.addi %mul3A_529, %sub3A_527 : i32
    %broadcast_in_dim3A_531 = vector.broadcast %add3A_530 : i32 to vector<16xi32>
    %add3A_532 = arith.constant 16 : i32
    %add3A_533 = vector.broadcast %add3A_532 : i32 to vector<16xi32>
    %add3A_534 = arith.addi %add3A_533, %iota3A : vector<16xi32>
    %mul3A_535 = arith.constant 48 : i32
    %mul3A_536 = vector.broadcast %mul3A_535 : i32 to vector<16xi32>
    %mul3A_537 = arith.muli %add3A_534, %mul3A_536 : vector<16xi32>
    %add3A_538 = arith.addi %broadcast_in_dim3A_531, %mul3A_537 : vector<16xi32>
    %swap3A_539 = arith.constant 1 : i32
    %swap3A_540 = arith.index_cast %swap3A_539 : i32 to index
    %swap3A_541 = arith.constant 64 : index
    %swap3A_542 = tpu.vector_load %arg5[%swap3A_540, %swap3A_541] {strides = array<i32>} : memref<3x96xi32, #tpu.memory_space<vmem>>, vector<1x16xi32>,
    %swap3A_543 = vector.shape_cast %swap3A_542 : vector<1x16xi32> to vector<16xi32>
    %swap3A_544 = vector.shape_cast %add3A_538 : vector<16xi32> to vector<1x16xi32>
    tpu.vector_store %arg5[%swap3A_540, %swap3A_541], %swap3A_544 {strides = array<i32>} : memref<3x96xi32, #tpu.memory_space<vmem>>, vector<1x16xi32>,
    %mul3A_545 = arith.constant 6 : i32
    %mul3A_546 = arith.muli %add3A, %mul3A_545 : i32
    %add3A_547 = arith.constant 2 : i32
    %add3A_548 = arith.addi %mul3A_546, %add3A_547 : i32
    %add3A_549 = arith.constant 1 : i32
    %add3A_550 = arith.addi %add3A_548, %add3A_549 : i32
    %jit3A_551 = arith.constant 48 : i32
    %div3A_552 = arith.divsi %add3A_550, %jit3A_551 : i32
    %sign3A_553 = arith.constant 0 : i32
    %sign3A_554 = arith.cmpi sgt, %add3A_550, %sign3A_553 : i32
    %sign3A_555 = arith.extui %sign3A_554 : i1 to i32
    %sign3A_556 = arith.constant 0 : i32
    %sign3A_557 = arith.cmpi slt, %add3A_550, %sign3A_556 : i32
    %sign3A_558 = arith.extui %sign3A_557 : i1 to i32
    %sign3A_559 = arith.subi %sign3A_555, %sign3A_558 : i32
    %sign3A_560 = arith.constant 0 : i32
    %sign3A_561 = arith.cmpi sgt, %jit3A_551, %sign3A_560 : i32
    %sign3A_562 = arith.extui %sign3A_561 : i1 to i32
    %sign3A_563 = arith.constant 0 : i32
    %sign3A_564 = arith.cmpi slt, %jit3A_551, %sign3A_563 : i32
    %sign3A_565 = arith.extui %sign3A_564 : i1 to i32
    %sign3A_566 = arith.subi %sign3A_562, %sign3A_565 : i32
    %ne3A_567 = arith.cmpi ne, %sign3A_559, %sign3A_566 : i32
    %rem3A_568 = arith.remsi %add3A_550, %jit3A_551 : i32
    %ne3A_569 = arith.constant 0 : i32
    %ne3A_570 = arith.cmpi ne, %rem3A_568, %ne3A_569 : i32
    %and3A_571 = arith.andi %ne3A_567, %ne3A_570 : i1
    %sub3A_572 = arith.constant 1 : i32
    %sub3A_573 = arith.subi %div3A_552, %sub3A_572 : i32
    %select_n3A_574 = arith.select %and3A_571, %sub3A_573, %div3A_552 : i32
    %mul3A_575 = arith.constant 48 : i32
    %mul3A_576 = arith.muli %select_n3A_574, %mul3A_575 : i32
    %sub3A_577 = arith.subi %add3A_550, %mul3A_576 : i32
    %mul3A_578 = arith.constant 2304 : i32
    %mul3A_579 = arith.muli %select_n3A_574, %mul3A_578 : i32
    %add3A_580 = arith.addi %mul3A_579, %sub3A_577 : i32
    %broadcast_in_dim3A_581 = vector.broadcast %add3A_580 : i32 to vector<16xi32>
    %add3A_582 = arith.constant 32 : i32
    %add3A_583 = vector.broadcast %add3A_582 : i32 to vector<16xi32>
    %add3A_584 = arith.addi %add3A_583, %iota3A : vector<16xi32>
    %mul3A_585 = arith.constant 48 : i32
    %mul3A_586 = vector.broadcast %mul3A_585 : i32 to vector<16xi32>
    %mul3A_587 = arith.muli %add3A_584, %mul3A_586 : vector<16xi32>
    %add3A_588 = arith.addi %broadcast_in_dim3A_581, %mul3A_587 : vector<16xi32>
    %swap3A_589 = arith.constant 1 : i32
    %swap3A_590 = arith.index_cast %swap3A_589 : i32 to index
    %swap3A_591 = arith.constant 80 : index
    %swap3A_592 = tpu.vector_load %arg5[%swap3A_590, %swap3A_591] {strides = array<i32>} : memref<3x96xi32, #tpu.memory_space<vmem>>, vector<1x16xi32>,
    %swap3A_593 = vector.shape_cast %swap3A_592 : vector<1x16xi32> to vector<16xi32>
    %swap3A_594 = vector.shape_cast %add3A_588 : vector<16xi32> to vector<1x16xi32>
    tpu.vector_store %arg5[%swap3A_590, %swap3A_591], %swap3A_594 {strides = array<i32>} : memref<3x96xi32, #tpu.memory_space<vmem>>, vector<1x16xi32>,
    %mul3A_595 = arith.constant 288 : i32
    %mul3A_596 = arith.muli %add3A, %mul3A_595 : i32
    %add3A_597 = arith.constant 96 : i32
    %add3A_598 = arith.addi %mul3A_596, %add3A_597 : i32
    "tpu.region"() ({
      %run_scoped3A_905 = tpu.sem_alloc : memref<!tpu.dma_semaphore, #tpu.memory_space<semaphore_mem>>
      %dma_start3A = arith.constant 0 : i32
      %dma_start3A_906 = tpu.memref_slice %arg2[%add3A_598, %dma_start3A] : memref<9216x640xf32, #tpu.memory_space<hbm>> -> memref<96x640xf32, #tpu.memory_space<hbm>>
      %dma_start3A_907 = arith.constant 0 : i32
      %dma_start3A_908 = tpu.memref_slice %arg2[%add3A_598, %dma_start3A_907] : memref<9216x640xf32, #tpu.memory_space<hbm>> -> memref<96x640xf32, #tpu.memory_space<hbm>>
      tpu.enqueue_dma source(%dma_start3A_908 : memref<96x640xf32, #tpu.memory_space<hbm>>) target(%arg4 : memref<96x640xf32, #tpu.memory_space<vmem>>) target_semaphore(%run_scoped3A_905 : memref<!tpu.dma_semaphore, #tpu.memory_space<semaphore_mem>>)
      %dma_wait3A = arith.constant 0 : i32
      %dma_wait3A_909 = tpu.memref_slice %arg2[%add3A_598, %dma_wait3A] : memref<9216x640xf32, #tpu.memory_space<hbm>> -> memref<96x640xf32, #tpu.memory_space<hbm>>
      %dma_wait3A_910 = arith.constant 0 : i32
      %dma_wait3A_911 = tpu.memref_slice %arg2[%add3A_598, %dma_wait3A_910] : memref<9216x640xf32, #tpu.memory_space<hbm>> -> memref<96x640xf32, #tpu.memory_space<hbm>>
      tpu.wait_dma2 semaphore(%run_scoped3A_905 : memref<!tpu.dma_semaphore, #tpu.memory_space<semaphore_mem>>) src(%dma_wait3A_911 : memref<96x640xf32, #tpu.memory_space<hbm>>) dst(%arg4 : memref<96x640xf32, #tpu.memory_space<vmem>>)
      tpu.yield
    }) : () -> ()
    %run_scoped3A_599 = arith.constant 1 : i32
    "tpu.region"() ({
      %run_scoped3A_905 = tpu.sem_alloc : memref<!tpu.dma_semaphore, #tpu.memory_space<semaphore_mem>>
      %dma_start3A = arith.constant 0 : i32
      %dma_start3A_906 = tpu.memref_slice %arg5[%run_scoped3A_599, %dma_start3A] : memref<3x96xi32, #tpu.memory_space<vmem>> -> memref<1x96xi32, #tpu.memory_space<vmem>>
      %dma_start3A_907 = tpu.memref_squeeze %dma_start3A_906 : memref<1x96xi32, #tpu.memory_space<vmem>> -> memref<96xi32, #tpu.memory_space<vmem>>
      %dma_start3A_908 = arith.constant 0 : i32
      %dma_start3A_909 = arith.constant 0 : i32
      %dma_start3A_910 = tpu.memref_slice %arg3[%dma_start3A_908, %dma_start3A_909] : memref<9216x640xf32, #tpu.memory_space<hbm>> -> memref<9216x640xf32, #tpu.memory_space<hbm>>
      tpu.enqueue_indirect_dma source(%arg4 : memref<96x640xf32, #tpu.memory_space<vmem>>) target(%dma_start3A_910 : memref<9216x640xf32, #tpu.memory_space<hbm>>) offsets(%dma_start3A_907 : memref<96xi32, #tpu.memory_space<vmem>>) semaphore(%run_scoped3A_905 : memref<!tpu.dma_semaphore, #tpu.memory_space<semaphore_mem>>)
      %dma_wait3A = arith.constant 0 : i32
      %dma_wait3A_911 = tpu.memref_slice %arg5[%run_scoped3A_599, %dma_wait3A] : memref<3x96xi32, #tpu.memory_space<vmem>> -> memref<1x96xi32, #tpu.memory_space<vmem>>
      %dma_wait3A_912 = tpu.memref_squeeze %dma_wait3A_911 : memref<1x96xi32, #tpu.memory_space<vmem>> -> memref<96xi32, #tpu.memory_space<vmem>>
      %dma_wait3A_913 = arith.constant 0 : i32
      %dma_wait3A_914 = arith.constant 0 : i32
      %dma_wait3A_915 = tpu.memref_slice %arg3[%dma_wait3A_913, %dma_wait3A_914] : memref<9216x640xf32, #tpu.memory_space<hbm>> -> memref<9216x640xf32, #tpu.memory_space<hbm>>
      tpu.wait_indirect_dma semaphore(%run_scoped3A_905 : memref<!tpu.dma_semaphore, #tpu.memory_space<semaphore_mem>>) src(%arg4 : memref<96x640xf32, #tpu.memory_space<vmem>>) dst(%dma_wait3A_915 : memref<9216x640xf32, #tpu.memory_space<hbm>>)
      tpu.yield
    }) : () -> ()
    %mul3A_600 = arith.constant 6 : i32
    %mul3A_601 = arith.muli %add3A, %mul3A_600 : i32
    %add3A_602 = arith.constant 4 : i32
    %add3A_603 = arith.addi %mul3A_601, %add3A_602 : i32
    %add3A_604 = arith.constant 0 : i32
    %add3A_605 = arith.addi %add3A_603, %add3A_604 : i32
    %jit3A_606 = arith.constant 48 : i32
    %div3A_607 = arith.divsi %add3A_605, %jit3A_606 : i32
    %sign3A_608 = arith.constant 0 : i32
    %sign3A_609 = arith.cmpi sgt, %add3A_605, %sign3A_608 : i32
    %sign3A_610 = arith.extui %sign3A_609 : i1 to i32
    %sign3A_611 = arith.constant 0 : i32
    %sign3A_612 = arith.cmpi slt, %add3A_605, %sign3A_611 : i32
    %sign3A_613 = arith.extui %sign3A_612 : i1 to i32
    %sign3A_614 = arith.subi %sign3A_610, %sign3A_613 : i32
    %sign3A_615 = arith.constant 0 : i32
    %sign3A_616 = arith.cmpi sgt, %jit3A_606, %sign3A_615 : i32
    %sign3A_617 = arith.extui %sign3A_616 : i1 to i32
    %sign3A_618 = arith.constant 0 : i32
    %sign3A_619 = arith.cmpi slt, %jit3A_606, %sign3A_618 : i32
    %sign3A_620 = arith.extui %sign3A_619 : i1 to i32
    %sign3A_621 = arith.subi %sign3A_617, %sign3A_620 : i32
    %ne3A_622 = arith.cmpi ne, %sign3A_614, %sign3A_621 : i32
    %rem3A_623 = arith.remsi %add3A_605, %jit3A_606 : i32
    %ne3A_624 = arith.constant 0 : i32
    %ne3A_625 = arith.cmpi ne, %rem3A_623, %ne3A_624 : i32
    %and3A_626 = arith.andi %ne3A_622, %ne3A_625 : i1
    %sub3A_627 = arith.constant 1 : i32
    %sub3A_628 = arith.subi %div3A_607, %sub3A_627 : i32
    %select_n3A_629 = arith.select %and3A_626, %sub3A_628, %div3A_607 : i32
    %mul3A_630 = arith.constant 48 : i32
    %mul3A_631 = arith.muli %select_n3A_629, %mul3A_630 : i32
    %sub3A_632 = arith.subi %add3A_605, %mul3A_631 : i32
    %mul3A_633 = arith.constant 2304 : i32
    %mul3A_634 = arith.muli %select_n3A_629, %mul3A_633 : i32
    %add3A_635 = arith.addi %mul3A_634, %sub3A_632 : i32
    %broadcast_in_dim3A_636 = vector.broadcast %add3A_635 : i32 to vector<16xi32>
    %add3A_637 = arith.constant 0 : i32
    %add3A_638 = vector.broadcast %add3A_637 : i32 to vector<16xi32>
    %add3A_639 = arith.addi %add3A_638, %iota3A : vector<16xi32>
    %mul3A_640 = arith.constant 48 : i32
    %mul3A_641 = vector.broadcast %mul3A_640 : i32 to vector<16xi32>
    %mul3A_642 = arith.muli %add3A_639, %mul3A_641 : vector<16xi32>
    %add3A_643 = arith.addi %broadcast_in_dim3A_636, %mul3A_642 : vector<16xi32>
    %swap3A_644 = arith.constant 2 : i32
    %swap3A_645 = arith.index_cast %swap3A_644 : i32 to index
    %swap3A_646 = arith.constant 0 : index
    %swap3A_647 = tpu.vector_load %arg5[%swap3A_645, %swap3A_646] {strides = array<i32>} : memref<3x96xi32, #tpu.memory_space<vmem>>, vector<1x16xi32>,
    %swap3A_648 = vector.shape_cast %swap3A_647 : vector<1x16xi32> to vector<16xi32>
    %swap3A_649 = vector.shape_cast %add3A_643 : vector<16xi32> to vector<1x16xi32>
    tpu.vector_store %arg5[%swap3A_645, %swap3A_646], %swap3A_649 {strides = array<i32>} : memref<3x96xi32, #tpu.memory_space<vmem>>, vector<1x16xi32>,
    %mul3A_650 = arith.constant 6 : i32
    %mul3A_651 = arith.muli %add3A, %mul3A_650 : i32
    %add3A_652 = arith.constant 4 : i32
    %add3A_653 = arith.addi %mul3A_651, %add3A_652 : i32
    %add3A_654 = arith.constant 0 : i32
    %add3A_655 = arith.addi %add3A_653, %add3A_654 : i32
    %jit3A_656 = arith.constant 48 : i32
    %div3A_657 = arith.divsi %add3A_655, %jit3A_656 : i32
    %sign3A_658 = arith.constant 0 : i32
    %sign3A_659 = arith.cmpi sgt, %add3A_655, %sign3A_658 : i32
    %sign3A_660 = arith.extui %sign3A_659 : i1 to i32
    %sign3A_661 = arith.constant 0 : i32
    %sign3A_662 = arith.cmpi slt, %add3A_655, %sign3A_661 : i32
    %sign3A_663 = arith.extui %sign3A_662 : i1 to i32
    %sign3A_664 = arith.subi %sign3A_660, %sign3A_663 : i32
    %sign3A_665 = arith.constant 0 : i32
    %sign3A_666 = arith.cmpi sgt, %jit3A_656, %sign3A_665 : i32
    %sign3A_667 = arith.extui %sign3A_666 : i1 to i32
    %sign3A_668 = arith.constant 0 : i32
    %sign3A_669 = arith.cmpi slt, %jit3A_656, %sign3A_668 : i32
    %sign3A_670 = arith.extui %sign3A_669 : i1 to i32
    %sign3A_671 = arith.subi %sign3A_667, %sign3A_670 : i32
    %ne3A_672 = arith.cmpi ne, %sign3A_664, %sign3A_671 : i32
    %rem3A_673 = arith.remsi %add3A_655, %jit3A_656 : i32
    %ne3A_674 = arith.constant 0 : i32
    %ne3A_675 = arith.cmpi ne, %rem3A_673, %ne3A_674 : i32
    %and3A_676 = arith.andi %ne3A_672, %ne3A_675 : i1
    %sub3A_677 = arith.constant 1 : i32
    %sub3A_678 = arith.subi %div3A_657, %sub3A_677 : i32
    %select_n3A_679 = arith.select %and3A_676, %sub3A_678, %div3A_657 : i32
    %mul3A_680 = arith.constant 48 : i32
    %mul3A_681 = arith.muli %select_n3A_679, %mul3A_680 : i32
    %sub3A_682 = arith.subi %add3A_655, %mul3A_681 : i32
    %mul3A_683 = arith.constant 2304 : i32
    %mul3A_684 = arith.muli %select_n3A_679, %mul3A_683 : i32
    %add3A_685 = arith.addi %mul3A_684, %sub3A_682 : i32
    %broadcast_in_dim3A_686 = vector.broadcast %add3A_685 : i32 to vector<16xi32>
    %add3A_687 = arith.constant 16 : i32
    %add3A_688 = vector.broadcast %add3A_687 : i32 to vector<16xi32>
    %add3A_689 = arith.addi %add3A_688, %iota3A : vector<16xi32>
    %mul3A_690 = arith.constant 48 : i32
    %mul3A_691 = vector.broadcast %mul3A_690 : i32 to vector<16xi32>
    %mul3A_692 = arith.muli %add3A_689, %mul3A_691 : vector<16xi32>
    %add3A_693 = arith.addi %broadcast_in_dim3A_686, %mul3A_692 : vector<16xi32>
    %swap3A_694 = arith.constant 2 : i32
    %swap3A_695 = arith.index_cast %swap3A_694 : i32 to index
    %swap3A_696 = arith.constant 16 : index
    %swap3A_697 = tpu.vector_load %arg5[%swap3A_695, %swap3A_696] {strides = array<i32>} : memref<3x96xi32, #tpu.memory_space<vmem>>, vector<1x16xi32>,
    %swap3A_698 = vector.shape_cast %swap3A_697 : vector<1x16xi32> to vector<16xi32>
    %swap3A_699 = vector.shape_cast %add3A_693 : vector<16xi32> to vector<1x16xi32>
    tpu.vector_store %arg5[%swap3A_695, %swap3A_696], %swap3A_699 {strides = array<i32>} : memref<3x96xi32, #tpu.memory_space<vmem>>, vector<1x16xi32>,
    %mul3A_700 = arith.constant 6 : i32
    %mul3A_701 = arith.muli %add3A, %mul3A_700 : i32
    %add3A_702 = arith.constant 4 : i32
    %add3A_703 = arith.addi %mul3A_701, %add3A_702 : i32
    %add3A_704 = arith.constant 0 : i32
    %add3A_705 = arith.addi %add3A_703, %add3A_704 : i32
    %jit3A_706 = arith.constant 48 : i32
    %div3A_707 = arith.divsi %add3A_705, %jit3A_706 : i32
    %sign3A_708 = arith.constant 0 : i32
    %sign3A_709 = arith.cmpi sgt, %add3A_705, %sign3A_708 : i32
    %sign3A_710 = arith.extui %sign3A_709 : i1 to i32
    %sign3A_711 = arith.constant 0 : i32
    %sign3A_712 = arith.cmpi slt, %add3A_705, %sign3A_711 : i32
    %sign3A_713 = arith.extui %sign3A_712 : i1 to i32
    %sign3A_714 = arith.subi %sign3A_710, %sign3A_713 : i32
    %sign3A_715 = arith.constant 0 : i32
    %sign3A_716 = arith.cmpi sgt, %jit3A_706, %sign3A_715 : i32
    %sign3A_717 = arith.extui %sign3A_716 : i1 to i32
    %sign3A_718 = arith.constant 0 : i32
    %sign3A_719 = arith.cmpi slt, %jit3A_706, %sign3A_718 : i32
    %sign3A_720 = arith.extui %sign3A_719 : i1 to i32
    %sign3A_721 = arith.subi %sign3A_717, %sign3A_720 : i32
    %ne3A_722 = arith.cmpi ne, %sign3A_714, %sign3A_721 : i32
    %rem3A_723 = arith.remsi %add3A_705, %jit3A_706 : i32
    %ne3A_724 = arith.constant 0 : i32
    %ne3A_725 = arith.cmpi ne, %rem3A_723, %ne3A_724 : i32
    %and3A_726 = arith.andi %ne3A_722, %ne3A_725 : i1
    %sub3A_727 = arith.constant 1 : i32
    %sub3A_728 = arith.subi %div3A_707, %sub3A_727 : i32
    %select_n3A_729 = arith.select %and3A_726, %sub3A_728, %div3A_707 : i32
    %mul3A_730 = arith.constant 48 : i32
    %mul3A_731 = arith.muli %select_n3A_729, %mul3A_730 : i32
    %sub3A_732 = arith.subi %add3A_705, %mul3A_731 : i32
    %mul3A_733 = arith.constant 2304 : i32
    %mul3A_734 = arith.muli %select_n3A_729, %mul3A_733 : i32
    %add3A_735 = arith.addi %mul3A_734, %sub3A_732 : i32
    %broadcast_in_dim3A_736 = vector.broadcast %add3A_735 : i32 to vector<16xi32>
    %add3A_737 = arith.constant 32 : i32
    %add3A_738 = vector.broadcast %add3A_737 : i32 to vector<16xi32>
    %add3A_739 = arith.addi %add3A_738, %iota3A : vector<16xi32>
    %mul3A_740 = arith.constant 48 : i32
    %mul3A_741 = vector.broadcast %mul3A_740 : i32 to vector<16xi32>
    %mul3A_742 = arith.muli %add3A_739, %mul3A_741 : vector<16xi32>
    %add3A_743 = arith.addi %broadcast_in_dim3A_736, %mul3A_742 : vector<16xi32>
    %swap3A_744 = arith.constant 2 : i32
    %swap3A_745 = arith.index_cast %swap3A_744 : i32 to index
    %swap3A_746 = arith.constant 32 : index
    %swap3A_747 = tpu.vector_load %arg5[%swap3A_745, %swap3A_746] {strides = array<i32>} : memref<3x96xi32, #tpu.memory_space<vmem>>, vector<1x16xi32>,
    %swap3A_748 = vector.shape_cast %swap3A_747 : vector<1x16xi32> to vector<16xi32>
    %swap3A_749 = vector.shape_cast %add3A_743 : vector<16xi32> to vector<1x16xi32>
    tpu.vector_store %arg5[%swap3A_745, %swap3A_746], %swap3A_749 {strides = array<i32>} : memref<3x96xi32, #tpu.memory_space<vmem>>, vector<1x16xi32>,
    %mul3A_750 = arith.constant 6 : i32
    %mul3A_751 = arith.muli %add3A, %mul3A_750 : i32
    %add3A_752 = arith.constant 4 : i32
    %add3A_753 = arith.addi %mul3A_751, %add3A_752 : i32
    %add3A_754 = arith.constant 1 : i32
    %add3A_755 = arith.addi %add3A_753, %add3A_754 : i32
    %jit3A_756 = arith.constant 48 : i32
    %div3A_757 = arith.divsi %add3A_755, %jit3A_756 : i32
    %sign3A_758 = arith.constant 0 : i32
    %sign3A_759 = arith.cmpi sgt, %add3A_755, %sign3A_758 : i32
    %sign3A_760 = arith.extui %sign3A_759 : i1 to i32
    %sign3A_761 = arith.constant 0 : i32
    %sign3A_762 = arith.cmpi slt, %add3A_755, %sign3A_761 : i32
    %sign3A_763 = arith.extui %sign3A_762 : i1 to i32
    %sign3A_764 = arith.subi %sign3A_760, %sign3A_763 : i32
    %sign3A_765 = arith.constant 0 : i32
    %sign3A_766 = arith.cmpi sgt, %jit3A_756, %sign3A_765 : i32
    %sign3A_767 = arith.extui %sign3A_766 : i1 to i32
    %sign3A_768 = arith.constant 0 : i32
    %sign3A_769 = arith.cmpi slt, %jit3A_756, %sign3A_768 : i32
    %sign3A_770 = arith.extui %sign3A_769 : i1 to i32
    %sign3A_771 = arith.subi %sign3A_767, %sign3A_770 : i32
    %ne3A_772 = arith.cmpi ne, %sign3A_764, %sign3A_771 : i32
    %rem3A_773 = arith.remsi %add3A_755, %jit3A_756 : i32
    %ne3A_774 = arith.constant 0 : i32
    %ne3A_775 = arith.cmpi ne, %rem3A_773, %ne3A_774 : i32
    %and3A_776 = arith.andi %ne3A_772, %ne3A_775 : i1
    %sub3A_777 = arith.constant 1 : i32
    %sub3A_778 = arith.subi %div3A_757, %sub3A_777 : i32
    %select_n3A_779 = arith.select %and3A_776, %sub3A_778, %div3A_757 : i32
    %mul3A_780 = arith.constant 48 : i32
    %mul3A_781 = arith.muli %select_n3A_779, %mul3A_780 : i32
    %sub3A_782 = arith.subi %add3A_755, %mul3A_781 : i32
    %mul3A_783 = arith.constant 2304 : i32
    %mul3A_784 = arith.muli %select_n3A_779, %mul3A_783 : i32
    %add3A_785 = arith.addi %mul3A_784, %sub3A_782 : i32
    %broadcast_in_dim3A_786 = vector.broadcast %add3A_785 : i32 to vector<16xi32>
    %add3A_787 = arith.constant 0 : i32
    %add3A_788 = vector.broadcast %add3A_787 : i32 to vector<16xi32>
    %add3A_789 = arith.addi %add3A_788, %iota3A : vector<16xi32>
    %mul3A_790 = arith.constant 48 : i32
    %mul3A_791 = vector.broadcast %mul3A_790 : i32 to vector<16xi32>
    %mul3A_792 = arith.muli %add3A_789, %mul3A_791 : vector<16xi32>
    %add3A_793 = arith.addi %broadcast_in_dim3A_786, %mul3A_792 : vector<16xi32>
    %swap3A_794 = arith.constant 2 : i32
    %swap3A_795 = arith.index_cast %swap3A_794 : i32 to index
    %swap3A_796 = arith.constant 48 : index
    %swap3A_797 = tpu.vector_load %arg5[%swap3A_795, %swap3A_796] {strides = array<i32>} : memref<3x96xi32, #tpu.memory_space<vmem>>, vector<1x16xi32>,
    %swap3A_798 = vector.shape_cast %swap3A_797 : vector<1x16xi32> to vector<16xi32>
    %swap3A_799 = vector.shape_cast %add3A_793 : vector<16xi32> to vector<1x16xi32>
    tpu.vector_store %arg5[%swap3A_795, %swap3A_796], %swap3A_799 {strides = array<i32>} : memref<3x96xi32, #tpu.memory_space<vmem>>, vector<1x16xi32>,
    %mul3A_800 = arith.constant 6 : i32
    %mul3A_801 = arith.muli %add3A, %mul3A_800 : i32
    %add3A_802 = arith.constant 4 : i32
    %add3A_803 = arith.addi %mul3A_801, %add3A_802 : i32
    %add3A_804 = arith.constant 1 : i32
    %add3A_805 = arith.addi %add3A_803, %add3A_804 : i32
    %jit3A_806 = arith.constant 48 : i32
    %div3A_807 = arith.divsi %add3A_805, %jit3A_806 : i32
    %sign3A_808 = arith.constant 0 : i32
    %sign3A_809 = arith.cmpi sgt, %add3A_805, %sign3A_808 : i32
    %sign3A_810 = arith.extui %sign3A_809 : i1 to i32
    %sign3A_811 = arith.constant 0 : i32
    %sign3A_812 = arith.cmpi slt, %add3A_805, %sign3A_811 : i32
    %sign3A_813 = arith.extui %sign3A_812 : i1 to i32
    %sign3A_814 = arith.subi %sign3A_810, %sign3A_813 : i32
    %sign3A_815 = arith.constant 0 : i32
    %sign3A_816 = arith.cmpi sgt, %jit3A_806, %sign3A_815 : i32
    %sign3A_817 = arith.extui %sign3A_816 : i1 to i32
    %sign3A_818 = arith.constant 0 : i32
    %sign3A_819 = arith.cmpi slt, %jit3A_806, %sign3A_818 : i32
    %sign3A_820 = arith.extui %sign3A_819 : i1 to i32
    %sign3A_821 = arith.subi %sign3A_817, %sign3A_820 : i32
    %ne3A_822 = arith.cmpi ne, %sign3A_814, %sign3A_821 : i32
    %rem3A_823 = arith.remsi %add3A_805, %jit3A_806 : i32
    %ne3A_824 = arith.constant 0 : i32
    %ne3A_825 = arith.cmpi ne, %rem3A_823, %ne3A_824 : i32
    %and3A_826 = arith.andi %ne3A_822, %ne3A_825 : i1
    %sub3A_827 = arith.constant 1 : i32
    %sub3A_828 = arith.subi %div3A_807, %sub3A_827 : i32
    %select_n3A_829 = arith.select %and3A_826, %sub3A_828, %div3A_807 : i32
    %mul3A_830 = arith.constant 48 : i32
    %mul3A_831 = arith.muli %select_n3A_829, %mul3A_830 : i32
    %sub3A_832 = arith.subi %add3A_805, %mul3A_831 : i32
    %mul3A_833 = arith.constant 2304 : i32
    %mul3A_834 = arith.muli %select_n3A_829, %mul3A_833 : i32
    %add3A_835 = arith.addi %mul3A_834, %sub3A_832 : i32
    %broadcast_in_dim3A_836 = vector.broadcast %add3A_835 : i32 to vector<16xi32>
    %add3A_837 = arith.constant 16 : i32
    %add3A_838 = vector.broadcast %add3A_837 : i32 to vector<16xi32>
    %add3A_839 = arith.addi %add3A_838, %iota3A : vector<16xi32>
    %mul3A_840 = arith.constant 48 : i32
    %mul3A_841 = vector.broadcast %mul3A_840 : i32 to vector<16xi32>
    %mul3A_842 = arith.muli %add3A_839, %mul3A_841 : vector<16xi32>
    %add3A_843 = arith.addi %broadcast_in_dim3A_836, %mul3A_842 : vector<16xi32>
    %swap3A_844 = arith.constant 2 : i32
    %swap3A_845 = arith.index_cast %swap3A_844 : i32 to index
    %swap3A_846 = arith.constant 64 : index
    %swap3A_847 = tpu.vector_load %arg5[%swap3A_845, %swap3A_846] {strides = array<i32>} : memref<3x96xi32, #tpu.memory_space<vmem>>, vector<1x16xi32>,
    %swap3A_848 = vector.shape_cast %swap3A_847 : vector<1x16xi32> to vector<16xi32>
    %swap3A_849 = vector.shape_cast %add3A_843 : vector<16xi32> to vector<1x16xi32>
    tpu.vector_store %arg5[%swap3A_845, %swap3A_846], %swap3A_849 {strides = array<i32>} : memref<3x96xi32, #tpu.memory_space<vmem>>, vector<1x16xi32>,
    %mul3A_850 = arith.constant 6 : i32
    %mul3A_851 = arith.muli %add3A, %mul3A_850 : i32
    %add3A_852 = arith.constant 4 : i32
    %add3A_853 = arith.addi %mul3A_851, %add3A_852 : i32
    %add3A_854 = arith.constant 1 : i32
    %add3A_855 = arith.addi %add3A_853, %add3A_854 : i32
    %jit3A_856 = arith.constant 48 : i32
    %div3A_857 = arith.divsi %add3A_855, %jit3A_856 : i32
    %sign3A_858 = arith.constant 0 : i32
    %sign3A_859 = arith.cmpi sgt, %add3A_855, %sign3A_858 : i32
    %sign3A_860 = arith.extui %sign3A_859 : i1 to i32
    %sign3A_861 = arith.constant 0 : i32
    %sign3A_862 = arith.cmpi slt, %add3A_855, %sign3A_861 : i32
    %sign3A_863 = arith.extui %sign3A_862 : i1 to i32
    %sign3A_864 = arith.subi %sign3A_860, %sign3A_863 : i32
    %sign3A_865 = arith.constant 0 : i32
    %sign3A_866 = arith.cmpi sgt, %jit3A_856, %sign3A_865 : i32
    %sign3A_867 = arith.extui %sign3A_866 : i1 to i32
    %sign3A_868 = arith.constant 0 : i32
    %sign3A_869 = arith.cmpi slt, %jit3A_856, %sign3A_868 : i32
    %sign3A_870 = arith.extui %sign3A_869 : i1 to i32
    %sign3A_871 = arith.subi %sign3A_867, %sign3A_870 : i32
    %ne3A_872 = arith.cmpi ne, %sign3A_864, %sign3A_871 : i32
    %rem3A_873 = arith.remsi %add3A_855, %jit3A_856 : i32
    %ne3A_874 = arith.constant 0 : i32
    %ne3A_875 = arith.cmpi ne, %rem3A_873, %ne3A_874 : i32
    %and3A_876 = arith.andi %ne3A_872, %ne3A_875 : i1
    %sub3A_877 = arith.constant 1 : i32
    %sub3A_878 = arith.subi %div3A_857, %sub3A_877 : i32
    %select_n3A_879 = arith.select %and3A_876, %sub3A_878, %div3A_857 : i32
    %mul3A_880 = arith.constant 48 : i32
    %mul3A_881 = arith.muli %select_n3A_879, %mul3A_880 : i32
    %sub3A_882 = arith.subi %add3A_855, %mul3A_881 : i32
    %mul3A_883 = arith.constant 2304 : i32
    %mul3A_884 = arith.muli %select_n3A_879, %mul3A_883 : i32
    %add3A_885 = arith.addi %mul3A_884, %sub3A_882 : i32
    %broadcast_in_dim3A_886 = vector.broadcast %add3A_885 : i32 to vector<16xi32>
    %add3A_887 = arith.constant 32 : i32
    %add3A_888 = vector.broadcast %add3A_887 : i32 to vector<16xi32>
    %add3A_889 = arith.addi %add3A_888, %iota3A : vector<16xi32>
    %mul3A_890 = arith.constant 48 : i32
    %mul3A_891 = vector.broadcast %mul3A_890 : i32 to vector<16xi32>
    %mul3A_892 = arith.muli %add3A_889, %mul3A_891 : vector<16xi32>
    %add3A_893 = arith.addi %broadcast_in_dim3A_886, %mul3A_892 : vector<16xi32>
    %swap3A_894 = arith.constant 2 : i32
    %swap3A_895 = arith.index_cast %swap3A_894 : i32 to index
    %swap3A_896 = arith.constant 80 : index
    %swap3A_897 = tpu.vector_load %arg5[%swap3A_895, %swap3A_896] {strides = array<i32>} : memref<3x96xi32, #tpu.memory_space<vmem>>, vector<1x16xi32>,
    %swap3A_898 = vector.shape_cast %swap3A_897 : vector<1x16xi32> to vector<16xi32>
    %swap3A_899 = vector.shape_cast %add3A_893 : vector<16xi32> to vector<1x16xi32>
    tpu.vector_store %arg5[%swap3A_895, %swap3A_896], %swap3A_899 {strides = array<i32>} : memref<3x96xi32, #tpu.memory_space<vmem>>, vector<1x16xi32>,
    %mul3A_900 = arith.constant 288 : i32
    %mul3A_901 = arith.muli %add3A, %mul3A_900 : i32
    %add3A_902 = arith.constant 192 : i32
    %add3A_903 = arith.addi %mul3A_901, %add3A_902 : i32
    "tpu.region"() ({
      %run_scoped3A_905 = tpu.sem_alloc : memref<!tpu.dma_semaphore, #tpu.memory_space<semaphore_mem>>
      %dma_start3A = arith.constant 0 : i32
      %dma_start3A_906 = tpu.memref_slice %arg2[%add3A_903, %dma_start3A] : memref<9216x640xf32, #tpu.memory_space<hbm>> -> memref<96x640xf32, #tpu.memory_space<hbm>>
      %dma_start3A_907 = arith.constant 0 : i32
      %dma_start3A_908 = tpu.memref_slice %arg2[%add3A_903, %dma_start3A_907] : memref<9216x640xf32, #tpu.memory_space<hbm>> -> memref<96x640xf32, #tpu.memory_space<hbm>>
      tpu.enqueue_dma source(%dma_start3A_908 : memref<96x640xf32, #tpu.memory_space<hbm>>) target(%arg4 : memref<96x640xf32, #tpu.memory_space<vmem>>) target_semaphore(%run_scoped3A_905 : memref<!tpu.dma_semaphore, #tpu.memory_space<semaphore_mem>>)
      %dma_wait3A = arith.constant 0 : i32
      %dma_wait3A_909 = tpu.memref_slice %arg2[%add3A_903, %dma_wait3A] : memref<9216x640xf32, #tpu.memory_space<hbm>> -> memref<96x640xf32, #tpu.memory_space<hbm>>
      %dma_wait3A_910 = arith.constant 0 : i32
      %dma_wait3A_911 = tpu.memref_slice %arg2[%add3A_903, %dma_wait3A_910] : memref<9216x640xf32, #tpu.memory_space<hbm>> -> memref<96x640xf32, #tpu.memory_space<hbm>>
      tpu.wait_dma2 semaphore(%run_scoped3A_905 : memref<!tpu.dma_semaphore, #tpu.memory_space<semaphore_mem>>) src(%dma_wait3A_911 : memref<96x640xf32, #tpu.memory_space<hbm>>) dst(%arg4 : memref<96x640xf32, #tpu.memory_space<vmem>>)
      tpu.yield
    }) : () -> ()
    %run_scoped3A_904 = arith.constant 2 : i32
    "tpu.region"() ({
      %run_scoped3A_905 = tpu.sem_alloc : memref<!tpu.dma_semaphore, #tpu.memory_space<semaphore_mem>>
      %dma_start3A = arith.constant 0 : i32
      %dma_start3A_906 = tpu.memref_slice %arg5[%run_scoped3A_904, %dma_start3A] : memref<3x96xi32, #tpu.memory_space<vmem>> -> memref<1x96xi32, #tpu.memory_space<vmem>>
      %dma_start3A_907 = tpu.memref_squeeze %dma_start3A_906 : memref<1x96xi32, #tpu.memory_space<vmem>> -> memref<96xi32, #tpu.memory_space<vmem>>
      %dma_start3A_908 = arith.constant 0 : i32
      %dma_start3A_909 = arith.constant 0 : i32
      %dma_start3A_910 = tpu.memref_slice %arg3[%dma_start3A_908, %dma_start3A_909] : memref<9216x640xf32, #tpu.memory_space<hbm>> -> memref<9216x640xf32, #tpu.memory_space<hbm>>
      tpu.enqueue_indirect_dma source(%arg4 : memref<96x640xf32, #tpu.memory_space<vmem>>) target(%dma_start3A_910 : memref<9216x640xf32, #tpu.memory_space<hbm>>) offsets(%dma_start3A_907 : memref<96xi32, #tpu.memory_space<vmem>>) semaphore(%run_scoped3A_905 : memref<!tpu.dma_semaphore, #tpu.memory_space<semaphore_mem>>)
      %dma_wait3A = arith.constant 0 : i32
      %dma_wait3A_911 = tpu.memref_slice %arg5[%run_scoped3A_904, %dma_wait3A] : memref<3x96xi32, #tpu.memory_space<vmem>> -> memref<1x96xi32, #tpu.memory_space<vmem>>
      %dma_wait3A_912 = tpu.memref_squeeze %dma_wait3A_911 : memref<1x96xi32, #tpu.memory_space<vmem>> -> memref<96xi32, #tpu.memory_space<vmem>>
      %dma_wait3A_913 = arith.constant 0 : i32
      %dma_wait3A_914 = arith.constant 0 : i32
      %dma_wait3A_915 = tpu.memref_slice %arg3[%dma_wait3A_913, %dma_wait3A_914] : memref<9216x640xf32, #tpu.memory_space<hbm>> -> memref<9216x640xf32, #tpu.memory_space<hbm>>
      tpu.wait_indirect_dma semaphore(%run_scoped3A_905 : memref<!tpu.dma_semaphore, #tpu.memory_space<semaphore_mem>>) src(%arg4 : memref<96x640xf32, #tpu.memory_space<vmem>>) dst(%dma_wait3A_915 : memref<9216x640xf32, #tpu.memory_space<hbm>>)
      tpu.yield
    }) : () -> ()
    return
  }
}

module attributes {stable_mosaic.version = 14 : i64} {
  func.func @_w_body(%arg0: i32, %arg1: memref<45xf32, #tpu.memory_space<smem>>, %arg2: memref<1x512x320xf32, #tpu.memory_space<vmem>>, %arg3: memref<1x512x640xf32, #tpu.memory_space<vmem>>, %arg4: memref<320x640xf32, #tpu.memory_space<vmem>>) attributes {dimension_semantics = [#tpu.dimension_semantics<arbitrary>], iteration_bounds = array<i64: 18>, scalar_prefetch = 0 : i64, scratch_operands = 1 : i64, tpu.core_type = #tpu.core_type<tc>, window_params = [{transform_indices = @transform_0, window_bounds = array<i64: 45>}, {transform_indices = @transform_1, window_bounds = array<i64: 1, 512, 320>}, {transform_indices = @transform_2, window_bounds = array<i64: 1, 512, 640>}]} {
    %eq3A = arith.constant 0 : i32
    %eq3A_0 = arith.cmpi eq, %arg0, %eq3A : i32
    %convert_element_type3A = arith.extui %eq3A_0 : i1 to i32
    %cond3A = arith.constant 0 : i32
    %cond3A_1 = arith.cmpi ne, %convert_element_type3A, %cond3A : i32
    scf.if %cond3A_1 {
      %iota3A = tpu.iota {dimensions = array<i32: 0>} : vector<320x640xi32>
      %iota3A_15 = tpu.iota {dimensions = array<i32: 1>} : vector<320x640xi32>
      %jit3A = arith.constant 24 : i32
      %div3A = vector.broadcast %jit3A : i32 to vector<320x640xi32>
      %div3A_16 = arith.divsi %iota3A_15, %div3A : vector<320x640xi32>
      %sign3A = arith.constant 0 : i32
      %sign3A_17 = vector.broadcast %sign3A : i32 to vector<320x640xi32>
      %sign3A_18 = arith.cmpi sgt, %iota3A_15, %sign3A_17 : vector<320x640xi32>
      %sign3A_19 = arith.extui %sign3A_18 : vector<320x640xi1> to vector<320x640xi32>
      %sign3A_20 = arith.constant 0 : i32
      %sign3A_21 = vector.broadcast %sign3A_20 : i32 to vector<320x640xi32>
      %sign3A_22 = arith.cmpi slt, %iota3A_15, %sign3A_21 : vector<320x640xi32>
      %sign3A_23 = arith.extui %sign3A_22 : vector<320x640xi1> to vector<320x640xi32>
      %sign3A_24 = arith.subi %sign3A_19, %sign3A_23 : vector<320x640xi32>
      %sign3A_25 = arith.constant 0 : i32
      %sign3A_26 = arith.cmpi sgt, %jit3A, %sign3A_25 : i32
      %sign3A_27 = arith.extui %sign3A_26 : i1 to i32
      %sign3A_28 = arith.constant 0 : i32
      %sign3A_29 = arith.cmpi slt, %jit3A, %sign3A_28 : i32
      %sign3A_30 = arith.extui %sign3A_29 : i1 to i32
      %sign3A_31 = arith.subi %sign3A_27, %sign3A_30 : i32
      %ne3A = vector.broadcast %sign3A_31 : i32 to vector<320x640xi32>
      %ne3A_32 = arith.cmpi ne, %sign3A_24, %ne3A : vector<320x640xi32>
      %rem3A = vector.broadcast %jit3A : i32 to vector<320x640xi32>
      %rem3A_33 = arith.remsi %iota3A_15, %rem3A : vector<320x640xi32>
      %ne3A_34 = arith.constant 0 : i32
      %ne3A_35 = vector.broadcast %ne3A_34 : i32 to vector<320x640xi32>
      %ne3A_36 = arith.cmpi ne, %rem3A_33, %ne3A_35 : vector<320x640xi32>
      %and3A = arith.andi %ne3A_32, %ne3A_36 : vector<320x640xi1>
      %sub3A = arith.constant 1 : i32
      %sub3A_37 = vector.broadcast %sub3A : i32 to vector<320x640xi32>
      %sub3A_38 = arith.subi %div3A_16, %sub3A_37 : vector<320x640xi32>
      %select_n3A = arith.select %and3A, %sub3A_38, %div3A_16 : vector<320x640xi1>, vector<320x640xi32>
      %mul3A = arith.constant 24 : i32
      %mul3A_39 = vector.broadcast %mul3A : i32 to vector<320x640xi32>
      %mul3A_40 = arith.muli %select_n3A, %mul3A_39 : vector<320x640xi32>
      %sub3A_41 = arith.subi %iota3A_15, %mul3A_40 : vector<320x640xi32>
      %jit3A_42 = arith.constant 3 : i32
      %div3A_43 = vector.broadcast %jit3A_42 : i32 to vector<320x640xi32>
      %div3A_44 = arith.divsi %select_n3A, %div3A_43 : vector<320x640xi32>
      %sign3A_45 = arith.constant 0 : i32
      %sign3A_46 = vector.broadcast %sign3A_45 : i32 to vector<320x640xi32>
      %sign3A_47 = arith.cmpi sgt, %select_n3A, %sign3A_46 : vector<320x640xi32>
      %sign3A_48 = arith.extui %sign3A_47 : vector<320x640xi1> to vector<320x640xi32>
      %sign3A_49 = arith.constant 0 : i32
      %sign3A_50 = vector.broadcast %sign3A_49 : i32 to vector<320x640xi32>
      %sign3A_51 = arith.cmpi slt, %select_n3A, %sign3A_50 : vector<320x640xi32>
      %sign3A_52 = arith.extui %sign3A_51 : vector<320x640xi1> to vector<320x640xi32>
      %sign3A_53 = arith.subi %sign3A_48, %sign3A_52 : vector<320x640xi32>
      %sign3A_54 = arith.constant 0 : i32
      %sign3A_55 = arith.cmpi sgt, %jit3A_42, %sign3A_54 : i32
      %sign3A_56 = arith.extui %sign3A_55 : i1 to i32
      %sign3A_57 = arith.constant 0 : i32
      %sign3A_58 = arith.cmpi slt, %jit3A_42, %sign3A_57 : i32
      %sign3A_59 = arith.extui %sign3A_58 : i1 to i32
      %sign3A_60 = arith.subi %sign3A_56, %sign3A_59 : i32
      %ne3A_61 = vector.broadcast %sign3A_60 : i32 to vector<320x640xi32>
      %ne3A_62 = arith.cmpi ne, %sign3A_53, %ne3A_61 : vector<320x640xi32>
      %rem3A_63 = vector.broadcast %jit3A_42 : i32 to vector<320x640xi32>
      %rem3A_64 = arith.remsi %select_n3A, %rem3A_63 : vector<320x640xi32>
      %ne3A_65 = arith.constant 0 : i32
      %ne3A_66 = vector.broadcast %ne3A_65 : i32 to vector<320x640xi32>
      %ne3A_67 = arith.cmpi ne, %rem3A_64, %ne3A_66 : vector<320x640xi32>
      %and3A_68 = arith.andi %ne3A_62, %ne3A_67 : vector<320x640xi1>
      %sub3A_69 = arith.constant 1 : i32
      %sub3A_70 = vector.broadcast %sub3A_69 : i32 to vector<320x640xi32>
      %sub3A_71 = arith.subi %div3A_44, %sub3A_70 : vector<320x640xi32>
      %select_n3A_72 = arith.select %and3A_68, %sub3A_71, %div3A_44 : vector<320x640xi1>, vector<320x640xi32>
      %mul3A_73 = arith.constant 3 : i32
      %mul3A_74 = vector.broadcast %mul3A_73 : i32 to vector<320x640xi32>
      %mul3A_75 = arith.muli %select_n3A_72, %mul3A_74 : vector<320x640xi32>
      %sub3A_76 = arith.subi %select_n3A, %mul3A_75 : vector<320x640xi32>
      %jit3A_77 = arith.constant 3 : i32
      %div3A_78 = vector.broadcast %jit3A_77 : i32 to vector<320x640xi32>
      %div3A_79 = arith.divsi %sub3A_41, %div3A_78 : vector<320x640xi32>
      %sign3A_80 = arith.constant 0 : i32
      %sign3A_81 = vector.broadcast %sign3A_80 : i32 to vector<320x640xi32>
      %sign3A_82 = arith.cmpi sgt, %sub3A_41, %sign3A_81 : vector<320x640xi32>
      %sign3A_83 = arith.extui %sign3A_82 : vector<320x640xi1> to vector<320x640xi32>
      %sign3A_84 = arith.constant 0 : i32
      %sign3A_85 = vector.broadcast %sign3A_84 : i32 to vector<320x640xi32>
      %sign3A_86 = arith.cmpi slt, %sub3A_41, %sign3A_85 : vector<320x640xi32>
      %sign3A_87 = arith.extui %sign3A_86 : vector<320x640xi1> to vector<320x640xi32>
      %sign3A_88 = arith.subi %sign3A_83, %sign3A_87 : vector<320x640xi32>
      %sign3A_89 = arith.constant 0 : i32
      %sign3A_90 = arith.cmpi sgt, %jit3A_77, %sign3A_89 : i32
      %sign3A_91 = arith.extui %sign3A_90 : i1 to i32
      %sign3A_92 = arith.constant 0 : i32
      %sign3A_93 = arith.cmpi slt, %jit3A_77, %sign3A_92 : i32
      %sign3A_94 = arith.extui %sign3A_93 : i1 to i32
      %sign3A_95 = arith.subi %sign3A_91, %sign3A_94 : i32
      %ne3A_96 = vector.broadcast %sign3A_95 : i32 to vector<320x640xi32>
      %ne3A_97 = arith.cmpi ne, %sign3A_88, %ne3A_96 : vector<320x640xi32>
      %rem3A_98 = vector.broadcast %jit3A_77 : i32 to vector<320x640xi32>
      %rem3A_99 = arith.remsi %sub3A_41, %rem3A_98 : vector<320x640xi32>
      %ne3A_100 = arith.constant 0 : i32
      %ne3A_101 = vector.broadcast %ne3A_100 : i32 to vector<320x640xi32>
      %ne3A_102 = arith.cmpi ne, %rem3A_99, %ne3A_101 : vector<320x640xi32>
      %and3A_103 = arith.andi %ne3A_97, %ne3A_102 : vector<320x640xi1>
      %sub3A_104 = arith.constant 1 : i32
      %sub3A_105 = vector.broadcast %sub3A_104 : i32 to vector<320x640xi32>
      %sub3A_106 = arith.subi %div3A_79, %sub3A_105 : vector<320x640xi32>
      %select_n3A_107 = arith.select %and3A_103, %sub3A_106, %div3A_79 : vector<320x640xi1>, vector<320x640xi32>
      %mul3A_108 = arith.constant 3 : i32
      %mul3A_109 = vector.broadcast %mul3A_108 : i32 to vector<320x640xi32>
      %mul3A_110 = arith.muli %select_n3A_107, %mul3A_109 : vector<320x640xi32>
      %sub3A_111 = arith.subi %sub3A_41, %mul3A_110 : vector<320x640xi32>
      %mul3A_112 = arith.constant 8 : i32
      %mul3A_113 = vector.broadcast %mul3A_112 : i32 to vector<320x640xi32>
      %mul3A_114 = arith.muli %select_n3A_72, %mul3A_113 : vector<320x640xi32>
      %add3A = arith.addi %mul3A_114, %select_n3A_107 : vector<320x640xi32>
      %broadcast_in_dim3A = arith.constant 0.000000e+00 : f32
      %broadcast_in_dim3A_115 = vector.broadcast %broadcast_in_dim3A : f32 to vector<320x640xf32>
      %add3A_116 = arith.constant 0 : i32
      %add3A_117 = vector.broadcast %add3A_116 : i32 to vector<320x640xi32>
      %add3A_118 = arith.addi %add3A, %add3A_117 : vector<320x640xi32>
      %eq3A_119 = arith.cmpi eq, %iota3A, %add3A_118 : vector<320x640xi32>
      %eq3A_120 = arith.constant 0 : i32
      %eq3A_121 = vector.broadcast %eq3A_120 : i32 to vector<320x640xi32>
      %eq3A_122 = arith.cmpi eq, %sub3A_76, %eq3A_121 : vector<320x640xi32>
      %and3A_123 = arith.andi %eq3A_119, %eq3A_122 : vector<320x640xi1>
      %eq3A_124 = arith.constant 0 : i32
      %eq3A_125 = vector.broadcast %eq3A_124 : i32 to vector<320x640xi32>
      %eq3A_126 = arith.cmpi eq, %sub3A_111, %eq3A_125 : vector<320x640xi32>
      %and3A_127 = arith.andi %and3A_123, %eq3A_126 : vector<320x640xi1>
      %lt3A = arith.constant 24 : i32
      %lt3A_128 = vector.broadcast %lt3A : i32 to vector<320x640xi32>
      %lt3A_129 = arith.cmpi slt, %select_n3A, %lt3A_128 : vector<320x640xi32>
      %and3A_130 = arith.andi %and3A_127, %lt3A_129 : vector<320x640xi1>
      %get3A_131 = arith.constant 0 : index
      %get3A_132 = memref.load %arg1[%get3A_131] : memref<45xf32, #tpu.memory_space<smem>>
      %jit3A_133 = arith.constant 0.000000e+00 : f32
      %broadcast_in_dim3A_134 = vector.broadcast %get3A_132 : f32 to vector<320x640xf32>
      %broadcast_in_dim3A_135 = vector.broadcast %jit3A_133 : f32 to vector<320x640xf32>
      %select_n3A_136 = arith.select %and3A_130, %broadcast_in_dim3A_134, %broadcast_in_dim3A_135 : vector<320x640xi1>, vector<320x640xf32>
      %add3A_137 = arith.addf %broadcast_in_dim3A_115, %select_n3A_136 : vector<320x640xf32>
      %add3A_138 = arith.constant 64 : i32
      %add3A_139 = vector.broadcast %add3A_138 : i32 to vector<320x640xi32>
      %add3A_140 = arith.addi %add3A, %add3A_139 : vector<320x640xi32>
      %eq3A_141 = arith.cmpi eq, %iota3A, %add3A_140 : vector<320x640xi32>
      %eq3A_142 = arith.constant 0 : i32
      %eq3A_143 = vector.broadcast %eq3A_142 : i32 to vector<320x640xi32>
      %eq3A_144 = arith.cmpi eq, %sub3A_76, %eq3A_143 : vector<320x640xi32>
      %and3A_145 = arith.andi %eq3A_141, %eq3A_144 : vector<320x640xi1>
      %eq3A_146 = arith.constant 0 : i32
      %eq3A_147 = vector.broadcast %eq3A_146 : i32 to vector<320x640xi32>
      %eq3A_148 = arith.cmpi eq, %sub3A_111, %eq3A_147 : vector<320x640xi32>
      %and3A_149 = arith.andi %and3A_145, %eq3A_148 : vector<320x640xi1>
      %lt3A_150 = arith.constant 24 : i32
      %lt3A_151 = vector.broadcast %lt3A_150 : i32 to vector<320x640xi32>
      %lt3A_152 = arith.cmpi slt, %select_n3A, %lt3A_151 : vector<320x640xi32>
      %and3A_153 = arith.andi %and3A_149, %lt3A_152 : vector<320x640xi1>
      %get3A_154 = arith.constant 1 : index
      %get3A_155 = memref.load %arg1[%get3A_154] : memref<45xf32, #tpu.memory_space<smem>>
      %jit3A_156 = arith.constant 0.000000e+00 : f32
      %broadcast_in_dim3A_157 = vector.broadcast %get3A_155 : f32 to vector<320x640xf32>
      %broadcast_in_dim3A_158 = vector.broadcast %jit3A_156 : f32 to vector<320x640xf32>
      %select_n3A_159 = arith.select %and3A_153, %broadcast_in_dim3A_157, %broadcast_in_dim3A_158 : vector<320x640xi1>, vector<320x640xf32>
      %add3A_160 = arith.addf %add3A_137, %select_n3A_159 : vector<320x640xf32>
      %add3A_161 = arith.constant 128 : i32
      %add3A_162 = vector.broadcast %add3A_161 : i32 to vector<320x640xi32>
      %add3A_163 = arith.addi %add3A, %add3A_162 : vector<320x640xi32>
      %eq3A_164 = arith.cmpi eq, %iota3A, %add3A_163 : vector<320x640xi32>
      %eq3A_165 = arith.constant 0 : i32
      %eq3A_166 = vector.broadcast %eq3A_165 : i32 to vector<320x640xi32>
      %eq3A_167 = arith.cmpi eq, %sub3A_76, %eq3A_166 : vector<320x640xi32>
      %and3A_168 = arith.andi %eq3A_164, %eq3A_167 : vector<320x640xi1>
      %eq3A_169 = arith.constant 0 : i32
      %eq3A_170 = vector.broadcast %eq3A_169 : i32 to vector<320x640xi32>
      %eq3A_171 = arith.cmpi eq, %sub3A_111, %eq3A_170 : vector<320x640xi32>
      %and3A_172 = arith.andi %and3A_168, %eq3A_171 : vector<320x640xi1>
      %lt3A_173 = arith.constant 24 : i32
      %lt3A_174 = vector.broadcast %lt3A_173 : i32 to vector<320x640xi32>
      %lt3A_175 = arith.cmpi slt, %select_n3A, %lt3A_174 : vector<320x640xi32>
      %and3A_176 = arith.andi %and3A_172, %lt3A_175 : vector<320x640xi1>
      %get3A_177 = arith.constant 2 : index
      %get3A_178 = memref.load %arg1[%get3A_177] : memref<45xf32, #tpu.memory_space<smem>>
      %jit3A_179 = arith.constant 0.000000e+00 : f32
      %broadcast_in_dim3A_180 = vector.broadcast %get3A_178 : f32 to vector<320x640xf32>
      %broadcast_in_dim3A_181 = vector.broadcast %jit3A_179 : f32 to vector<320x640xf32>
      %select_n3A_182 = arith.select %and3A_176, %broadcast_in_dim3A_180, %broadcast_in_dim3A_181 : vector<320x640xi1>, vector<320x640xf32>
      %add3A_183 = arith.addf %add3A_160, %select_n3A_182 : vector<320x640xf32>
      %add3A_184 = arith.constant 192 : i32
      %add3A_185 = vector.broadcast %add3A_184 : i32 to vector<320x640xi32>
      %add3A_186 = arith.addi %add3A, %add3A_185 : vector<320x640xi32>
      %eq3A_187 = arith.cmpi eq, %iota3A, %add3A_186 : vector<320x640xi32>
      %eq3A_188 = arith.constant 0 : i32
      %eq3A_189 = vector.broadcast %eq3A_188 : i32 to vector<320x640xi32>
      %eq3A_190 = arith.cmpi eq, %sub3A_76, %eq3A_189 : vector<320x640xi32>
      %and3A_191 = arith.andi %eq3A_187, %eq3A_190 : vector<320x640xi1>
      %eq3A_192 = arith.constant 0 : i32
      %eq3A_193 = vector.broadcast %eq3A_192 : i32 to vector<320x640xi32>
      %eq3A_194 = arith.cmpi eq, %sub3A_111, %eq3A_193 : vector<320x640xi32>
      %and3A_195 = arith.andi %and3A_191, %eq3A_194 : vector<320x640xi1>
      %lt3A_196 = arith.constant 24 : i32
      %lt3A_197 = vector.broadcast %lt3A_196 : i32 to vector<320x640xi32>
      %lt3A_198 = arith.cmpi slt, %select_n3A, %lt3A_197 : vector<320x640xi32>
      %and3A_199 = arith.andi %and3A_195, %lt3A_198 : vector<320x640xi1>
      %get3A_200 = arith.constant 3 : index
      %get3A_201 = memref.load %arg1[%get3A_200] : memref<45xf32, #tpu.memory_space<smem>>
      %jit3A_202 = arith.constant 0.000000e+00 : f32
      %broadcast_in_dim3A_203 = vector.broadcast %get3A_201 : f32 to vector<320x640xf32>
      %broadcast_in_dim3A_204 = vector.broadcast %jit3A_202 : f32 to vector<320x640xf32>
      %select_n3A_205 = arith.select %and3A_199, %broadcast_in_dim3A_203, %broadcast_in_dim3A_204 : vector<320x640xi1>, vector<320x640xf32>
      %add3A_206 = arith.addf %add3A_183, %select_n3A_205 : vector<320x640xf32>
      %add3A_207 = arith.constant 256 : i32
      %add3A_208 = vector.broadcast %add3A_207 : i32 to vector<320x640xi32>
      %add3A_209 = arith.addi %add3A, %add3A_208 : vector<320x640xi32>
      %eq3A_210 = arith.cmpi eq, %iota3A, %add3A_209 : vector<320x640xi32>
      %eq3A_211 = arith.constant 0 : i32
      %eq3A_212 = vector.broadcast %eq3A_211 : i32 to vector<320x640xi32>
      %eq3A_213 = arith.cmpi eq, %sub3A_76, %eq3A_212 : vector<320x640xi32>
      %and3A_214 = arith.andi %eq3A_210, %eq3A_213 : vector<320x640xi1>
      %eq3A_215 = arith.constant 0 : i32
      %eq3A_216 = vector.broadcast %eq3A_215 : i32 to vector<320x640xi32>
      %eq3A_217 = arith.cmpi eq, %sub3A_111, %eq3A_216 : vector<320x640xi32>
      %and3A_218 = arith.andi %and3A_214, %eq3A_217 : vector<320x640xi1>
      %lt3A_219 = arith.constant 24 : i32
      %lt3A_220 = vector.broadcast %lt3A_219 : i32 to vector<320x640xi32>
      %lt3A_221 = arith.cmpi slt, %select_n3A, %lt3A_220 : vector<320x640xi32>
      %and3A_222 = arith.andi %and3A_218, %lt3A_221 : vector<320x640xi1>
      %get3A_223 = arith.constant 4 : index
      %get3A_224 = memref.load %arg1[%get3A_223] : memref<45xf32, #tpu.memory_space<smem>>
      %jit3A_225 = arith.constant 0.000000e+00 : f32
      %broadcast_in_dim3A_226 = vector.broadcast %get3A_224 : f32 to vector<320x640xf32>
      %broadcast_in_dim3A_227 = vector.broadcast %jit3A_225 : f32 to vector<320x640xf32>
      %select_n3A_228 = arith.select %and3A_222, %broadcast_in_dim3A_226, %broadcast_in_dim3A_227 : vector<320x640xi1>, vector<320x640xf32>
      %add3A_229 = arith.addf %add3A_206, %select_n3A_228 : vector<320x640xf32>
      %add3A_230 = arith.constant 0 : i32
      %add3A_231 = vector.broadcast %add3A_230 : i32 to vector<320x640xi32>
      %add3A_232 = arith.addi %add3A, %add3A_231 : vector<320x640xi32>
      %eq3A_233 = arith.cmpi eq, %iota3A, %add3A_232 : vector<320x640xi32>
      %eq3A_234 = arith.constant 0 : i32
      %eq3A_235 = vector.broadcast %eq3A_234 : i32 to vector<320x640xi32>
      %eq3A_236 = arith.cmpi eq, %sub3A_76, %eq3A_235 : vector<320x640xi32>
      %and3A_237 = arith.andi %eq3A_233, %eq3A_236 : vector<320x640xi1>
      %eq3A_238 = arith.constant 1 : i32
      %eq3A_239 = vector.broadcast %eq3A_238 : i32 to vector<320x640xi32>
      %eq3A_240 = arith.cmpi eq, %sub3A_111, %eq3A_239 : vector<320x640xi32>
      %and3A_241 = arith.andi %and3A_237, %eq3A_240 : vector<320x640xi1>
      %lt3A_242 = arith.constant 24 : i32
      %lt3A_243 = vector.broadcast %lt3A_242 : i32 to vector<320x640xi32>
      %lt3A_244 = arith.cmpi slt, %select_n3A, %lt3A_243 : vector<320x640xi32>
      %and3A_245 = arith.andi %and3A_241, %lt3A_244 : vector<320x640xi1>
      %get3A_246 = arith.constant 5 : index
      %get3A_247 = memref.load %arg1[%get3A_246] : memref<45xf32, #tpu.memory_space<smem>>
      %jit3A_248 = arith.constant 0.000000e+00 : f32
      %broadcast_in_dim3A_249 = vector.broadcast %get3A_247 : f32 to vector<320x640xf32>
      %broadcast_in_dim3A_250 = vector.broadcast %jit3A_248 : f32 to vector<320x640xf32>
      %select_n3A_251 = arith.select %and3A_245, %broadcast_in_dim3A_249, %broadcast_in_dim3A_250 : vector<320x640xi1>, vector<320x640xf32>
      %add3A_252 = arith.addf %add3A_229, %select_n3A_251 : vector<320x640xf32>
      %add3A_253 = arith.constant 64 : i32
      %add3A_254 = vector.broadcast %add3A_253 : i32 to vector<320x640xi32>
      %add3A_255 = arith.addi %add3A, %add3A_254 : vector<320x640xi32>
      %eq3A_256 = arith.cmpi eq, %iota3A, %add3A_255 : vector<320x640xi32>
      %eq3A_257 = arith.constant 0 : i32
      %eq3A_258 = vector.broadcast %eq3A_257 : i32 to vector<320x640xi32>
      %eq3A_259 = arith.cmpi eq, %sub3A_76, %eq3A_258 : vector<320x640xi32>
      %and3A_260 = arith.andi %eq3A_256, %eq3A_259 : vector<320x640xi1>
      %eq3A_261 = arith.constant 1 : i32
      %eq3A_262 = vector.broadcast %eq3A_261 : i32 to vector<320x640xi32>
      %eq3A_263 = arith.cmpi eq, %sub3A_111, %eq3A_262 : vector<320x640xi32>
      %and3A_264 = arith.andi %and3A_260, %eq3A_263 : vector<320x640xi1>
      %lt3A_265 = arith.constant 24 : i32
      %lt3A_266 = vector.broadcast %lt3A_265 : i32 to vector<320x640xi32>
      %lt3A_267 = arith.cmpi slt, %select_n3A, %lt3A_266 : vector<320x640xi32>
      %and3A_268 = arith.andi %and3A_264, %lt3A_267 : vector<320x640xi1>
      %get3A_269 = arith.constant 6 : index
      %get3A_270 = memref.load %arg1[%get3A_269] : memref<45xf32, #tpu.memory_space<smem>>
      %jit3A_271 = arith.constant 0.000000e+00 : f32
      %broadcast_in_dim3A_272 = vector.broadcast %get3A_270 : f32 to vector<320x640xf32>
      %broadcast_in_dim3A_273 = vector.broadcast %jit3A_271 : f32 to vector<320x640xf32>
      %select_n3A_274 = arith.select %and3A_268, %broadcast_in_dim3A_272, %broadcast_in_dim3A_273 : vector<320x640xi1>, vector<320x640xf32>
      %add3A_275 = arith.addf %add3A_252, %select_n3A_274 : vector<320x640xf32>
      %add3A_276 = arith.constant 128 : i32
      %add3A_277 = vector.broadcast %add3A_276 : i32 to vector<320x640xi32>
      %add3A_278 = arith.addi %add3A, %add3A_277 : vector<320x640xi32>
      %eq3A_279 = arith.cmpi eq, %iota3A, %add3A_278 : vector<320x640xi32>
      %eq3A_280 = arith.constant 0 : i32
      %eq3A_281 = vector.broadcast %eq3A_280 : i32 to vector<320x640xi32>
      %eq3A_282 = arith.cmpi eq, %sub3A_76, %eq3A_281 : vector<320x640xi32>
      %and3A_283 = arith.andi %eq3A_279, %eq3A_282 : vector<320x640xi1>
      %eq3A_284 = arith.constant 1 : i32
      %eq3A_285 = vector.broadcast %eq3A_284 : i32 to vector<320x640xi32>
      %eq3A_286 = arith.cmpi eq, %sub3A_111, %eq3A_285 : vector<320x640xi32>
      %and3A_287 = arith.andi %and3A_283, %eq3A_286 : vector<320x640xi1>
      %lt3A_288 = arith.constant 24 : i32
      %lt3A_289 = vector.broadcast %lt3A_288 : i32 to vector<320x640xi32>
      %lt3A_290 = arith.cmpi slt, %select_n3A, %lt3A_289 : vector<320x640xi32>
      %and3A_291 = arith.andi %and3A_287, %lt3A_290 : vector<320x640xi1>
      %get3A_292 = arith.constant 7 : index
      %get3A_293 = memref.load %arg1[%get3A_292] : memref<45xf32, #tpu.memory_space<smem>>
      %jit3A_294 = arith.constant 0.000000e+00 : f32
      %broadcast_in_dim3A_295 = vector.broadcast %get3A_293 : f32 to vector<320x640xf32>
      %broadcast_in_dim3A_296 = vector.broadcast %jit3A_294 : f32 to vector<320x640xf32>
      %select_n3A_297 = arith.select %and3A_291, %broadcast_in_dim3A_295, %broadcast_in_dim3A_296 : vector<320x640xi1>, vector<320x640xf32>
      %add3A_298 = arith.addf %add3A_275, %select_n3A_297 : vector<320x640xf32>
      %add3A_299 = arith.constant 192 : i32
      %add3A_300 = vector.broadcast %add3A_299 : i32 to vector<320x640xi32>
      %add3A_301 = arith.addi %add3A, %add3A_300 : vector<320x640xi32>
      %eq3A_302 = arith.cmpi eq, %iota3A, %add3A_301 : vector<320x640xi32>
      %eq3A_303 = arith.constant 0 : i32
      %eq3A_304 = vector.broadcast %eq3A_303 : i32 to vector<320x640xi32>
      %eq3A_305 = arith.cmpi eq, %sub3A_76, %eq3A_304 : vector<320x640xi32>
      %and3A_306 = arith.andi %eq3A_302, %eq3A_305 : vector<320x640xi1>
      %eq3A_307 = arith.constant 1 : i32
      %eq3A_308 = vector.broadcast %eq3A_307 : i32 to vector<320x640xi32>
      %eq3A_309 = arith.cmpi eq, %sub3A_111, %eq3A_308 : vector<320x640xi32>
      %and3A_310 = arith.andi %and3A_306, %eq3A_309 : vector<320x640xi1>
      %lt3A_311 = arith.constant 24 : i32
      %lt3A_312 = vector.broadcast %lt3A_311 : i32 to vector<320x640xi32>
      %lt3A_313 = arith.cmpi slt, %select_n3A, %lt3A_312 : vector<320x640xi32>
      %and3A_314 = arith.andi %and3A_310, %lt3A_313 : vector<320x640xi1>
      %get3A_315 = arith.constant 8 : index
      %get3A_316 = memref.load %arg1[%get3A_315] : memref<45xf32, #tpu.memory_space<smem>>
      %jit3A_317 = arith.constant 0.000000e+00 : f32
      %broadcast_in_dim3A_318 = vector.broadcast %get3A_316 : f32 to vector<320x640xf32>
      %broadcast_in_dim3A_319 = vector.broadcast %jit3A_317 : f32 to vector<320x640xf32>
      %select_n3A_320 = arith.select %and3A_314, %broadcast_in_dim3A_318, %broadcast_in_dim3A_319 : vector<320x640xi1>, vector<320x640xf32>
      %add3A_321 = arith.addf %add3A_298, %select_n3A_320 : vector<320x640xf32>
      %add3A_322 = arith.constant 256 : i32
      %add3A_323 = vector.broadcast %add3A_322 : i32 to vector<320x640xi32>
      %add3A_324 = arith.addi %add3A, %add3A_323 : vector<320x640xi32>
      %eq3A_325 = arith.cmpi eq, %iota3A, %add3A_324 : vector<320x640xi32>
      %eq3A_326 = arith.constant 0 : i32
      %eq3A_327 = vector.broadcast %eq3A_326 : i32 to vector<320x640xi32>
      %eq3A_328 = arith.cmpi eq, %sub3A_76, %eq3A_327 : vector<320x640xi32>
      %and3A_329 = arith.andi %eq3A_325, %eq3A_328 : vector<320x640xi1>
      %eq3A_330 = arith.constant 1 : i32
      %eq3A_331 = vector.broadcast %eq3A_330 : i32 to vector<320x640xi32>
      %eq3A_332 = arith.cmpi eq, %sub3A_111, %eq3A_331 : vector<320x640xi32>
      %and3A_333 = arith.andi %and3A_329, %eq3A_332 : vector<320x640xi1>
      %lt3A_334 = arith.constant 24 : i32
      %lt3A_335 = vector.broadcast %lt3A_334 : i32 to vector<320x640xi32>
      %lt3A_336 = arith.cmpi slt, %select_n3A, %lt3A_335 : vector<320x640xi32>
      %and3A_337 = arith.andi %and3A_333, %lt3A_336 : vector<320x640xi1>
      %get3A_338 = arith.constant 9 : index
      %get3A_339 = memref.load %arg1[%get3A_338] : memref<45xf32, #tpu.memory_space<smem>>
      %jit3A_340 = arith.constant 0.000000e+00 : f32
      %broadcast_in_dim3A_341 = vector.broadcast %get3A_339 : f32 to vector<320x640xf32>
      %broadcast_in_dim3A_342 = vector.broadcast %jit3A_340 : f32 to vector<320x640xf32>
      %select_n3A_343 = arith.select %and3A_337, %broadcast_in_dim3A_341, %broadcast_in_dim3A_342 : vector<320x640xi1>, vector<320x640xf32>
      %add3A_344 = arith.addf %add3A_321, %select_n3A_343 : vector<320x640xf32>
      %add3A_345 = arith.constant 0 : i32
      %add3A_346 = vector.broadcast %add3A_345 : i32 to vector<320x640xi32>
      %add3A_347 = arith.addi %add3A, %add3A_346 : vector<320x640xi32>
      %eq3A_348 = arith.cmpi eq, %iota3A, %add3A_347 : vector<320x640xi32>
      %eq3A_349 = arith.constant 0 : i32
      %eq3A_350 = vector.broadcast %eq3A_349 : i32 to vector<320x640xi32>
      %eq3A_351 = arith.cmpi eq, %sub3A_76, %eq3A_350 : vector<320x640xi32>
      %and3A_352 = arith.andi %eq3A_348, %eq3A_351 : vector<320x640xi1>
      %eq3A_353 = arith.constant 2 : i32
      %eq3A_354 = vector.broadcast %eq3A_353 : i32 to vector<320x640xi32>
      %eq3A_355 = arith.cmpi eq, %sub3A_111, %eq3A_354 : vector<320x640xi32>
      %and3A_356 = arith.andi %and3A_352, %eq3A_355 : vector<320x640xi1>
      %lt3A_357 = arith.constant 24 : i32
      %lt3A_358 = vector.broadcast %lt3A_357 : i32 to vector<320x640xi32>
      %lt3A_359 = arith.cmpi slt, %select_n3A, %lt3A_358 : vector<320x640xi32>
      %and3A_360 = arith.andi %and3A_356, %lt3A_359 : vector<320x640xi1>
      %get3A_361 = arith.constant 10 : index
      %get3A_362 = memref.load %arg1[%get3A_361] : memref<45xf32, #tpu.memory_space<smem>>
      %jit3A_363 = arith.constant 0.000000e+00 : f32
      %broadcast_in_dim3A_364 = vector.broadcast %get3A_362 : f32 to vector<320x640xf32>
      %broadcast_in_dim3A_365 = vector.broadcast %jit3A_363 : f32 to vector<320x640xf32>
      %select_n3A_366 = arith.select %and3A_360, %broadcast_in_dim3A_364, %broadcast_in_dim3A_365 : vector<320x640xi1>, vector<320x640xf32>
      %add3A_367 = arith.addf %add3A_344, %select_n3A_366 : vector<320x640xf32>
      %add3A_368 = arith.constant 64 : i32
      %add3A_369 = vector.broadcast %add3A_368 : i32 to vector<320x640xi32>
      %add3A_370 = arith.addi %add3A, %add3A_369 : vector<320x640xi32>
      %eq3A_371 = arith.cmpi eq, %iota3A, %add3A_370 : vector<320x640xi32>
      %eq3A_372 = arith.constant 0 : i32
      %eq3A_373 = vector.broadcast %eq3A_372 : i32 to vector<320x640xi32>
      %eq3A_374 = arith.cmpi eq, %sub3A_76, %eq3A_373 : vector<320x640xi32>
      %and3A_375 = arith.andi %eq3A_371, %eq3A_374 : vector<320x640xi1>
      %eq3A_376 = arith.constant 2 : i32
      %eq3A_377 = vector.broadcast %eq3A_376 : i32 to vector<320x640xi32>
      %eq3A_378 = arith.cmpi eq, %sub3A_111, %eq3A_377 : vector<320x640xi32>
      %and3A_379 = arith.andi %and3A_375, %eq3A_378 : vector<320x640xi1>
      %lt3A_380 = arith.constant 24 : i32
      %lt3A_381 = vector.broadcast %lt3A_380 : i32 to vector<320x640xi32>
      %lt3A_382 = arith.cmpi slt, %select_n3A, %lt3A_381 : vector<320x640xi32>
      %and3A_383 = arith.andi %and3A_379, %lt3A_382 : vector<320x640xi1>
      %get3A_384 = arith.constant 11 : index
      %get3A_385 = memref.load %arg1[%get3A_384] : memref<45xf32, #tpu.memory_space<smem>>
      %jit3A_386 = arith.constant 0.000000e+00 : f32
      %broadcast_in_dim3A_387 = vector.broadcast %get3A_385 : f32 to vector<320x640xf32>
      %broadcast_in_dim3A_388 = vector.broadcast %jit3A_386 : f32 to vector<320x640xf32>
      %select_n3A_389 = arith.select %and3A_383, %broadcast_in_dim3A_387, %broadcast_in_dim3A_388 : vector<320x640xi1>, vector<320x640xf32>
      %add3A_390 = arith.addf %add3A_367, %select_n3A_389 : vector<320x640xf32>
      %add3A_391 = arith.constant 128 : i32
      %add3A_392 = vector.broadcast %add3A_391 : i32 to vector<320x640xi32>
      %add3A_393 = arith.addi %add3A, %add3A_392 : vector<320x640xi32>
      %eq3A_394 = arith.cmpi eq, %iota3A, %add3A_393 : vector<320x640xi32>
      %eq3A_395 = arith.constant 0 : i32
      %eq3A_396 = vector.broadcast %eq3A_395 : i32 to vector<320x640xi32>
      %eq3A_397 = arith.cmpi eq, %sub3A_76, %eq3A_396 : vector<320x640xi32>
      %and3A_398 = arith.andi %eq3A_394, %eq3A_397 : vector<320x640xi1>
      %eq3A_399 = arith.constant 2 : i32
      %eq3A_400 = vector.broadcast %eq3A_399 : i32 to vector<320x640xi32>
      %eq3A_401 = arith.cmpi eq, %sub3A_111, %eq3A_400 : vector<320x640xi32>
      %and3A_402 = arith.andi %and3A_398, %eq3A_401 : vector<320x640xi1>
      %lt3A_403 = arith.constant 24 : i32
      %lt3A_404 = vector.broadcast %lt3A_403 : i32 to vector<320x640xi32>
      %lt3A_405 = arith.cmpi slt, %select_n3A, %lt3A_404 : vector<320x640xi32>
      %and3A_406 = arith.andi %and3A_402, %lt3A_405 : vector<320x640xi1>
      %get3A_407 = arith.constant 12 : index
      %get3A_408 = memref.load %arg1[%get3A_407] : memref<45xf32, #tpu.memory_space<smem>>
      %jit3A_409 = arith.constant 0.000000e+00 : f32
      %broadcast_in_dim3A_410 = vector.broadcast %get3A_408 : f32 to vector<320x640xf32>
      %broadcast_in_dim3A_411 = vector.broadcast %jit3A_409 : f32 to vector<320x640xf32>
      %select_n3A_412 = arith.select %and3A_406, %broadcast_in_dim3A_410, %broadcast_in_dim3A_411 : vector<320x640xi1>, vector<320x640xf32>
      %add3A_413 = arith.addf %add3A_390, %select_n3A_412 : vector<320x640xf32>
      %add3A_414 = arith.constant 192 : i32
      %add3A_415 = vector.broadcast %add3A_414 : i32 to vector<320x640xi32>
      %add3A_416 = arith.addi %add3A, %add3A_415 : vector<320x640xi32>
      %eq3A_417 = arith.cmpi eq, %iota3A, %add3A_416 : vector<320x640xi32>
      %eq3A_418 = arith.constant 0 : i32
      %eq3A_419 = vector.broadcast %eq3A_418 : i32 to vector<320x640xi32>
      %eq3A_420 = arith.cmpi eq, %sub3A_76, %eq3A_419 : vector<320x640xi32>
      %and3A_421 = arith.andi %eq3A_417, %eq3A_420 : vector<320x640xi1>
      %eq3A_422 = arith.constant 2 : i32
      %eq3A_423 = vector.broadcast %eq3A_422 : i32 to vector<320x640xi32>
      %eq3A_424 = arith.cmpi eq, %sub3A_111, %eq3A_423 : vector<320x640xi32>
      %and3A_425 = arith.andi %and3A_421, %eq3A_424 : vector<320x640xi1>
      %lt3A_426 = arith.constant 24 : i32
      %lt3A_427 = vector.broadcast %lt3A_426 : i32 to vector<320x640xi32>
      %lt3A_428 = arith.cmpi slt, %select_n3A, %lt3A_427 : vector<320x640xi32>
      %and3A_429 = arith.andi %and3A_425, %lt3A_428 : vector<320x640xi1>
      %get3A_430 = arith.constant 13 : index
      %get3A_431 = memref.load %arg1[%get3A_430] : memref<45xf32, #tpu.memory_space<smem>>
      %jit3A_432 = arith.constant 0.000000e+00 : f32
      %broadcast_in_dim3A_433 = vector.broadcast %get3A_431 : f32 to vector<320x640xf32>
      %broadcast_in_dim3A_434 = vector.broadcast %jit3A_432 : f32 to vector<320x640xf32>
      %select_n3A_435 = arith.select %and3A_429, %broadcast_in_dim3A_433, %broadcast_in_dim3A_434 : vector<320x640xi1>, vector<320x640xf32>
      %add3A_436 = arith.addf %add3A_413, %select_n3A_435 : vector<320x640xf32>
      %add3A_437 = arith.constant 256 : i32
      %add3A_438 = vector.broadcast %add3A_437 : i32 to vector<320x640xi32>
      %add3A_439 = arith.addi %add3A, %add3A_438 : vector<320x640xi32>
      %eq3A_440 = arith.cmpi eq, %iota3A, %add3A_439 : vector<320x640xi32>
      %eq3A_441 = arith.constant 0 : i32
      %eq3A_442 = vector.broadcast %eq3A_441 : i32 to vector<320x640xi32>
      %eq3A_443 = arith.cmpi eq, %sub3A_76, %eq3A_442 : vector<320x640xi32>
      %and3A_444 = arith.andi %eq3A_440, %eq3A_443 : vector<320x640xi1>
      %eq3A_445 = arith.constant 2 : i32
      %eq3A_446 = vector.broadcast %eq3A_445 : i32 to vector<320x640xi32>
      %eq3A_447 = arith.cmpi eq, %sub3A_111, %eq3A_446 : vector<320x640xi32>
      %and3A_448 = arith.andi %and3A_444, %eq3A_447 : vector<320x640xi1>
      %lt3A_449 = arith.constant 24 : i32
      %lt3A_450 = vector.broadcast %lt3A_449 : i32 to vector<320x640xi32>
      %lt3A_451 = arith.cmpi slt, %select_n3A, %lt3A_450 : vector<320x640xi32>
      %and3A_452 = arith.andi %and3A_448, %lt3A_451 : vector<320x640xi1>
      %get3A_453 = arith.constant 14 : index
      %get3A_454 = memref.load %arg1[%get3A_453] : memref<45xf32, #tpu.memory_space<smem>>
      %jit3A_455 = arith.constant 0.000000e+00 : f32
      %broadcast_in_dim3A_456 = vector.broadcast %get3A_454 : f32 to vector<320x640xf32>
      %broadcast_in_dim3A_457 = vector.broadcast %jit3A_455 : f32 to vector<320x640xf32>
      %select_n3A_458 = arith.select %and3A_452, %broadcast_in_dim3A_456, %broadcast_in_dim3A_457 : vector<320x640xi1>, vector<320x640xf32>
      %add3A_459 = arith.addf %add3A_436, %select_n3A_458 : vector<320x640xf32>
      %add3A_460 = arith.constant 0 : i32
      %add3A_461 = vector.broadcast %add3A_460 : i32 to vector<320x640xi32>
      %add3A_462 = arith.addi %add3A, %add3A_461 : vector<320x640xi32>
      %eq3A_463 = arith.cmpi eq, %iota3A, %add3A_462 : vector<320x640xi32>
      %eq3A_464 = arith.constant 1 : i32
      %eq3A_465 = vector.broadcast %eq3A_464 : i32 to vector<320x640xi32>
      %eq3A_466 = arith.cmpi eq, %sub3A_76, %eq3A_465 : vector<320x640xi32>
      %and3A_467 = arith.andi %eq3A_463, %eq3A_466 : vector<320x640xi1>
      %eq3A_468 = arith.constant 0 : i32
      %eq3A_469 = vector.broadcast %eq3A_468 : i32 to vector<320x640xi32>
      %eq3A_470 = arith.cmpi eq, %sub3A_111, %eq3A_469 : vector<320x640xi32>
      %and3A_471 = arith.andi %and3A_467, %eq3A_470 : vector<320x640xi1>
      %lt3A_472 = arith.constant 24 : i32
      %lt3A_473 = vector.broadcast %lt3A_472 : i32 to vector<320x640xi32>
      %lt3A_474 = arith.cmpi slt, %select_n3A, %lt3A_473 : vector<320x640xi32>
      %and3A_475 = arith.andi %and3A_471, %lt3A_474 : vector<320x640xi1>
      %get3A_476 = arith.constant 15 : index
      %get3A_477 = memref.load %arg1[%get3A_476] : memref<45xf32, #tpu.memory_space<smem>>
      %jit3A_478 = arith.constant 0.000000e+00 : f32
      %broadcast_in_dim3A_479 = vector.broadcast %get3A_477 : f32 to vector<320x640xf32>
      %broadcast_in_dim3A_480 = vector.broadcast %jit3A_478 : f32 to vector<320x640xf32>
      %select_n3A_481 = arith.select %and3A_475, %broadcast_in_dim3A_479, %broadcast_in_dim3A_480 : vector<320x640xi1>, vector<320x640xf32>
      %add3A_482 = arith.addf %add3A_459, %select_n3A_481 : vector<320x640xf32>
      %add3A_483 = arith.constant 64 : i32
      %add3A_484 = vector.broadcast %add3A_483 : i32 to vector<320x640xi32>
      %add3A_485 = arith.addi %add3A, %add3A_484 : vector<320x640xi32>
      %eq3A_486 = arith.cmpi eq, %iota3A, %add3A_485 : vector<320x640xi32>
      %eq3A_487 = arith.constant 1 : i32
      %eq3A_488 = vector.broadcast %eq3A_487 : i32 to vector<320x640xi32>
      %eq3A_489 = arith.cmpi eq, %sub3A_76, %eq3A_488 : vector<320x640xi32>
      %and3A_490 = arith.andi %eq3A_486, %eq3A_489 : vector<320x640xi1>
      %eq3A_491 = arith.constant 0 : i32
      %eq3A_492 = vector.broadcast %eq3A_491 : i32 to vector<320x640xi32>
      %eq3A_493 = arith.cmpi eq, %sub3A_111, %eq3A_492 : vector<320x640xi32>
      %and3A_494 = arith.andi %and3A_490, %eq3A_493 : vector<320x640xi1>
      %lt3A_495 = arith.constant 24 : i32
      %lt3A_496 = vector.broadcast %lt3A_495 : i32 to vector<320x640xi32>
      %lt3A_497 = arith.cmpi slt, %select_n3A, %lt3A_496 : vector<320x640xi32>
      %and3A_498 = arith.andi %and3A_494, %lt3A_497 : vector<320x640xi1>
      %get3A_499 = arith.constant 16 : index
      %get3A_500 = memref.load %arg1[%get3A_499] : memref<45xf32, #tpu.memory_space<smem>>
      %jit3A_501 = arith.constant 0.000000e+00 : f32
      %broadcast_in_dim3A_502 = vector.broadcast %get3A_500 : f32 to vector<320x640xf32>
      %broadcast_in_dim3A_503 = vector.broadcast %jit3A_501 : f32 to vector<320x640xf32>
      %select_n3A_504 = arith.select %and3A_498, %broadcast_in_dim3A_502, %broadcast_in_dim3A_503 : vector<320x640xi1>, vector<320x640xf32>
      %add3A_505 = arith.addf %add3A_482, %select_n3A_504 : vector<320x640xf32>
      %add3A_506 = arith.constant 128 : i32
      %add3A_507 = vector.broadcast %add3A_506 : i32 to vector<320x640xi32>
      %add3A_508 = arith.addi %add3A, %add3A_507 : vector<320x640xi32>
      %eq3A_509 = arith.cmpi eq, %iota3A, %add3A_508 : vector<320x640xi32>
      %eq3A_510 = arith.constant 1 : i32
      %eq3A_511 = vector.broadcast %eq3A_510 : i32 to vector<320x640xi32>
      %eq3A_512 = arith.cmpi eq, %sub3A_76, %eq3A_511 : vector<320x640xi32>
      %and3A_513 = arith.andi %eq3A_509, %eq3A_512 : vector<320x640xi1>
      %eq3A_514 = arith.constant 0 : i32
      %eq3A_515 = vector.broadcast %eq3A_514 : i32 to vector<320x640xi32>
      %eq3A_516 = arith.cmpi eq, %sub3A_111, %eq3A_515 : vector<320x640xi32>
      %and3A_517 = arith.andi %and3A_513, %eq3A_516 : vector<320x640xi1>
      %lt3A_518 = arith.constant 24 : i32
      %lt3A_519 = vector.broadcast %lt3A_518 : i32 to vector<320x640xi32>
      %lt3A_520 = arith.cmpi slt, %select_n3A, %lt3A_519 : vector<320x640xi32>
      %and3A_521 = arith.andi %and3A_517, %lt3A_520 : vector<320x640xi1>
      %get3A_522 = arith.constant 17 : index
      %get3A_523 = memref.load %arg1[%get3A_522] : memref<45xf32, #tpu.memory_space<smem>>
      %jit3A_524 = arith.constant 0.000000e+00 : f32
      %broadcast_in_dim3A_525 = vector.broadcast %get3A_523 : f32 to vector<320x640xf32>
      %broadcast_in_dim3A_526 = vector.broadcast %jit3A_524 : f32 to vector<320x640xf32>
      %select_n3A_527 = arith.select %and3A_521, %broadcast_in_dim3A_525, %broadcast_in_dim3A_526 : vector<320x640xi1>, vector<320x640xf32>
      %add3A_528 = arith.addf %add3A_505, %select_n3A_527 : vector<320x640xf32>
      %add3A_529 = arith.constant 192 : i32
      %add3A_530 = vector.broadcast %add3A_529 : i32 to vector<320x640xi32>
      %add3A_531 = arith.addi %add3A, %add3A_530 : vector<320x640xi32>
      %eq3A_532 = arith.cmpi eq, %iota3A, %add3A_531 : vector<320x640xi32>
      %eq3A_533 = arith.constant 1 : i32
      %eq3A_534 = vector.broadcast %eq3A_533 : i32 to vector<320x640xi32>
      %eq3A_535 = arith.cmpi eq, %sub3A_76, %eq3A_534 : vector<320x640xi32>
      %and3A_536 = arith.andi %eq3A_532, %eq3A_535 : vector<320x640xi1>
      %eq3A_537 = arith.constant 0 : i32
      %eq3A_538 = vector.broadcast %eq3A_537 : i32 to vector<320x640xi32>
      %eq3A_539 = arith.cmpi eq, %sub3A_111, %eq3A_538 : vector<320x640xi32>
      %and3A_540 = arith.andi %and3A_536, %eq3A_539 : vector<320x640xi1>
      %lt3A_541 = arith.constant 24 : i32
      %lt3A_542 = vector.broadcast %lt3A_541 : i32 to vector<320x640xi32>
      %lt3A_543 = arith.cmpi slt, %select_n3A, %lt3A_542 : vector<320x640xi32>
      %and3A_544 = arith.andi %and3A_540, %lt3A_543 : vector<320x640xi1>
      %get3A_545 = arith.constant 18 : index
      %get3A_546 = memref.load %arg1[%get3A_545] : memref<45xf32, #tpu.memory_space<smem>>
      %jit3A_547 = arith.constant 0.000000e+00 : f32
      %broadcast_in_dim3A_548 = vector.broadcast %get3A_546 : f32 to vector<320x640xf32>
      %broadcast_in_dim3A_549 = vector.broadcast %jit3A_547 : f32 to vector<320x640xf32>
      %select_n3A_550 = arith.select %and3A_544, %broadcast_in_dim3A_548, %broadcast_in_dim3A_549 : vector<320x640xi1>, vector<320x640xf32>
      %add3A_551 = arith.addf %add3A_528, %select_n3A_550 : vector<320x640xf32>
      %add3A_552 = arith.constant 256 : i32
      %add3A_553 = vector.broadcast %add3A_552 : i32 to vector<320x640xi32>
      %add3A_554 = arith.addi %add3A, %add3A_553 : vector<320x640xi32>
      %eq3A_555 = arith.cmpi eq, %iota3A, %add3A_554 : vector<320x640xi32>
      %eq3A_556 = arith.constant 1 : i32
      %eq3A_557 = vector.broadcast %eq3A_556 : i32 to vector<320x640xi32>
      %eq3A_558 = arith.cmpi eq, %sub3A_76, %eq3A_557 : vector<320x640xi32>
      %and3A_559 = arith.andi %eq3A_555, %eq3A_558 : vector<320x640xi1>
      %eq3A_560 = arith.constant 0 : i32
      %eq3A_561 = vector.broadcast %eq3A_560 : i32 to vector<320x640xi32>
      %eq3A_562 = arith.cmpi eq, %sub3A_111, %eq3A_561 : vector<320x640xi32>
      %and3A_563 = arith.andi %and3A_559, %eq3A_562 : vector<320x640xi1>
      %lt3A_564 = arith.constant 24 : i32
      %lt3A_565 = vector.broadcast %lt3A_564 : i32 to vector<320x640xi32>
      %lt3A_566 = arith.cmpi slt, %select_n3A, %lt3A_565 : vector<320x640xi32>
      %and3A_567 = arith.andi %and3A_563, %lt3A_566 : vector<320x640xi1>
      %get3A_568 = arith.constant 19 : index
      %get3A_569 = memref.load %arg1[%get3A_568] : memref<45xf32, #tpu.memory_space<smem>>
      %jit3A_570 = arith.constant 0.000000e+00 : f32
      %broadcast_in_dim3A_571 = vector.broadcast %get3A_569 : f32 to vector<320x640xf32>
      %broadcast_in_dim3A_572 = vector.broadcast %jit3A_570 : f32 to vector<320x640xf32>
      %select_n3A_573 = arith.select %and3A_567, %broadcast_in_dim3A_571, %broadcast_in_dim3A_572 : vector<320x640xi1>, vector<320x640xf32>
      %add3A_574 = arith.addf %add3A_551, %select_n3A_573 : vector<320x640xf32>
      %add3A_575 = arith.constant 0 : i32
      %add3A_576 = vector.broadcast %add3A_575 : i32 to vector<320x640xi32>
      %add3A_577 = arith.addi %add3A, %add3A_576 : vector<320x640xi32>
      %eq3A_578 = arith.cmpi eq, %iota3A, %add3A_577 : vector<320x640xi32>
      %eq3A_579 = arith.constant 1 : i32
      %eq3A_580 = vector.broadcast %eq3A_579 : i32 to vector<320x640xi32>
      %eq3A_581 = arith.cmpi eq, %sub3A_76, %eq3A_580 : vector<320x640xi32>
      %and3A_582 = arith.andi %eq3A_578, %eq3A_581 : vector<320x640xi1>
      %eq3A_583 = arith.constant 1 : i32
      %eq3A_584 = vector.broadcast %eq3A_583 : i32 to vector<320x640xi32>
      %eq3A_585 = arith.cmpi eq, %sub3A_111, %eq3A_584 : vector<320x640xi32>
      %and3A_586 = arith.andi %and3A_582, %eq3A_585 : vector<320x640xi1>
      %lt3A_587 = arith.constant 24 : i32
      %lt3A_588 = vector.broadcast %lt3A_587 : i32 to vector<320x640xi32>
      %lt3A_589 = arith.cmpi slt, %select_n3A, %lt3A_588 : vector<320x640xi32>
      %and3A_590 = arith.andi %and3A_586, %lt3A_589 : vector<320x640xi1>
      %get3A_591 = arith.constant 20 : index
      %get3A_592 = memref.load %arg1[%get3A_591] : memref<45xf32, #tpu.memory_space<smem>>
      %jit3A_593 = arith.constant 0.000000e+00 : f32
      %broadcast_in_dim3A_594 = vector.broadcast %get3A_592 : f32 to vector<320x640xf32>
      %broadcast_in_dim3A_595 = vector.broadcast %jit3A_593 : f32 to vector<320x640xf32>
      %select_n3A_596 = arith.select %and3A_590, %broadcast_in_dim3A_594, %broadcast_in_dim3A_595 : vector<320x640xi1>, vector<320x640xf32>
      %add3A_597 = arith.addf %add3A_574, %select_n3A_596 : vector<320x640xf32>
      %add3A_598 = arith.constant 64 : i32
      %add3A_599 = vector.broadcast %add3A_598 : i32 to vector<320x640xi32>
      %add3A_600 = arith.addi %add3A, %add3A_599 : vector<320x640xi32>
      %eq3A_601 = arith.cmpi eq, %iota3A, %add3A_600 : vector<320x640xi32>
      %eq3A_602 = arith.constant 1 : i32
      %eq3A_603 = vector.broadcast %eq3A_602 : i32 to vector<320x640xi32>
      %eq3A_604 = arith.cmpi eq, %sub3A_76, %eq3A_603 : vector<320x640xi32>
      %and3A_605 = arith.andi %eq3A_601, %eq3A_604 : vector<320x640xi1>
      %eq3A_606 = arith.constant 1 : i32
      %eq3A_607 = vector.broadcast %eq3A_606 : i32 to vector<320x640xi32>
      %eq3A_608 = arith.cmpi eq, %sub3A_111, %eq3A_607 : vector<320x640xi32>
      %and3A_609 = arith.andi %and3A_605, %eq3A_608 : vector<320x640xi1>
      %lt3A_610 = arith.constant 24 : i32
      %lt3A_611 = vector.broadcast %lt3A_610 : i32 to vector<320x640xi32>
      %lt3A_612 = arith.cmpi slt, %select_n3A, %lt3A_611 : vector<320x640xi32>
      %and3A_613 = arith.andi %and3A_609, %lt3A_612 : vector<320x640xi1>
      %get3A_614 = arith.constant 21 : index
      %get3A_615 = memref.load %arg1[%get3A_614] : memref<45xf32, #tpu.memory_space<smem>>
      %jit3A_616 = arith.constant 0.000000e+00 : f32
      %broadcast_in_dim3A_617 = vector.broadcast %get3A_615 : f32 to vector<320x640xf32>
      %broadcast_in_dim3A_618 = vector.broadcast %jit3A_616 : f32 to vector<320x640xf32>
      %select_n3A_619 = arith.select %and3A_613, %broadcast_in_dim3A_617, %broadcast_in_dim3A_618 : vector<320x640xi1>, vector<320x640xf32>
      %add3A_620 = arith.addf %add3A_597, %select_n3A_619 : vector<320x640xf32>
      %add3A_621 = arith.constant 128 : i32
      %add3A_622 = vector.broadcast %add3A_621 : i32 to vector<320x640xi32>
      %add3A_623 = arith.addi %add3A, %add3A_622 : vector<320x640xi32>
      %eq3A_624 = arith.cmpi eq, %iota3A, %add3A_623 : vector<320x640xi32>
      %eq3A_625 = arith.constant 1 : i32
      %eq3A_626 = vector.broadcast %eq3A_625 : i32 to vector<320x640xi32>
      %eq3A_627 = arith.cmpi eq, %sub3A_76, %eq3A_626 : vector<320x640xi32>
      %and3A_628 = arith.andi %eq3A_624, %eq3A_627 : vector<320x640xi1>
      %eq3A_629 = arith.constant 1 : i32
      %eq3A_630 = vector.broadcast %eq3A_629 : i32 to vector<320x640xi32>
      %eq3A_631 = arith.cmpi eq, %sub3A_111, %eq3A_630 : vector<320x640xi32>
      %and3A_632 = arith.andi %and3A_628, %eq3A_631 : vector<320x640xi1>
      %lt3A_633 = arith.constant 24 : i32
      %lt3A_634 = vector.broadcast %lt3A_633 : i32 to vector<320x640xi32>
      %lt3A_635 = arith.cmpi slt, %select_n3A, %lt3A_634 : vector<320x640xi32>
      %and3A_636 = arith.andi %and3A_632, %lt3A_635 : vector<320x640xi1>
      %get3A_637 = arith.constant 22 : index
      %get3A_638 = memref.load %arg1[%get3A_637] : memref<45xf32, #tpu.memory_space<smem>>
      %jit3A_639 = arith.constant 0.000000e+00 : f32
      %broadcast_in_dim3A_640 = vector.broadcast %get3A_638 : f32 to vector<320x640xf32>
      %broadcast_in_dim3A_641 = vector.broadcast %jit3A_639 : f32 to vector<320x640xf32>
      %select_n3A_642 = arith.select %and3A_636, %broadcast_in_dim3A_640, %broadcast_in_dim3A_641 : vector<320x640xi1>, vector<320x640xf32>
      %add3A_643 = arith.addf %add3A_620, %select_n3A_642 : vector<320x640xf32>
      %add3A_644 = arith.constant 192 : i32
      %add3A_645 = vector.broadcast %add3A_644 : i32 to vector<320x640xi32>
      %add3A_646 = arith.addi %add3A, %add3A_645 : vector<320x640xi32>
      %eq3A_647 = arith.cmpi eq, %iota3A, %add3A_646 : vector<320x640xi32>
      %eq3A_648 = arith.constant 1 : i32
      %eq3A_649 = vector.broadcast %eq3A_648 : i32 to vector<320x640xi32>
      %eq3A_650 = arith.cmpi eq, %sub3A_76, %eq3A_649 : vector<320x640xi32>
      %and3A_651 = arith.andi %eq3A_647, %eq3A_650 : vector<320x640xi1>
      %eq3A_652 = arith.constant 1 : i32
      %eq3A_653 = vector.broadcast %eq3A_652 : i32 to vector<320x640xi32>
      %eq3A_654 = arith.cmpi eq, %sub3A_111, %eq3A_653 : vector<320x640xi32>
      %and3A_655 = arith.andi %and3A_651, %eq3A_654 : vector<320x640xi1>
      %lt3A_656 = arith.constant 24 : i32
      %lt3A_657 = vector.broadcast %lt3A_656 : i32 to vector<320x640xi32>
      %lt3A_658 = arith.cmpi slt, %select_n3A, %lt3A_657 : vector<320x640xi32>
      %and3A_659 = arith.andi %and3A_655, %lt3A_658 : vector<320x640xi1>
      %get3A_660 = arith.constant 23 : index
      %get3A_661 = memref.load %arg1[%get3A_660] : memref<45xf32, #tpu.memory_space<smem>>
      %jit3A_662 = arith.constant 0.000000e+00 : f32
      %broadcast_in_dim3A_663 = vector.broadcast %get3A_661 : f32 to vector<320x640xf32>
      %broadcast_in_dim3A_664 = vector.broadcast %jit3A_662 : f32 to vector<320x640xf32>
      %select_n3A_665 = arith.select %and3A_659, %broadcast_in_dim3A_663, %broadcast_in_dim3A_664 : vector<320x640xi1>, vector<320x640xf32>
      %add3A_666 = arith.addf %add3A_643, %select_n3A_665 : vector<320x640xf32>
      %add3A_667 = arith.constant 256 : i32
      %add3A_668 = vector.broadcast %add3A_667 : i32 to vector<320x640xi32>
      %add3A_669 = arith.addi %add3A, %add3A_668 : vector<320x640xi32>
      %eq3A_670 = arith.cmpi eq, %iota3A, %add3A_669 : vector<320x640xi32>
      %eq3A_671 = arith.constant 1 : i32
      %eq3A_672 = vector.broadcast %eq3A_671 : i32 to vector<320x640xi32>
      %eq3A_673 = arith.cmpi eq, %sub3A_76, %eq3A_672 : vector<320x640xi32>
      %and3A_674 = arith.andi %eq3A_670, %eq3A_673 : vector<320x640xi1>
      %eq3A_675 = arith.constant 1 : i32
      %eq3A_676 = vector.broadcast %eq3A_675 : i32 to vector<320x640xi32>
      %eq3A_677 = arith.cmpi eq, %sub3A_111, %eq3A_676 : vector<320x640xi32>
      %and3A_678 = arith.andi %and3A_674, %eq3A_677 : vector<320x640xi1>
      %lt3A_679 = arith.constant 24 : i32
      %lt3A_680 = vector.broadcast %lt3A_679 : i32 to vector<320x640xi32>
      %lt3A_681 = arith.cmpi slt, %select_n3A, %lt3A_680 : vector<320x640xi32>
      %and3A_682 = arith.andi %and3A_678, %lt3A_681 : vector<320x640xi1>
      %get3A_683 = arith.constant 24 : index
      %get3A_684 = memref.load %arg1[%get3A_683] : memref<45xf32, #tpu.memory_space<smem>>
      %jit3A_685 = arith.constant 0.000000e+00 : f32
      %broadcast_in_dim3A_686 = vector.broadcast %get3A_684 : f32 to vector<320x640xf32>
      %broadcast_in_dim3A_687 = vector.broadcast %jit3A_685 : f32 to vector<320x640xf32>
      %select_n3A_688 = arith.select %and3A_682, %broadcast_in_dim3A_686, %broadcast_in_dim3A_687 : vector<320x640xi1>, vector<320x640xf32>
      %add3A_689 = arith.addf %add3A_666, %select_n3A_688 : vector<320x640xf32>
      %add3A_690 = arith.constant 0 : i32
      %add3A_691 = vector.broadcast %add3A_690 : i32 to vector<320x640xi32>
      %add3A_692 = arith.addi %add3A, %add3A_691 : vector<320x640xi32>
      %eq3A_693 = arith.cmpi eq, %iota3A, %add3A_692 : vector<320x640xi32>
      %eq3A_694 = arith.constant 1 : i32
      %eq3A_695 = vector.broadcast %eq3A_694 : i32 to vector<320x640xi32>
      %eq3A_696 = arith.cmpi eq, %sub3A_76, %eq3A_695 : vector<320x640xi32>
      %and3A_697 = arith.andi %eq3A_693, %eq3A_696 : vector<320x640xi1>
      %eq3A_698 = arith.constant 2 : i32
      %eq3A_699 = vector.broadcast %eq3A_698 : i32 to vector<320x640xi32>
      %eq3A_700 = arith.cmpi eq, %sub3A_111, %eq3A_699 : vector<320x640xi32>
      %and3A_701 = arith.andi %and3A_697, %eq3A_700 : vector<320x640xi1>
      %lt3A_702 = arith.constant 24 : i32
      %lt3A_703 = vector.broadcast %lt3A_702 : i32 to vector<320x640xi32>
      %lt3A_704 = arith.cmpi slt, %select_n3A, %lt3A_703 : vector<320x640xi32>
      %and3A_705 = arith.andi %and3A_701, %lt3A_704 : vector<320x640xi1>
      %get3A_706 = arith.constant 25 : index
      %get3A_707 = memref.load %arg1[%get3A_706] : memref<45xf32, #tpu.memory_space<smem>>
      %jit3A_708 = arith.constant 0.000000e+00 : f32
      %broadcast_in_dim3A_709 = vector.broadcast %get3A_707 : f32 to vector<320x640xf32>
      %broadcast_in_dim3A_710 = vector.broadcast %jit3A_708 : f32 to vector<320x640xf32>
      %select_n3A_711 = arith.select %and3A_705, %broadcast_in_dim3A_709, %broadcast_in_dim3A_710 : vector<320x640xi1>, vector<320x640xf32>
      %add3A_712 = arith.addf %add3A_689, %select_n3A_711 : vector<320x640xf32>
      %add3A_713 = arith.constant 64 : i32
      %add3A_714 = vector.broadcast %add3A_713 : i32 to vector<320x640xi32>
      %add3A_715 = arith.addi %add3A, %add3A_714 : vector<320x640xi32>
      %eq3A_716 = arith.cmpi eq, %iota3A, %add3A_715 : vector<320x640xi32>
      %eq3A_717 = arith.constant 1 : i32
      %eq3A_718 = vector.broadcast %eq3A_717 : i32 to vector<320x640xi32>
      %eq3A_719 = arith.cmpi eq, %sub3A_76, %eq3A_718 : vector<320x640xi32>
      %and3A_720 = arith.andi %eq3A_716, %eq3A_719 : vector<320x640xi1>
      %eq3A_721 = arith.constant 2 : i32
      %eq3A_722 = vector.broadcast %eq3A_721 : i32 to vector<320x640xi32>
      %eq3A_723 = arith.cmpi eq, %sub3A_111, %eq3A_722 : vector<320x640xi32>
      %and3A_724 = arith.andi %and3A_720, %eq3A_723 : vector<320x640xi1>
      %lt3A_725 = arith.constant 24 : i32
      %lt3A_726 = vector.broadcast %lt3A_725 : i32 to vector<320x640xi32>
      %lt3A_727 = arith.cmpi slt, %select_n3A, %lt3A_726 : vector<320x640xi32>
      %and3A_728 = arith.andi %and3A_724, %lt3A_727 : vector<320x640xi1>
      %get3A_729 = arith.constant 26 : index
      %get3A_730 = memref.load %arg1[%get3A_729] : memref<45xf32, #tpu.memory_space<smem>>
      %jit3A_731 = arith.constant 0.000000e+00 : f32
      %broadcast_in_dim3A_732 = vector.broadcast %get3A_730 : f32 to vector<320x640xf32>
      %broadcast_in_dim3A_733 = vector.broadcast %jit3A_731 : f32 to vector<320x640xf32>
      %select_n3A_734 = arith.select %and3A_728, %broadcast_in_dim3A_732, %broadcast_in_dim3A_733 : vector<320x640xi1>, vector<320x640xf32>
      %add3A_735 = arith.addf %add3A_712, %select_n3A_734 : vector<320x640xf32>
      %add3A_736 = arith.constant 128 : i32
      %add3A_737 = vector.broadcast %add3A_736 : i32 to vector<320x640xi32>
      %add3A_738 = arith.addi %add3A, %add3A_737 : vector<320x640xi32>
      %eq3A_739 = arith.cmpi eq, %iota3A, %add3A_738 : vector<320x640xi32>
      %eq3A_740 = arith.constant 1 : i32
      %eq3A_741 = vector.broadcast %eq3A_740 : i32 to vector<320x640xi32>
      %eq3A_742 = arith.cmpi eq, %sub3A_76, %eq3A_741 : vector<320x640xi32>
      %and3A_743 = arith.andi %eq3A_739, %eq3A_742 : vector<320x640xi1>
      %eq3A_744 = arith.constant 2 : i32
      %eq3A_745 = vector.broadcast %eq3A_744 : i32 to vector<320x640xi32>
      %eq3A_746 = arith.cmpi eq, %sub3A_111, %eq3A_745 : vector<320x640xi32>
      %and3A_747 = arith.andi %and3A_743, %eq3A_746 : vector<320x640xi1>
      %lt3A_748 = arith.constant 24 : i32
      %lt3A_749 = vector.broadcast %lt3A_748 : i32 to vector<320x640xi32>
      %lt3A_750 = arith.cmpi slt, %select_n3A, %lt3A_749 : vector<320x640xi32>
      %and3A_751 = arith.andi %and3A_747, %lt3A_750 : vector<320x640xi1>
      %get3A_752 = arith.constant 27 : index
      %get3A_753 = memref.load %arg1[%get3A_752] : memref<45xf32, #tpu.memory_space<smem>>
      %jit3A_754 = arith.constant 0.000000e+00 : f32
      %broadcast_in_dim3A_755 = vector.broadcast %get3A_753 : f32 to vector<320x640xf32>
      %broadcast_in_dim3A_756 = vector.broadcast %jit3A_754 : f32 to vector<320x640xf32>
      %select_n3A_757 = arith.select %and3A_751, %broadcast_in_dim3A_755, %broadcast_in_dim3A_756 : vector<320x640xi1>, vector<320x640xf32>
      %add3A_758 = arith.addf %add3A_735, %select_n3A_757 : vector<320x640xf32>
      %add3A_759 = arith.constant 192 : i32
      %add3A_760 = vector.broadcast %add3A_759 : i32 to vector<320x640xi32>
      %add3A_761 = arith.addi %add3A, %add3A_760 : vector<320x640xi32>
      %eq3A_762 = arith.cmpi eq, %iota3A, %add3A_761 : vector<320x640xi32>
      %eq3A_763 = arith.constant 1 : i32
      %eq3A_764 = vector.broadcast %eq3A_763 : i32 to vector<320x640xi32>
      %eq3A_765 = arith.cmpi eq, %sub3A_76, %eq3A_764 : vector<320x640xi32>
      %and3A_766 = arith.andi %eq3A_762, %eq3A_765 : vector<320x640xi1>
      %eq3A_767 = arith.constant 2 : i32
      %eq3A_768 = vector.broadcast %eq3A_767 : i32 to vector<320x640xi32>
      %eq3A_769 = arith.cmpi eq, %sub3A_111, %eq3A_768 : vector<320x640xi32>
      %and3A_770 = arith.andi %and3A_766, %eq3A_769 : vector<320x640xi1>
      %lt3A_771 = arith.constant 24 : i32
      %lt3A_772 = vector.broadcast %lt3A_771 : i32 to vector<320x640xi32>
      %lt3A_773 = arith.cmpi slt, %select_n3A, %lt3A_772 : vector<320x640xi32>
      %and3A_774 = arith.andi %and3A_770, %lt3A_773 : vector<320x640xi1>
      %get3A_775 = arith.constant 28 : index
      %get3A_776 = memref.load %arg1[%get3A_775] : memref<45xf32, #tpu.memory_space<smem>>
      %jit3A_777 = arith.constant 0.000000e+00 : f32
      %broadcast_in_dim3A_778 = vector.broadcast %get3A_776 : f32 to vector<320x640xf32>
      %broadcast_in_dim3A_779 = vector.broadcast %jit3A_777 : f32 to vector<320x640xf32>
      %select_n3A_780 = arith.select %and3A_774, %broadcast_in_dim3A_778, %broadcast_in_dim3A_779 : vector<320x640xi1>, vector<320x640xf32>
      %add3A_781 = arith.addf %add3A_758, %select_n3A_780 : vector<320x640xf32>
      %add3A_782 = arith.constant 256 : i32
      %add3A_783 = vector.broadcast %add3A_782 : i32 to vector<320x640xi32>
      %add3A_784 = arith.addi %add3A, %add3A_783 : vector<320x640xi32>
      %eq3A_785 = arith.cmpi eq, %iota3A, %add3A_784 : vector<320x640xi32>
      %eq3A_786 = arith.constant 1 : i32
      %eq3A_787 = vector.broadcast %eq3A_786 : i32 to vector<320x640xi32>
      %eq3A_788 = arith.cmpi eq, %sub3A_76, %eq3A_787 : vector<320x640xi32>
      %and3A_789 = arith.andi %eq3A_785, %eq3A_788 : vector<320x640xi1>
      %eq3A_790 = arith.constant 2 : i32
      %eq3A_791 = vector.broadcast %eq3A_790 : i32 to vector<320x640xi32>
      %eq3A_792 = arith.cmpi eq, %sub3A_111, %eq3A_791 : vector<320x640xi32>
      %and3A_793 = arith.andi %and3A_789, %eq3A_792 : vector<320x640xi1>
      %lt3A_794 = arith.constant 24 : i32
      %lt3A_795 = vector.broadcast %lt3A_794 : i32 to vector<320x640xi32>
      %lt3A_796 = arith.cmpi slt, %select_n3A, %lt3A_795 : vector<320x640xi32>
      %and3A_797 = arith.andi %and3A_793, %lt3A_796 : vector<320x640xi1>
      %get3A_798 = arith.constant 29 : index
      %get3A_799 = memref.load %arg1[%get3A_798] : memref<45xf32, #tpu.memory_space<smem>>
      %jit3A_800 = arith.constant 0.000000e+00 : f32
      %broadcast_in_dim3A_801 = vector.broadcast %get3A_799 : f32 to vector<320x640xf32>
      %broadcast_in_dim3A_802 = vector.broadcast %jit3A_800 : f32 to vector<320x640xf32>
      %select_n3A_803 = arith.select %and3A_797, %broadcast_in_dim3A_801, %broadcast_in_dim3A_802 : vector<320x640xi1>, vector<320x640xf32>
      %add3A_804 = arith.addf %add3A_781, %select_n3A_803 : vector<320x640xf32>
      %add3A_805 = arith.constant 0 : i32
      %add3A_806 = vector.broadcast %add3A_805 : i32 to vector<320x640xi32>
      %add3A_807 = arith.addi %add3A, %add3A_806 : vector<320x640xi32>
      %eq3A_808 = arith.cmpi eq, %iota3A, %add3A_807 : vector<320x640xi32>
      %eq3A_809 = arith.constant 2 : i32
      %eq3A_810 = vector.broadcast %eq3A_809 : i32 to vector<320x640xi32>
      %eq3A_811 = arith.cmpi eq, %sub3A_76, %eq3A_810 : vector<320x640xi32>
      %and3A_812 = arith.andi %eq3A_808, %eq3A_811 : vector<320x640xi1>
      %eq3A_813 = arith.constant 0 : i32
      %eq3A_814 = vector.broadcast %eq3A_813 : i32 to vector<320x640xi32>
      %eq3A_815 = arith.cmpi eq, %sub3A_111, %eq3A_814 : vector<320x640xi32>
      %and3A_816 = arith.andi %and3A_812, %eq3A_815 : vector<320x640xi1>
      %lt3A_817 = arith.constant 24 : i32
      %lt3A_818 = vector.broadcast %lt3A_817 : i32 to vector<320x640xi32>
      %lt3A_819 = arith.cmpi slt, %select_n3A, %lt3A_818 : vector<320x640xi32>
      %and3A_820 = arith.andi %and3A_816, %lt3A_819 : vector<320x640xi1>
      %get3A_821 = arith.constant 30 : index
      %get3A_822 = memref.load %arg1[%get3A_821] : memref<45xf32, #tpu.memory_space<smem>>
      %jit3A_823 = arith.constant 0.000000e+00 : f32
      %broadcast_in_dim3A_824 = vector.broadcast %get3A_822 : f32 to vector<320x640xf32>
      %broadcast_in_dim3A_825 = vector.broadcast %jit3A_823 : f32 to vector<320x640xf32>
      %select_n3A_826 = arith.select %and3A_820, %broadcast_in_dim3A_824, %broadcast_in_dim3A_825 : vector<320x640xi1>, vector<320x640xf32>
      %add3A_827 = arith.addf %add3A_804, %select_n3A_826 : vector<320x640xf32>
      %add3A_828 = arith.constant 64 : i32
      %add3A_829 = vector.broadcast %add3A_828 : i32 to vector<320x640xi32>
      %add3A_830 = arith.addi %add3A, %add3A_829 : vector<320x640xi32>
      %eq3A_831 = arith.cmpi eq, %iota3A, %add3A_830 : vector<320x640xi32>
      %eq3A_832 = arith.constant 2 : i32
      %eq3A_833 = vector.broadcast %eq3A_832 : i32 to vector<320x640xi32>
      %eq3A_834 = arith.cmpi eq, %sub3A_76, %eq3A_833 : vector<320x640xi32>
      %and3A_835 = arith.andi %eq3A_831, %eq3A_834 : vector<320x640xi1>
      %eq3A_836 = arith.constant 0 : i32
      %eq3A_837 = vector.broadcast %eq3A_836 : i32 to vector<320x640xi32>
      %eq3A_838 = arith.cmpi eq, %sub3A_111, %eq3A_837 : vector<320x640xi32>
      %and3A_839 = arith.andi %and3A_835, %eq3A_838 : vector<320x640xi1>
      %lt3A_840 = arith.constant 24 : i32
      %lt3A_841 = vector.broadcast %lt3A_840 : i32 to vector<320x640xi32>
      %lt3A_842 = arith.cmpi slt, %select_n3A, %lt3A_841 : vector<320x640xi32>
      %and3A_843 = arith.andi %and3A_839, %lt3A_842 : vector<320x640xi1>
      %get3A_844 = arith.constant 31 : index
      %get3A_845 = memref.load %arg1[%get3A_844] : memref<45xf32, #tpu.memory_space<smem>>
      %jit3A_846 = arith.constant 0.000000e+00 : f32
      %broadcast_in_dim3A_847 = vector.broadcast %get3A_845 : f32 to vector<320x640xf32>
      %broadcast_in_dim3A_848 = vector.broadcast %jit3A_846 : f32 to vector<320x640xf32>
      %select_n3A_849 = arith.select %and3A_843, %broadcast_in_dim3A_847, %broadcast_in_dim3A_848 : vector<320x640xi1>, vector<320x640xf32>
      %add3A_850 = arith.addf %add3A_827, %select_n3A_849 : vector<320x640xf32>
      %add3A_851 = arith.constant 128 : i32
      %add3A_852 = vector.broadcast %add3A_851 : i32 to vector<320x640xi32>
      %add3A_853 = arith.addi %add3A, %add3A_852 : vector<320x640xi32>
      %eq3A_854 = arith.cmpi eq, %iota3A, %add3A_853 : vector<320x640xi32>
      %eq3A_855 = arith.constant 2 : i32
      %eq3A_856 = vector.broadcast %eq3A_855 : i32 to vector<320x640xi32>
      %eq3A_857 = arith.cmpi eq, %sub3A_76, %eq3A_856 : vector<320x640xi32>
      %and3A_858 = arith.andi %eq3A_854, %eq3A_857 : vector<320x640xi1>
      %eq3A_859 = arith.constant 0 : i32
      %eq3A_860 = vector.broadcast %eq3A_859 : i32 to vector<320x640xi32>
      %eq3A_861 = arith.cmpi eq, %sub3A_111, %eq3A_860 : vector<320x640xi32>
      %and3A_862 = arith.andi %and3A_858, %eq3A_861 : vector<320x640xi1>
      %lt3A_863 = arith.constant 24 : i32
      %lt3A_864 = vector.broadcast %lt3A_863 : i32 to vector<320x640xi32>
      %lt3A_865 = arith.cmpi slt, %select_n3A, %lt3A_864 : vector<320x640xi32>
      %and3A_866 = arith.andi %and3A_862, %lt3A_865 : vector<320x640xi1>
      %get3A_867 = arith.constant 32 : index
      %get3A_868 = memref.load %arg1[%get3A_867] : memref<45xf32, #tpu.memory_space<smem>>
      %jit3A_869 = arith.constant 0.000000e+00 : f32
      %broadcast_in_dim3A_870 = vector.broadcast %get3A_868 : f32 to vector<320x640xf32>
      %broadcast_in_dim3A_871 = vector.broadcast %jit3A_869 : f32 to vector<320x640xf32>
      %select_n3A_872 = arith.select %and3A_866, %broadcast_in_dim3A_870, %broadcast_in_dim3A_871 : vector<320x640xi1>, vector<320x640xf32>
      %add3A_873 = arith.addf %add3A_850, %select_n3A_872 : vector<320x640xf32>
      %add3A_874 = arith.constant 192 : i32
      %add3A_875 = vector.broadcast %add3A_874 : i32 to vector<320x640xi32>
      %add3A_876 = arith.addi %add3A, %add3A_875 : vector<320x640xi32>
      %eq3A_877 = arith.cmpi eq, %iota3A, %add3A_876 : vector<320x640xi32>
      %eq3A_878 = arith.constant 2 : i32
      %eq3A_879 = vector.broadcast %eq3A_878 : i32 to vector<320x640xi32>
      %eq3A_880 = arith.cmpi eq, %sub3A_76, %eq3A_879 : vector<320x640xi32>
      %and3A_881 = arith.andi %eq3A_877, %eq3A_880 : vector<320x640xi1>
      %eq3A_882 = arith.constant 0 : i32
      %eq3A_883 = vector.broadcast %eq3A_882 : i32 to vector<320x640xi32>
      %eq3A_884 = arith.cmpi eq, %sub3A_111, %eq3A_883 : vector<320x640xi32>
      %and3A_885 = arith.andi %and3A_881, %eq3A_884 : vector<320x640xi1>
      %lt3A_886 = arith.constant 24 : i32
      %lt3A_887 = vector.broadcast %lt3A_886 : i32 to vector<320x640xi32>
      %lt3A_888 = arith.cmpi slt, %select_n3A, %lt3A_887 : vector<320x640xi32>
      %and3A_889 = arith.andi %and3A_885, %lt3A_888 : vector<320x640xi1>
      %get3A_890 = arith.constant 33 : index
      %get3A_891 = memref.load %arg1[%get3A_890] : memref<45xf32, #tpu.memory_space<smem>>
      %jit3A_892 = arith.constant 0.000000e+00 : f32
      %broadcast_in_dim3A_893 = vector.broadcast %get3A_891 : f32 to vector<320x640xf32>
      %broadcast_in_dim3A_894 = vector.broadcast %jit3A_892 : f32 to vector<320x640xf32>
      %select_n3A_895 = arith.select %and3A_889, %broadcast_in_dim3A_893, %broadcast_in_dim3A_894 : vector<320x640xi1>, vector<320x640xf32>
      %add3A_896 = arith.addf %add3A_873, %select_n3A_895 : vector<320x640xf32>
      %add3A_897 = arith.constant 256 : i32
      %add3A_898 = vector.broadcast %add3A_897 : i32 to vector<320x640xi32>
      %add3A_899 = arith.addi %add3A, %add3A_898 : vector<320x640xi32>
      %eq3A_900 = arith.cmpi eq, %iota3A, %add3A_899 : vector<320x640xi32>
      %eq3A_901 = arith.constant 2 : i32
      %eq3A_902 = vector.broadcast %eq3A_901 : i32 to vector<320x640xi32>
      %eq3A_903 = arith.cmpi eq, %sub3A_76, %eq3A_902 : vector<320x640xi32>
      %and3A_904 = arith.andi %eq3A_900, %eq3A_903 : vector<320x640xi1>
      %eq3A_905 = arith.constant 0 : i32
      %eq3A_906 = vector.broadcast %eq3A_905 : i32 to vector<320x640xi32>
      %eq3A_907 = arith.cmpi eq, %sub3A_111, %eq3A_906 : vector<320x640xi32>
      %and3A_908 = arith.andi %and3A_904, %eq3A_907 : vector<320x640xi1>
      %lt3A_909 = arith.constant 24 : i32
      %lt3A_910 = vector.broadcast %lt3A_909 : i32 to vector<320x640xi32>
      %lt3A_911 = arith.cmpi slt, %select_n3A, %lt3A_910 : vector<320x640xi32>
      %and3A_912 = arith.andi %and3A_908, %lt3A_911 : vector<320x640xi1>
      %get3A_913 = arith.constant 34 : index
      %get3A_914 = memref.load %arg1[%get3A_913] : memref<45xf32, #tpu.memory_space<smem>>
      %jit3A_915 = arith.constant 0.000000e+00 : f32
      %broadcast_in_dim3A_916 = vector.broadcast %get3A_914 : f32 to vector<320x640xf32>
      %broadcast_in_dim3A_917 = vector.broadcast %jit3A_915 : f32 to vector<320x640xf32>
      %select_n3A_918 = arith.select %and3A_912, %broadcast_in_dim3A_916, %broadcast_in_dim3A_917 : vector<320x640xi1>, vector<320x640xf32>
      %add3A_919 = arith.addf %add3A_896, %select_n3A_918 : vector<320x640xf32>
      %add3A_920 = arith.constant 0 : i32
      %add3A_921 = vector.broadcast %add3A_920 : i32 to vector<320x640xi32>
      %add3A_922 = arith.addi %add3A, %add3A_921 : vector<320x640xi32>
      %eq3A_923 = arith.cmpi eq, %iota3A, %add3A_922 : vector<320x640xi32>
      %eq3A_924 = arith.constant 2 : i32
      %eq3A_925 = vector.broadcast %eq3A_924 : i32 to vector<320x640xi32>
      %eq3A_926 = arith.cmpi eq, %sub3A_76, %eq3A_925 : vector<320x640xi32>
      %and3A_927 = arith.andi %eq3A_923, %eq3A_926 : vector<320x640xi1>
      %eq3A_928 = arith.constant 1 : i32
      %eq3A_929 = vector.broadcast %eq3A_928 : i32 to vector<320x640xi32>
      %eq3A_930 = arith.cmpi eq, %sub3A_111, %eq3A_929 : vector<320x640xi32>
      %and3A_931 = arith.andi %and3A_927, %eq3A_930 : vector<320x640xi1>
      %lt3A_932 = arith.constant 24 : i32
      %lt3A_933 = vector.broadcast %lt3A_932 : i32 to vector<320x640xi32>
      %lt3A_934 = arith.cmpi slt, %select_n3A, %lt3A_933 : vector<320x640xi32>
      %and3A_935 = arith.andi %and3A_931, %lt3A_934 : vector<320x640xi1>
      %get3A_936 = arith.constant 35 : index
      %get3A_937 = memref.load %arg1[%get3A_936] : memref<45xf32, #tpu.memory_space<smem>>
      %jit3A_938 = arith.constant 0.000000e+00 : f32
      %broadcast_in_dim3A_939 = vector.broadcast %get3A_937 : f32 to vector<320x640xf32>
      %broadcast_in_dim3A_940 = vector.broadcast %jit3A_938 : f32 to vector<320x640xf32>
      %select_n3A_941 = arith.select %and3A_935, %broadcast_in_dim3A_939, %broadcast_in_dim3A_940 : vector<320x640xi1>, vector<320x640xf32>
      %add3A_942 = arith.addf %add3A_919, %select_n3A_941 : vector<320x640xf32>
      %add3A_943 = arith.constant 64 : i32
      %add3A_944 = vector.broadcast %add3A_943 : i32 to vector<320x640xi32>
      %add3A_945 = arith.addi %add3A, %add3A_944 : vector<320x640xi32>
      %eq3A_946 = arith.cmpi eq, %iota3A, %add3A_945 : vector<320x640xi32>
      %eq3A_947 = arith.constant 2 : i32
      %eq3A_948 = vector.broadcast %eq3A_947 : i32 to vector<320x640xi32>
      %eq3A_949 = arith.cmpi eq, %sub3A_76, %eq3A_948 : vector<320x640xi32>
      %and3A_950 = arith.andi %eq3A_946, %eq3A_949 : vector<320x640xi1>
      %eq3A_951 = arith.constant 1 : i32
      %eq3A_952 = vector.broadcast %eq3A_951 : i32 to vector<320x640xi32>
      %eq3A_953 = arith.cmpi eq, %sub3A_111, %eq3A_952 : vector<320x640xi32>
      %and3A_954 = arith.andi %and3A_950, %eq3A_953 : vector<320x640xi1>
      %lt3A_955 = arith.constant 24 : i32
      %lt3A_956 = vector.broadcast %lt3A_955 : i32 to vector<320x640xi32>
      %lt3A_957 = arith.cmpi slt, %select_n3A, %lt3A_956 : vector<320x640xi32>
      %and3A_958 = arith.andi %and3A_954, %lt3A_957 : vector<320x640xi1>
      %get3A_959 = arith.constant 36 : index
      %get3A_960 = memref.load %arg1[%get3A_959] : memref<45xf32, #tpu.memory_space<smem>>
      %jit3A_961 = arith.constant 0.000000e+00 : f32
      %broadcast_in_dim3A_962 = vector.broadcast %get3A_960 : f32 to vector<320x640xf32>
      %broadcast_in_dim3A_963 = vector.broadcast %jit3A_961 : f32 to vector<320x640xf32>
      %select_n3A_964 = arith.select %and3A_958, %broadcast_in_dim3A_962, %broadcast_in_dim3A_963 : vector<320x640xi1>, vector<320x640xf32>
      %add3A_965 = arith.addf %add3A_942, %select_n3A_964 : vector<320x640xf32>
      %add3A_966 = arith.constant 128 : i32
      %add3A_967 = vector.broadcast %add3A_966 : i32 to vector<320x640xi32>
      %add3A_968 = arith.addi %add3A, %add3A_967 : vector<320x640xi32>
      %eq3A_969 = arith.cmpi eq, %iota3A, %add3A_968 : vector<320x640xi32>
      %eq3A_970 = arith.constant 2 : i32
      %eq3A_971 = vector.broadcast %eq3A_970 : i32 to vector<320x640xi32>
      %eq3A_972 = arith.cmpi eq, %sub3A_76, %eq3A_971 : vector<320x640xi32>
      %and3A_973 = arith.andi %eq3A_969, %eq3A_972 : vector<320x640xi1>
      %eq3A_974 = arith.constant 1 : i32
      %eq3A_975 = vector.broadcast %eq3A_974 : i32 to vector<320x640xi32>
      %eq3A_976 = arith.cmpi eq, %sub3A_111, %eq3A_975 : vector<320x640xi32>
      %and3A_977 = arith.andi %and3A_973, %eq3A_976 : vector<320x640xi1>
      %lt3A_978 = arith.constant 24 : i32
      %lt3A_979 = vector.broadcast %lt3A_978 : i32 to vector<320x640xi32>
      %lt3A_980 = arith.cmpi slt, %select_n3A, %lt3A_979 : vector<320x640xi32>
      %and3A_981 = arith.andi %and3A_977, %lt3A_980 : vector<320x640xi1>
      %get3A_982 = arith.constant 37 : index
      %get3A_983 = memref.load %arg1[%get3A_982] : memref<45xf32, #tpu.memory_space<smem>>
      %jit3A_984 = arith.constant 0.000000e+00 : f32
      %broadcast_in_dim3A_985 = vector.broadcast %get3A_983 : f32 to vector<320x640xf32>
      %broadcast_in_dim3A_986 = vector.broadcast %jit3A_984 : f32 to vector<320x640xf32>
      %select_n3A_987 = arith.select %and3A_981, %broadcast_in_dim3A_985, %broadcast_in_dim3A_986 : vector<320x640xi1>, vector<320x640xf32>
      %add3A_988 = arith.addf %add3A_965, %select_n3A_987 : vector<320x640xf32>
      %add3A_989 = arith.constant 192 : i32
      %add3A_990 = vector.broadcast %add3A_989 : i32 to vector<320x640xi32>
      %add3A_991 = arith.addi %add3A, %add3A_990 : vector<320x640xi32>
      %eq3A_992 = arith.cmpi eq, %iota3A, %add3A_991 : vector<320x640xi32>
      %eq3A_993 = arith.constant 2 : i32
      %eq3A_994 = vector.broadcast %eq3A_993 : i32 to vector<320x640xi32>
      %eq3A_995 = arith.cmpi eq, %sub3A_76, %eq3A_994 : vector<320x640xi32>
      %and3A_996 = arith.andi %eq3A_992, %eq3A_995 : vector<320x640xi1>
      %eq3A_997 = arith.constant 1 : i32
      %eq3A_998 = vector.broadcast %eq3A_997 : i32 to vector<320x640xi32>
      %eq3A_999 = arith.cmpi eq, %sub3A_111, %eq3A_998 : vector<320x640xi32>
      %and3A_1000 = arith.andi %and3A_996, %eq3A_999 : vector<320x640xi1>
      %lt3A_1001 = arith.constant 24 : i32
      %lt3A_1002 = vector.broadcast %lt3A_1001 : i32 to vector<320x640xi32>
      %lt3A_1003 = arith.cmpi slt, %select_n3A, %lt3A_1002 : vector<320x640xi32>
      %and3A_1004 = arith.andi %and3A_1000, %lt3A_1003 : vector<320x640xi1>
      %get3A_1005 = arith.constant 38 : index
      %get3A_1006 = memref.load %arg1[%get3A_1005] : memref<45xf32, #tpu.memory_space<smem>>
      %jit3A_1007 = arith.constant 0.000000e+00 : f32
      %broadcast_in_dim3A_1008 = vector.broadcast %get3A_1006 : f32 to vector<320x640xf32>
      %broadcast_in_dim3A_1009 = vector.broadcast %jit3A_1007 : f32 to vector<320x640xf32>
      %select_n3A_1010 = arith.select %and3A_1004, %broadcast_in_dim3A_1008, %broadcast_in_dim3A_1009 : vector<320x640xi1>, vector<320x640xf32>
      %add3A_1011 = arith.addf %add3A_988, %select_n3A_1010 : vector<320x640xf32>
      %add3A_1012 = arith.constant 256 : i32
      %add3A_1013 = vector.broadcast %add3A_1012 : i32 to vector<320x640xi32>
      %add3A_1014 = arith.addi %add3A, %add3A_1013 : vector<320x640xi32>
      %eq3A_1015 = arith.cmpi eq, %iota3A, %add3A_1014 : vector<320x640xi32>
      %eq3A_1016 = arith.constant 2 : i32
      %eq3A_1017 = vector.broadcast %eq3A_1016 : i32 to vector<320x640xi32>
      %eq3A_1018 = arith.cmpi eq, %sub3A_76, %eq3A_1017 : vector<320x640xi32>
      %and3A_1019 = arith.andi %eq3A_1015, %eq3A_1018 : vector<320x640xi1>
      %eq3A_1020 = arith.constant 1 : i32
      %eq3A_1021 = vector.broadcast %eq3A_1020 : i32 to vector<320x640xi32>
      %eq3A_1022 = arith.cmpi eq, %sub3A_111, %eq3A_1021 : vector<320x640xi32>
      %and3A_1023 = arith.andi %and3A_1019, %eq3A_1022 : vector<320x640xi1>
      %lt3A_1024 = arith.constant 24 : i32
      %lt3A_1025 = vector.broadcast %lt3A_1024 : i32 to vector<320x640xi32>
      %lt3A_1026 = arith.cmpi slt, %select_n3A, %lt3A_1025 : vector<320x640xi32>
      %and3A_1027 = arith.andi %and3A_1023, %lt3A_1026 : vector<320x640xi1>
      %get3A_1028 = arith.constant 39 : index
      %get3A_1029 = memref.load %arg1[%get3A_1028] : memref<45xf32, #tpu.memory_space<smem>>
      %jit3A_1030 = arith.constant 0.000000e+00 : f32
      %broadcast_in_dim3A_1031 = vector.broadcast %get3A_1029 : f32 to vector<320x640xf32>
      %broadcast_in_dim3A_1032 = vector.broadcast %jit3A_1030 : f32 to vector<320x640xf32>
      %select_n3A_1033 = arith.select %and3A_1027, %broadcast_in_dim3A_1031, %broadcast_in_dim3A_1032 : vector<320x640xi1>, vector<320x640xf32>
      %add3A_1034 = arith.addf %add3A_1011, %select_n3A_1033 : vector<320x640xf32>
      %add3A_1035 = arith.constant 0 : i32
      %add3A_1036 = vector.broadcast %add3A_1035 : i32 to vector<320x640xi32>
      %add3A_1037 = arith.addi %add3A, %add3A_1036 : vector<320x640xi32>
      %eq3A_1038 = arith.cmpi eq, %iota3A, %add3A_1037 : vector<320x640xi32>
      %eq3A_1039 = arith.constant 2 : i32
      %eq3A_1040 = vector.broadcast %eq3A_1039 : i32 to vector<320x640xi32>
      %eq3A_1041 = arith.cmpi eq, %sub3A_76, %eq3A_1040 : vector<320x640xi32>
      %and3A_1042 = arith.andi %eq3A_1038, %eq3A_1041 : vector<320x640xi1>
      %eq3A_1043 = arith.constant 2 : i32
      %eq3A_1044 = vector.broadcast %eq3A_1043 : i32 to vector<320x640xi32>
      %eq3A_1045 = arith.cmpi eq, %sub3A_111, %eq3A_1044 : vector<320x640xi32>
      %and3A_1046 = arith.andi %and3A_1042, %eq3A_1045 : vector<320x640xi1>
      %lt3A_1047 = arith.constant 24 : i32
      %lt3A_1048 = vector.broadcast %lt3A_1047 : i32 to vector<320x640xi32>
      %lt3A_1049 = arith.cmpi slt, %select_n3A, %lt3A_1048 : vector<320x640xi32>
      %and3A_1050 = arith.andi %and3A_1046, %lt3A_1049 : vector<320x640xi1>
      %get3A_1051 = arith.constant 40 : index
      %get3A_1052 = memref.load %arg1[%get3A_1051] : memref<45xf32, #tpu.memory_space<smem>>
      %jit3A_1053 = arith.constant 0.000000e+00 : f32
      %broadcast_in_dim3A_1054 = vector.broadcast %get3A_1052 : f32 to vector<320x640xf32>
      %broadcast_in_dim3A_1055 = vector.broadcast %jit3A_1053 : f32 to vector<320x640xf32>
      %select_n3A_1056 = arith.select %and3A_1050, %broadcast_in_dim3A_1054, %broadcast_in_dim3A_1055 : vector<320x640xi1>, vector<320x640xf32>
      %add3A_1057 = arith.addf %add3A_1034, %select_n3A_1056 : vector<320x640xf32>
      %add3A_1058 = arith.constant 64 : i32
      %add3A_1059 = vector.broadcast %add3A_1058 : i32 to vector<320x640xi32>
      %add3A_1060 = arith.addi %add3A, %add3A_1059 : vector<320x640xi32>
      %eq3A_1061 = arith.cmpi eq, %iota3A, %add3A_1060 : vector<320x640xi32>
      %eq3A_1062 = arith.constant 2 : i32
      %eq3A_1063 = vector.broadcast %eq3A_1062 : i32 to vector<320x640xi32>
      %eq3A_1064 = arith.cmpi eq, %sub3A_76, %eq3A_1063 : vector<320x640xi32>
      %and3A_1065 = arith.andi %eq3A_1061, %eq3A_1064 : vector<320x640xi1>
      %eq3A_1066 = arith.constant 2 : i32
      %eq3A_1067 = vector.broadcast %eq3A_1066 : i32 to vector<320x640xi32>
      %eq3A_1068 = arith.cmpi eq, %sub3A_111, %eq3A_1067 : vector<320x640xi32>
      %and3A_1069 = arith.andi %and3A_1065, %eq3A_1068 : vector<320x640xi1>
      %lt3A_1070 = arith.constant 24 : i32
      %lt3A_1071 = vector.broadcast %lt3A_1070 : i32 to vector<320x640xi32>
      %lt3A_1072 = arith.cmpi slt, %select_n3A, %lt3A_1071 : vector<320x640xi32>
      %and3A_1073 = arith.andi %and3A_1069, %lt3A_1072 : vector<320x640xi1>
      %get3A_1074 = arith.constant 41 : index
      %get3A_1075 = memref.load %arg1[%get3A_1074] : memref<45xf32, #tpu.memory_space<smem>>
      %jit3A_1076 = arith.constant 0.000000e+00 : f32
      %broadcast_in_dim3A_1077 = vector.broadcast %get3A_1075 : f32 to vector<320x640xf32>
      %broadcast_in_dim3A_1078 = vector.broadcast %jit3A_1076 : f32 to vector<320x640xf32>
      %select_n3A_1079 = arith.select %and3A_1073, %broadcast_in_dim3A_1077, %broadcast_in_dim3A_1078 : vector<320x640xi1>, vector<320x640xf32>
      %add3A_1080 = arith.addf %add3A_1057, %select_n3A_1079 : vector<320x640xf32>
      %add3A_1081 = arith.constant 128 : i32
      %add3A_1082 = vector.broadcast %add3A_1081 : i32 to vector<320x640xi32>
      %add3A_1083 = arith.addi %add3A, %add3A_1082 : vector<320x640xi32>
      %eq3A_1084 = arith.cmpi eq, %iota3A, %add3A_1083 : vector<320x640xi32>
      %eq3A_1085 = arith.constant 2 : i32
      %eq3A_1086 = vector.broadcast %eq3A_1085 : i32 to vector<320x640xi32>
      %eq3A_1087 = arith.cmpi eq, %sub3A_76, %eq3A_1086 : vector<320x640xi32>
      %and3A_1088 = arith.andi %eq3A_1084, %eq3A_1087 : vector<320x640xi1>
      %eq3A_1089 = arith.constant 2 : i32
      %eq3A_1090 = vector.broadcast %eq3A_1089 : i32 to vector<320x640xi32>
      %eq3A_1091 = arith.cmpi eq, %sub3A_111, %eq3A_1090 : vector<320x640xi32>
      %and3A_1092 = arith.andi %and3A_1088, %eq3A_1091 : vector<320x640xi1>
      %lt3A_1093 = arith.constant 24 : i32
      %lt3A_1094 = vector.broadcast %lt3A_1093 : i32 to vector<320x640xi32>
      %lt3A_1095 = arith.cmpi slt, %select_n3A, %lt3A_1094 : vector<320x640xi32>
      %and3A_1096 = arith.andi %and3A_1092, %lt3A_1095 : vector<320x640xi1>
      %get3A_1097 = arith.constant 42 : index
      %get3A_1098 = memref.load %arg1[%get3A_1097] : memref<45xf32, #tpu.memory_space<smem>>
      %jit3A_1099 = arith.constant 0.000000e+00 : f32
      %broadcast_in_dim3A_1100 = vector.broadcast %get3A_1098 : f32 to vector<320x640xf32>
      %broadcast_in_dim3A_1101 = vector.broadcast %jit3A_1099 : f32 to vector<320x640xf32>
      %select_n3A_1102 = arith.select %and3A_1096, %broadcast_in_dim3A_1100, %broadcast_in_dim3A_1101 : vector<320x640xi1>, vector<320x640xf32>
      %add3A_1103 = arith.addf %add3A_1080, %select_n3A_1102 : vector<320x640xf32>
      %add3A_1104 = arith.constant 192 : i32
      %add3A_1105 = vector.broadcast %add3A_1104 : i32 to vector<320x640xi32>
      %add3A_1106 = arith.addi %add3A, %add3A_1105 : vector<320x640xi32>
      %eq3A_1107 = arith.cmpi eq, %iota3A, %add3A_1106 : vector<320x640xi32>
      %eq3A_1108 = arith.constant 2 : i32
      %eq3A_1109 = vector.broadcast %eq3A_1108 : i32 to vector<320x640xi32>
      %eq3A_1110 = arith.cmpi eq, %sub3A_76, %eq3A_1109 : vector<320x640xi32>
      %and3A_1111 = arith.andi %eq3A_1107, %eq3A_1110 : vector<320x640xi1>
      %eq3A_1112 = arith.constant 2 : i32
      %eq3A_1113 = vector.broadcast %eq3A_1112 : i32 to vector<320x640xi32>
      %eq3A_1114 = arith.cmpi eq, %sub3A_111, %eq3A_1113 : vector<320x640xi32>
      %and3A_1115 = arith.andi %and3A_1111, %eq3A_1114 : vector<320x640xi1>
      %lt3A_1116 = arith.constant 24 : i32
      %lt3A_1117 = vector.broadcast %lt3A_1116 : i32 to vector<320x640xi32>
      %lt3A_1118 = arith.cmpi slt, %select_n3A, %lt3A_1117 : vector<320x640xi32>
      %and3A_1119 = arith.andi %and3A_1115, %lt3A_1118 : vector<320x640xi1>
      %get3A_1120 = arith.constant 43 : index
      %get3A_1121 = memref.load %arg1[%get3A_1120] : memref<45xf32, #tpu.memory_space<smem>>
      %jit3A_1122 = arith.constant 0.000000e+00 : f32
      %broadcast_in_dim3A_1123 = vector.broadcast %get3A_1121 : f32 to vector<320x640xf32>
      %broadcast_in_dim3A_1124 = vector.broadcast %jit3A_1122 : f32 to vector<320x640xf32>
      %select_n3A_1125 = arith.select %and3A_1119, %broadcast_in_dim3A_1123, %broadcast_in_dim3A_1124 : vector<320x640xi1>, vector<320x640xf32>
      %add3A_1126 = arith.addf %add3A_1103, %select_n3A_1125 : vector<320x640xf32>
      %add3A_1127 = arith.constant 256 : i32
      %add3A_1128 = vector.broadcast %add3A_1127 : i32 to vector<320x640xi32>
      %add3A_1129 = arith.addi %add3A, %add3A_1128 : vector<320x640xi32>
      %eq3A_1130 = arith.cmpi eq, %iota3A, %add3A_1129 : vector<320x640xi32>
      %eq3A_1131 = arith.constant 2 : i32
      %eq3A_1132 = vector.broadcast %eq3A_1131 : i32 to vector<320x640xi32>
      %eq3A_1133 = arith.cmpi eq, %sub3A_76, %eq3A_1132 : vector<320x640xi32>
      %and3A_1134 = arith.andi %eq3A_1130, %eq3A_1133 : vector<320x640xi1>
      %eq3A_1135 = arith.constant 2 : i32
      %eq3A_1136 = vector.broadcast %eq3A_1135 : i32 to vector<320x640xi32>
      %eq3A_1137 = arith.cmpi eq, %sub3A_111, %eq3A_1136 : vector<320x640xi32>
      %and3A_1138 = arith.andi %and3A_1134, %eq3A_1137 : vector<320x640xi1>
      %lt3A_1139 = arith.constant 24 : i32
      %lt3A_1140 = vector.broadcast %lt3A_1139 : i32 to vector<320x640xi32>
      %lt3A_1141 = arith.cmpi slt, %select_n3A, %lt3A_1140 : vector<320x640xi32>
      %and3A_1142 = arith.andi %and3A_1138, %lt3A_1141 : vector<320x640xi1>
      %get3A_1143 = arith.constant 44 : index
      %get3A_1144 = memref.load %arg1[%get3A_1143] : memref<45xf32, #tpu.memory_space<smem>>
      %jit3A_1145 = arith.constant 0.000000e+00 : f32
      %broadcast_in_dim3A_1146 = vector.broadcast %get3A_1144 : f32 to vector<320x640xf32>
      %broadcast_in_dim3A_1147 = vector.broadcast %jit3A_1145 : f32 to vector<320x640xf32>
      %select_n3A_1148 = arith.select %and3A_1142, %broadcast_in_dim3A_1146, %broadcast_in_dim3A_1147 : vector<320x640xi1>, vector<320x640xf32>
      %add3A_1149 = arith.addf %add3A_1126, %select_n3A_1148 : vector<320x640xf32>
      %swap3A_1150 = arith.constant 0 : index
      %swap3A_1151 = arith.constant 0 : index
      %swap3A_1152 = vector.load %arg4[%swap3A_1150, %swap3A_1151] : memref<320x640xf32, #tpu.memory_space<vmem>>, vector<320x640xf32>
      tpu.vector_store %arg4[%swap3A_1150, %swap3A_1151], %add3A_1149 {strides = array<i32>} : memref<320x640xf32, #tpu.memory_space<vmem>>, vector<320x640xf32>,
    } else {
    }
    %get3A = arith.constant 0 : index
    %get3A_2 = arith.constant 0 : index
    %get3A_3 = arith.constant 0 : index
    %get3A_4 = vector.load %arg2[%get3A, %get3A_2, %get3A_3] : memref<1x512x320xf32, #tpu.memory_space<vmem>>, vector<1x512x320xf32>
    %get3A_5 = vector.shape_cast %get3A_4 : vector<1x512x320xf32> to vector<512x320xf32>
    %get3A_6 = arith.constant 0 : index
    %get3A_7 = arith.constant 0 : index
    %get3A_8 = vector.load %arg4[%get3A_6, %get3A_7] : memref<320x640xf32, #tpu.memory_space<vmem>>, vector<320x640xf32>
    %dot_general3A = arith.constant dense<0.000000e+00> : vector<512x640xf32>
    %dot_general3A_9 = tpu.matmul %get3A_5, %get3A_8, %dot_general3A {dimension_numbers = #tpu.dot_dimension_numbers<[1], [0], [0], [1], [0, 0, 1, 1], [], []>, transpose_lhs_hint = false} : vector<512x320xf32>, vector<320x640xf32>, vector<512x640xf32> -> vector<512x640xf32>
    %swap3A = arith.constant 0 : index
    %swap3A_10 = arith.constant 0 : index
    %swap3A_11 = arith.constant 0 : index
    %swap3A_12 = vector.load %arg3[%swap3A, %swap3A_10, %swap3A_11] : memref<1x512x640xf32, #tpu.memory_space<vmem>>, vector<1x512x640xf32>
    %swap3A_13 = vector.shape_cast %swap3A_12 : vector<1x512x640xf32> to vector<512x640xf32>
    %swap3A_14 = vector.shape_cast %dot_general3A_9 : vector<512x640xf32> to vector<1x512x640xf32>
    tpu.vector_store %arg3[%swap3A, %swap3A_10, %swap3A_11], %swap3A_14 {strides = array<i32>} : memref<1x512x640xf32, #tpu.memory_space<vmem>>, vector<1x512x640xf32>,
    return
  }
  func.func @transform_0(%arg0: i32) -> i32 {
    %c0_i32 = arith.constant 0 : i32
    %c0_i32_0 = arith.constant 0 : i32
    return %c0_i32 : i32
  }
  func.func @transform_1(%arg0: i32) -> (i32, i32, i32) {
    %c0_i32 = arith.constant 0 : i32
    %c0_i32_0 = arith.constant 0 : i32
    %c0_i32_1 = arith.constant 0 : i32
    return %arg0, %c0_i32, %c0_i32_0 : i32, i32, i32
  }
  func.func @transform_2(%arg0: i32) -> (i32, i32, i32) {
    %c0_i32 = arith.constant 0 : i32
    %c0_i32_0 = arith.constant 0 : i32
    %c0_i32_1 = arith.constant 0 : i32
    return %arg0, %c0_i32, %c0_i32_0 : i32, i32, i32
  }
}

module attributes {stable_mosaic.version = 14 : i64} {
  func.func @_seg_body(%arg0: i32, %arg1: memref<1x1x512xi32, #tpu.memory_space<vmem>>, %arg2: memref<1x1x512xi32, #tpu.memory_space<vmem>>, %arg3: memref<1x1x512xi32, #tpu.memory_space<vmem>>, %arg4: memref<1x512x640xf32, #tpu.memory_space<vmem>>, %arg5: memref<18x512x640xf32, #tpu.memory_space<vmem>>) attributes {dimension_semantics = [#tpu.dimension_semantics<arbitrary>], iteration_bounds = array<i64: 18>, scalar_prefetch = 0 : i64, scratch_operands = 0 : i64, tpu.core_type = #tpu.core_type<tc>, window_params = [{transform_indices = @transform_0, window_bounds = array<i64: 1, 1, 512>}, {transform_indices = @transform_1, window_bounds = array<i64: 1, 1, 512>}, {transform_indices = @transform_2, window_bounds = array<i64: 1, 1, 512>}, {transform_indices = @transform_3, window_bounds = array<i64: 1, 512, 640>}, {pipeline_mode = #tpu.pipeline_mode<synchronous>, transform_indices = @transform_4, window_bounds = array<i64: 18, 512, 640>}]} {
    %get3A = arith.constant 0 : index
    %get3A_0 = arith.constant 0 : index
    %get3A_1 = arith.constant 0 : index
    %get3A_2 = vector.load %arg1[%get3A, %get3A_0, %get3A_1] : memref<1x1x512xi32, #tpu.memory_space<vmem>>, vector<1x1x512xi32>
    %get3A_3 = vector.shape_cast %get3A_2 : vector<1x1x512xi32> to vector<512xi32>
    %get3A_4 = arith.constant 0 : index
    %get3A_5 = arith.constant 0 : index
    %get3A_6 = arith.constant 0 : index
    %get3A_7 = vector.load %arg2[%get3A_4, %get3A_5, %get3A_6] : memref<1x1x512xi32, #tpu.memory_space<vmem>>, vector<1x1x512xi32>
    %get3A_8 = vector.shape_cast %get3A_7 : vector<1x1x512xi32> to vector<512xi32>
    %get3A_9 = arith.constant 0 : index
    %get3A_10 = arith.constant 0 : index
    %get3A_11 = arith.constant 0 : index
    %get3A_12 = vector.load %arg3[%get3A_9, %get3A_10, %get3A_11] : memref<1x1x512xi32, #tpu.memory_space<vmem>>, vector<1x1x512xi32>
    %get3A_13 = vector.shape_cast %get3A_12 : vector<1x1x512xi32> to vector<512xi32>
    %mul3A = arith.constant 48 : i32
    %mul3A_14 = vector.broadcast %mul3A : i32 to vector<512xi32>
    %mul3A_15 = arith.muli %get3A_3, %mul3A_14 : vector<512xi32>
    %add3A = arith.addi %mul3A_15, %get3A_8 : vector<512xi32>
    %mul3A_16 = arith.constant 48 : i32
    %mul3A_17 = vector.broadcast %mul3A_16 : i32 to vector<512xi32>
    %mul3A_18 = arith.muli %add3A, %mul3A_17 : vector<512xi32>
    %add3A_19 = arith.addi %mul3A_18, %get3A_13 : vector<512xi32>
    %get3A_20 = arith.constant 0 : index
    %get3A_21 = arith.constant 0 : index
    %get3A_22 = arith.constant 0 : index
    %get3A_23 = vector.load %arg4[%get3A_20, %get3A_21, %get3A_22] : memref<1x512x640xf32, #tpu.memory_space<vmem>>, vector<1x512x640xf32>
    %get3A_24 = vector.shape_cast %get3A_23 : vector<1x512x640xf32> to vector<512x640xf32>
    %iota3A = tpu.iota {dimensions = array<i32: 1>} : vector<512x512xi32>
    %add3A_25 = arith.constant 0 : i32
    %add3A_26 = vector.broadcast %add3A_25 : i32 to vector<512x512xi32>
    %add3A_27 = arith.addi %iota3A, %add3A_26 : vector<512x512xi32>
    %broadcast_in_dim3A = vector.shape_cast %add3A_19 : vector<512xi32> to vector<512x1xi32>
    %eq3A = vector.broadcast %broadcast_in_dim3A : vector<512x1xi32> to vector<512x512xi32>
    %eq3A_28 = arith.cmpi eq, %eq3A, %add3A_27 : vector<512x512xi32>
    %convert_element_type3A = arith.extui %eq3A_28 : vector<512x512xi1> to vector<512x512xi32>
    %convert_element_type3A_29 = arith.sitofp %convert_element_type3A : vector<512x512xi32> to vector<512x512xf32>
    %dot_general3A = arith.constant dense<0.000000e+00> : vector<512x640xf32>
    %dot_general3A_30 = tpu.matmul %convert_element_type3A_29, %get3A_24, %dot_general3A {dimension_numbers = #tpu.dot_dimension_numbers<[0], [0], [1], [1], [0, 1, 1, 1], [], []>, transpose_lhs_hint = false} : vector<512x512xf32>, vector<512x640xf32>, vector<512x640xf32> -> vector<512x640xf32>
    %eq3A_31 = arith.constant 0 : i32
    %eq3A_32 = arith.cmpi eq, %arg0, %eq3A_31 : i32
    %convert_element_type3A_33 = arith.extui %eq3A_32 : i1 to i32
    %cond3A = arith.constant 0 : i32
    %cond3A_34 = arith.cmpi ne, %convert_element_type3A_33, %cond3A : i32
    scf.if %cond3A_34 {
      %swap3A = arith.constant 0 : index
      %swap3A_396 = arith.constant 0 : index
      %swap3A_397 = arith.constant 0 : index
      %swap3A_398 = vector.load %arg5[%swap3A, %swap3A_396, %swap3A_397] : memref<18x512x640xf32, #tpu.memory_space<vmem>>, vector<1x512x640xf32>
      %swap3A_399 = vector.shape_cast %swap3A_398 : vector<1x512x640xf32> to vector<512x640xf32>
      %swap3A_400 = vector.shape_cast %dot_general3A_30 : vector<512x640xf32> to vector<1x512x640xf32>
      tpu.vector_store %arg5[%swap3A, %swap3A_396, %swap3A_397], %swap3A_400 {strides = array<i32>} : memref<18x512x640xf32, #tpu.memory_space<vmem>>, vector<1x512x640xf32>,
    } else {
    }
    %ne3A = arith.constant 0 : i32
    %ne3A_35 = arith.cmpi ne, %arg0, %ne3A : i32
    %convert_element_type3A_36 = arith.extui %ne3A_35 : i1 to i32
    %cond3A_37 = arith.constant 0 : i32
    %cond3A_38 = arith.cmpi ne, %convert_element_type3A_36, %cond3A_37 : i32
    scf.if %cond3A_38 {
      %get3A_396 = arith.constant 0 : index
      %get3A_397 = arith.constant 0 : index
      %get3A_398 = arith.constant 0 : index
      %get3A_399 = vector.load %arg5[%get3A_396, %get3A_397, %get3A_398] : memref<18x512x640xf32, #tpu.memory_space<vmem>>, vector<1x512x640xf32>
      %get3A_400 = vector.shape_cast %get3A_399 : vector<1x512x640xf32> to vector<512x640xf32>
      %add3A_401 = arith.addf %get3A_400, %dot_general3A_30 : vector<512x640xf32>
      %swap3A = arith.constant 0 : index
      %swap3A_402 = arith.constant 0 : index
      %swap3A_403 = arith.constant 0 : index
      %swap3A_404 = vector.load %arg5[%swap3A, %swap3A_402, %swap3A_403] : memref<18x512x640xf32, #tpu.memory_space<vmem>>, vector<1x512x640xf32>
      %swap3A_405 = vector.shape_cast %swap3A_404 : vector<1x512x640xf32> to vector<512x640xf32>
      %swap3A_406 = vector.shape_cast %add3A_401 : vector<512x640xf32> to vector<1x512x640xf32>
      tpu.vector_store %arg5[%swap3A, %swap3A_402, %swap3A_403], %swap3A_406 {strides = array<i32>} : memref<18x512x640xf32, #tpu.memory_space<vmem>>, vector<1x512x640xf32>,
    } else {
    }
    %iota3A_39 = tpu.iota {dimensions = array<i32: 1>} : vector<512x512xi32>
    %add3A_40 = arith.constant 512 : i32
    %add3A_41 = vector.broadcast %add3A_40 : i32 to vector<512x512xi32>
    %add3A_42 = arith.addi %iota3A_39, %add3A_41 : vector<512x512xi32>
    %broadcast_in_dim3A_43 = vector.shape_cast %add3A_19 : vector<512xi32> to vector<512x1xi32>
    %eq3A_44 = vector.broadcast %broadcast_in_dim3A_43 : vector<512x1xi32> to vector<512x512xi32>
    %eq3A_45 = arith.cmpi eq, %eq3A_44, %add3A_42 : vector<512x512xi32>
    %convert_element_type3A_46 = arith.extui %eq3A_45 : vector<512x512xi1> to vector<512x512xi32>
    %convert_element_type3A_47 = arith.sitofp %convert_element_type3A_46 : vector<512x512xi32> to vector<512x512xf32>
    %dot_general3A_48 = arith.constant dense<0.000000e+00> : vector<512x640xf32>
    %dot_general3A_49 = tpu.matmul %convert_element_type3A_47, %get3A_24, %dot_general3A_48 {dimension_numbers = #tpu.dot_dimension_numbers<[0], [0], [1], [1], [0, 1, 1, 1], [], []>, transpose_lhs_hint = false} : vector<512x512xf32>, vector<512x640xf32>, vector<512x640xf32> -> vector<512x640xf32>
    %eq3A_50 = arith.constant 0 : i32
    %eq3A_51 = arith.cmpi eq, %arg0, %eq3A_50 : i32
    %convert_element_type3A_52 = arith.extui %eq3A_51 : i1 to i32
    %cond3A_53 = arith.constant 0 : i32
    %cond3A_54 = arith.cmpi ne, %convert_element_type3A_52, %cond3A_53 : i32
    scf.if %cond3A_54 {
      %swap3A = arith.constant 1 : index
      %swap3A_396 = arith.constant 0 : index
      %swap3A_397 = arith.constant 0 : index
      %swap3A_398 = vector.load %arg5[%swap3A, %swap3A_396, %swap3A_397] : memref<18x512x640xf32, #tpu.memory_space<vmem>>, vector<1x512x640xf32>
      %swap3A_399 = vector.shape_cast %swap3A_398 : vector<1x512x640xf32> to vector<512x640xf32>
      %swap3A_400 = vector.shape_cast %dot_general3A_49 : vector<512x640xf32> to vector<1x512x640xf32>
      tpu.vector_store %arg5[%swap3A, %swap3A_396, %swap3A_397], %swap3A_400 {strides = array<i32>} : memref<18x512x640xf32, #tpu.memory_space<vmem>>, vector<1x512x640xf32>,
    } else {
    }
    %ne3A_55 = arith.constant 0 : i32
    %ne3A_56 = arith.cmpi ne, %arg0, %ne3A_55 : i32
    %convert_element_type3A_57 = arith.extui %ne3A_56 : i1 to i32
    %cond3A_58 = arith.constant 0 : i32
    %cond3A_59 = arith.cmpi ne, %convert_element_type3A_57, %cond3A_58 : i32
    scf.if %cond3A_59 {
      %get3A_396 = arith.constant 1 : index
      %get3A_397 = arith.constant 0 : index
      %get3A_398 = arith.constant 0 : index
      %get3A_399 = vector.load %arg5[%get3A_396, %get3A_397, %get3A_398] : memref<18x512x640xf32, #tpu.memory_space<vmem>>, vector<1x512x640xf32>
      %get3A_400 = vector.shape_cast %get3A_399 : vector<1x512x640xf32> to vector<512x640xf32>
      %add3A_401 = arith.addf %get3A_400, %dot_general3A_49 : vector<512x640xf32>
      %swap3A = arith.constant 1 : index
      %swap3A_402 = arith.constant 0 : index
      %swap3A_403 = arith.constant 0 : index
      %swap3A_404 = vector.load %arg5[%swap3A, %swap3A_402, %swap3A_403] : memref<18x512x640xf32, #tpu.memory_space<vmem>>, vector<1x512x640xf32>
      %swap3A_405 = vector.shape_cast %swap3A_404 : vector<1x512x640xf32> to vector<512x640xf32>
      %swap3A_406 = vector.shape_cast %add3A_401 : vector<512x640xf32> to vector<1x512x640xf32>
      tpu.vector_store %arg5[%swap3A, %swap3A_402, %swap3A_403], %swap3A_406 {strides = array<i32>} : memref<18x512x640xf32, #tpu.memory_space<vmem>>, vector<1x512x640xf32>,
    } else {
    }
    %iota3A_60 = tpu.iota {dimensions = array<i32: 1>} : vector<512x512xi32>
    %add3A_61 = arith.constant 1024 : i32
    %add3A_62 = vector.broadcast %add3A_61 : i32 to vector<512x512xi32>
    %add3A_63 = arith.addi %iota3A_60, %add3A_62 : vector<512x512xi32>
    %broadcast_in_dim3A_64 = vector.shape_cast %add3A_19 : vector<512xi32> to vector<512x1xi32>
    %eq3A_65 = vector.broadcast %broadcast_in_dim3A_64 : vector<512x1xi32> to vector<512x512xi32>
    %eq3A_66 = arith.cmpi eq, %eq3A_65, %add3A_63 : vector<512x512xi32>
    %convert_element_type3A_67 = arith.extui %eq3A_66 : vector<512x512xi1> to vector<512x512xi32>
    %convert_element_type3A_68 = arith.sitofp %convert_element_type3A_67 : vector<512x512xi32> to vector<512x512xf32>
    %dot_general3A_69 = arith.constant dense<0.000000e+00> : vector<512x640xf32>
    %dot_general3A_70 = tpu.matmul %convert_element_type3A_68, %get3A_24, %dot_general3A_69 {dimension_numbers = #tpu.dot_dimension_numbers<[0], [0], [1], [1], [0, 1, 1, 1], [], []>, transpose_lhs_hint = false} : vector<512x512xf32>, vector<512x640xf32>, vector<512x640xf32> -> vector<512x640xf32>
    %eq3A_71 = arith.constant 0 : i32
    %eq3A_72 = arith.cmpi eq, %arg0, %eq3A_71 : i32
    %convert_element_type3A_73 = arith.extui %eq3A_72 : i1 to i32
    %cond3A_74 = arith.constant 0 : i32
    %cond3A_75 = arith.cmpi ne, %convert_element_type3A_73, %cond3A_74 : i32
    scf.if %cond3A_75 {
      %swap3A = arith.constant 2 : index
      %swap3A_396 = arith.constant 0 : index
      %swap3A_397 = arith.constant 0 : index
      %swap3A_398 = vector.load %arg5[%swap3A, %swap3A_396, %swap3A_397] : memref<18x512x640xf32, #tpu.memory_space<vmem>>, vector<1x512x640xf32>
      %swap3A_399 = vector.shape_cast %swap3A_398 : vector<1x512x640xf32> to vector<512x640xf32>
      %swap3A_400 = vector.shape_cast %dot_general3A_70 : vector<512x640xf32> to vector<1x512x640xf32>
      tpu.vector_store %arg5[%swap3A, %swap3A_396, %swap3A_397], %swap3A_400 {strides = array<i32>} : memref<18x512x640xf32, #tpu.memory_space<vmem>>, vector<1x512x640xf32>,
    } else {
    }
    %ne3A_76 = arith.constant 0 : i32
    %ne3A_77 = arith.cmpi ne, %arg0, %ne3A_76 : i32
    %convert_element_type3A_78 = arith.extui %ne3A_77 : i1 to i32
    %cond3A_79 = arith.constant 0 : i32
    %cond3A_80 = arith.cmpi ne, %convert_element_type3A_78, %cond3A_79 : i32
    scf.if %cond3A_80 {
      %get3A_396 = arith.constant 2 : index
      %get3A_397 = arith.constant 0 : index
      %get3A_398 = arith.constant 0 : index
      %get3A_399 = vector.load %arg5[%get3A_396, %get3A_397, %get3A_398] : memref<18x512x640xf32, #tpu.memory_space<vmem>>, vector<1x512x640xf32>
      %get3A_400 = vector.shape_cast %get3A_399 : vector<1x512x640xf32> to vector<512x640xf32>
      %add3A_401 = arith.addf %get3A_400, %dot_general3A_70 : vector<512x640xf32>
      %swap3A = arith.constant 2 : index
      %swap3A_402 = arith.constant 0 : index
      %swap3A_403 = arith.constant 0 : index
      %swap3A_404 = vector.load %arg5[%swap3A, %swap3A_402, %swap3A_403] : memref<18x512x640xf32, #tpu.memory_space<vmem>>, vector<1x512x640xf32>
      %swap3A_405 = vector.shape_cast %swap3A_404 : vector<1x512x640xf32> to vector<512x640xf32>
      %swap3A_406 = vector.shape_cast %add3A_401 : vector<512x640xf32> to vector<1x512x640xf32>
      tpu.vector_store %arg5[%swap3A, %swap3A_402, %swap3A_403], %swap3A_406 {strides = array<i32>} : memref<18x512x640xf32, #tpu.memory_space<vmem>>, vector<1x512x640xf32>,
    } else {
    }
    %iota3A_81 = tpu.iota {dimensions = array<i32: 1>} : vector<512x512xi32>
    %add3A_82 = arith.constant 1536 : i32
    %add3A_83 = vector.broadcast %add3A_82 : i32 to vector<512x512xi32>
    %add3A_84 = arith.addi %iota3A_81, %add3A_83 : vector<512x512xi32>
    %broadcast_in_dim3A_85 = vector.shape_cast %add3A_19 : vector<512xi32> to vector<512x1xi32>
    %eq3A_86 = vector.broadcast %broadcast_in_dim3A_85 : vector<512x1xi32> to vector<512x512xi32>
    %eq3A_87 = arith.cmpi eq, %eq3A_86, %add3A_84 : vector<512x512xi32>
    %convert_element_type3A_88 = arith.extui %eq3A_87 : vector<512x512xi1> to vector<512x512xi32>
    %convert_element_type3A_89 = arith.sitofp %convert_element_type3A_88 : vector<512x512xi32> to vector<512x512xf32>
    %dot_general3A_90 = arith.constant dense<0.000000e+00> : vector<512x640xf32>
    %dot_general3A_91 = tpu.matmul %convert_element_type3A_89, %get3A_24, %dot_general3A_90 {dimension_numbers = #tpu.dot_dimension_numbers<[0], [0], [1], [1], [0, 1, 1, 1], [], []>, transpose_lhs_hint = false} : vector<512x512xf32>, vector<512x640xf32>, vector<512x640xf32> -> vector<512x640xf32>
    %eq3A_92 = arith.constant 0 : i32
    %eq3A_93 = arith.cmpi eq, %arg0, %eq3A_92 : i32
    %convert_element_type3A_94 = arith.extui %eq3A_93 : i1 to i32
    %cond3A_95 = arith.constant 0 : i32
    %cond3A_96 = arith.cmpi ne, %convert_element_type3A_94, %cond3A_95 : i32
    scf.if %cond3A_96 {
      %swap3A = arith.constant 3 : index
      %swap3A_396 = arith.constant 0 : index
      %swap3A_397 = arith.constant 0 : index
      %swap3A_398 = vector.load %arg5[%swap3A, %swap3A_396, %swap3A_397] : memref<18x512x640xf32, #tpu.memory_space<vmem>>, vector<1x512x640xf32>
      %swap3A_399 = vector.shape_cast %swap3A_398 : vector<1x512x640xf32> to vector<512x640xf32>
      %swap3A_400 = vector.shape_cast %dot_general3A_91 : vector<512x640xf32> to vector<1x512x640xf32>
      tpu.vector_store %arg5[%swap3A, %swap3A_396, %swap3A_397], %swap3A_400 {strides = array<i32>} : memref<18x512x640xf32, #tpu.memory_space<vmem>>, vector<1x512x640xf32>,
    } else {
    }
    %ne3A_97 = arith.constant 0 : i32
    %ne3A_98 = arith.cmpi ne, %arg0, %ne3A_97 : i32
    %convert_element_type3A_99 = arith.extui %ne3A_98 : i1 to i32
    %cond3A_100 = arith.constant 0 : i32
    %cond3A_101 = arith.cmpi ne, %convert_element_type3A_99, %cond3A_100 : i32
    scf.if %cond3A_101 {
      %get3A_396 = arith.constant 3 : index
      %get3A_397 = arith.constant 0 : index
      %get3A_398 = arith.constant 0 : index
      %get3A_399 = vector.load %arg5[%get3A_396, %get3A_397, %get3A_398] : memref<18x512x640xf32, #tpu.memory_space<vmem>>, vector<1x512x640xf32>
      %get3A_400 = vector.shape_cast %get3A_399 : vector<1x512x640xf32> to vector<512x640xf32>
      %add3A_401 = arith.addf %get3A_400, %dot_general3A_91 : vector<512x640xf32>
      %swap3A = arith.constant 3 : index
      %swap3A_402 = arith.constant 0 : index
      %swap3A_403 = arith.constant 0 : index
      %swap3A_404 = vector.load %arg5[%swap3A, %swap3A_402, %swap3A_403] : memref<18x512x640xf32, #tpu.memory_space<vmem>>, vector<1x512x640xf32>
      %swap3A_405 = vector.shape_cast %swap3A_404 : vector<1x512x640xf32> to vector<512x640xf32>
      %swap3A_406 = vector.shape_cast %add3A_401 : vector<512x640xf32> to vector<1x512x640xf32>
      tpu.vector_store %arg5[%swap3A, %swap3A_402, %swap3A_403], %swap3A_406 {strides = array<i32>} : memref<18x512x640xf32, #tpu.memory_space<vmem>>, vector<1x512x640xf32>,
    } else {
    }
    %iota3A_102 = tpu.iota {dimensions = array<i32: 1>} : vector<512x512xi32>
    %add3A_103 = arith.constant 2048 : i32
    %add3A_104 = vector.broadcast %add3A_103 : i32 to vector<512x512xi32>
    %add3A_105 = arith.addi %iota3A_102, %add3A_104 : vector<512x512xi32>
    %broadcast_in_dim3A_106 = vector.shape_cast %add3A_19 : vector<512xi32> to vector<512x1xi32>
    %eq3A_107 = vector.broadcast %broadcast_in_dim3A_106 : vector<512x1xi32> to vector<512x512xi32>
    %eq3A_108 = arith.cmpi eq, %eq3A_107, %add3A_105 : vector<512x512xi32>
    %convert_element_type3A_109 = arith.extui %eq3A_108 : vector<512x512xi1> to vector<512x512xi32>
    %convert_element_type3A_110 = arith.sitofp %convert_element_type3A_109 : vector<512x512xi32> to vector<512x512xf32>
    %dot_general3A_111 = arith.constant dense<0.000000e+00> : vector<512x640xf32>
    %dot_general3A_112 = tpu.matmul %convert_element_type3A_110, %get3A_24, %dot_general3A_111 {dimension_numbers = #tpu.dot_dimension_numbers<[0], [0], [1], [1], [0, 1, 1, 1], [], []>, transpose_lhs_hint = false} : vector<512x512xf32>, vector<512x640xf32>, vector<512x640xf32> -> vector<512x640xf32>
    %eq3A_113 = arith.constant 0 : i32
    %eq3A_114 = arith.cmpi eq, %arg0, %eq3A_113 : i32
    %convert_element_type3A_115 = arith.extui %eq3A_114 : i1 to i32
    %cond3A_116 = arith.constant 0 : i32
    %cond3A_117 = arith.cmpi ne, %convert_element_type3A_115, %cond3A_116 : i32
    scf.if %cond3A_117 {
      %swap3A = arith.constant 4 : index
      %swap3A_396 = arith.constant 0 : index
      %swap3A_397 = arith.constant 0 : index
      %swap3A_398 = vector.load %arg5[%swap3A, %swap3A_396, %swap3A_397] : memref<18x512x640xf32, #tpu.memory_space<vmem>>, vector<1x512x640xf32>
      %swap3A_399 = vector.shape_cast %swap3A_398 : vector<1x512x640xf32> to vector<512x640xf32>
      %swap3A_400 = vector.shape_cast %dot_general3A_112 : vector<512x640xf32> to vector<1x512x640xf32>
      tpu.vector_store %arg5[%swap3A, %swap3A_396, %swap3A_397], %swap3A_400 {strides = array<i32>} : memref<18x512x640xf32, #tpu.memory_space<vmem>>, vector<1x512x640xf32>,
    } else {
    }
    %ne3A_118 = arith.constant 0 : i32
    %ne3A_119 = arith.cmpi ne, %arg0, %ne3A_118 : i32
    %convert_element_type3A_120 = arith.extui %ne3A_119 : i1 to i32
    %cond3A_121 = arith.constant 0 : i32
    %cond3A_122 = arith.cmpi ne, %convert_element_type3A_120, %cond3A_121 : i32
    scf.if %cond3A_122 {
      %get3A_396 = arith.constant 4 : index
      %get3A_397 = arith.constant 0 : index
      %get3A_398 = arith.constant 0 : index
      %get3A_399 = vector.load %arg5[%get3A_396, %get3A_397, %get3A_398] : memref<18x512x640xf32, #tpu.memory_space<vmem>>, vector<1x512x640xf32>
      %get3A_400 = vector.shape_cast %get3A_399 : vector<1x512x640xf32> to vector<512x640xf32>
      %add3A_401 = arith.addf %get3A_400, %dot_general3A_112 : vector<512x640xf32>
      %swap3A = arith.constant 4 : index
      %swap3A_402 = arith.constant 0 : index
      %swap3A_403 = arith.constant 0 : index
      %swap3A_404 = vector.load %arg5[%swap3A, %swap3A_402, %swap3A_403] : memref<18x512x640xf32, #tpu.memory_space<vmem>>, vector<1x512x640xf32>
      %swap3A_405 = vector.shape_cast %swap3A_404 : vector<1x512x640xf32> to vector<512x640xf32>
      %swap3A_406 = vector.shape_cast %add3A_401 : vector<512x640xf32> to vector<1x512x640xf32>
      tpu.vector_store %arg5[%swap3A, %swap3A_402, %swap3A_403], %swap3A_406 {strides = array<i32>} : memref<18x512x640xf32, #tpu.memory_space<vmem>>, vector<1x512x640xf32>,
    } else {
    }
    %iota3A_123 = tpu.iota {dimensions = array<i32: 1>} : vector<512x512xi32>
    %add3A_124 = arith.constant 2560 : i32
    %add3A_125 = vector.broadcast %add3A_124 : i32 to vector<512x512xi32>
    %add3A_126 = arith.addi %iota3A_123, %add3A_125 : vector<512x512xi32>
    %broadcast_in_dim3A_127 = vector.shape_cast %add3A_19 : vector<512xi32> to vector<512x1xi32>
    %eq3A_128 = vector.broadcast %broadcast_in_dim3A_127 : vector<512x1xi32> to vector<512x512xi32>
    %eq3A_129 = arith.cmpi eq, %eq3A_128, %add3A_126 : vector<512x512xi32>
    %convert_element_type3A_130 = arith.extui %eq3A_129 : vector<512x512xi1> to vector<512x512xi32>
    %convert_element_type3A_131 = arith.sitofp %convert_element_type3A_130 : vector<512x512xi32> to vector<512x512xf32>
    %dot_general3A_132 = arith.constant dense<0.000000e+00> : vector<512x640xf32>
    %dot_general3A_133 = tpu.matmul %convert_element_type3A_131, %get3A_24, %dot_general3A_132 {dimension_numbers = #tpu.dot_dimension_numbers<[0], [0], [1], [1], [0, 1, 1, 1], [], []>, transpose_lhs_hint = false} : vector<512x512xf32>, vector<512x640xf32>, vector<512x640xf32> -> vector<512x640xf32>
    %eq3A_134 = arith.constant 0 : i32
    %eq3A_135 = arith.cmpi eq, %arg0, %eq3A_134 : i32
    %convert_element_type3A_136 = arith.extui %eq3A_135 : i1 to i32
    %cond3A_137 = arith.constant 0 : i32
    %cond3A_138 = arith.cmpi ne, %convert_element_type3A_136, %cond3A_137 : i32
    scf.if %cond3A_138 {
      %swap3A = arith.constant 5 : index
      %swap3A_396 = arith.constant 0 : index
      %swap3A_397 = arith.constant 0 : index
      %swap3A_398 = vector.load %arg5[%swap3A, %swap3A_396, %swap3A_397] : memref<18x512x640xf32, #tpu.memory_space<vmem>>, vector<1x512x640xf32>
      %swap3A_399 = vector.shape_cast %swap3A_398 : vector<1x512x640xf32> to vector<512x640xf32>
      %swap3A_400 = vector.shape_cast %dot_general3A_133 : vector<512x640xf32> to vector<1x512x640xf32>
      tpu.vector_store %arg5[%swap3A, %swap3A_396, %swap3A_397], %swap3A_400 {strides = array<i32>} : memref<18x512x640xf32, #tpu.memory_space<vmem>>, vector<1x512x640xf32>,
    } else {
    }
    %ne3A_139 = arith.constant 0 : i32
    %ne3A_140 = arith.cmpi ne, %arg0, %ne3A_139 : i32
    %convert_element_type3A_141 = arith.extui %ne3A_140 : i1 to i32
    %cond3A_142 = arith.constant 0 : i32
    %cond3A_143 = arith.cmpi ne, %convert_element_type3A_141, %cond3A_142 : i32
    scf.if %cond3A_143 {
      %get3A_396 = arith.constant 5 : index
      %get3A_397 = arith.constant 0 : index
      %get3A_398 = arith.constant 0 : index
      %get3A_399 = vector.load %arg5[%get3A_396, %get3A_397, %get3A_398] : memref<18x512x640xf32, #tpu.memory_space<vmem>>, vector<1x512x640xf32>
      %get3A_400 = vector.shape_cast %get3A_399 : vector<1x512x640xf32> to vector<512x640xf32>
      %add3A_401 = arith.addf %get3A_400, %dot_general3A_133 : vector<512x640xf32>
      %swap3A = arith.constant 5 : index
      %swap3A_402 = arith.constant 0 : index
      %swap3A_403 = arith.constant 0 : index
      %swap3A_404 = vector.load %arg5[%swap3A, %swap3A_402, %swap3A_403] : memref<18x512x640xf32, #tpu.memory_space<vmem>>, vector<1x512x640xf32>
      %swap3A_405 = vector.shape_cast %swap3A_404 : vector<1x512x640xf32> to vector<512x640xf32>
      %swap3A_406 = vector.shape_cast %add3A_401 : vector<512x640xf32> to vector<1x512x640xf32>
      tpu.vector_store %arg5[%swap3A, %swap3A_402, %swap3A_403], %swap3A_406 {strides = array<i32>} : memref<18x512x640xf32, #tpu.memory_space<vmem>>, vector<1x512x640xf32>,
    } else {
    }
    %iota3A_144 = tpu.iota {dimensions = array<i32: 1>} : vector<512x512xi32>
    %add3A_145 = arith.constant 3072 : i32
    %add3A_146 = vector.broadcast %add3A_145 : i32 to vector<512x512xi32>
    %add3A_147 = arith.addi %iota3A_144, %add3A_146 : vector<512x512xi32>
    %broadcast_in_dim3A_148 = vector.shape_cast %add3A_19 : vector<512xi32> to vector<512x1xi32>
    %eq3A_149 = vector.broadcast %broadcast_in_dim3A_148 : vector<512x1xi32> to vector<512x512xi32>
    %eq3A_150 = arith.cmpi eq, %eq3A_149, %add3A_147 : vector<512x512xi32>
    %convert_element_type3A_151 = arith.extui %eq3A_150 : vector<512x512xi1> to vector<512x512xi32>
    %convert_element_type3A_152 = arith.sitofp %convert_element_type3A_151 : vector<512x512xi32> to vector<512x512xf32>
    %dot_general3A_153 = arith.constant dense<0.000000e+00> : vector<512x640xf32>
    %dot_general3A_154 = tpu.matmul %convert_element_type3A_152, %get3A_24, %dot_general3A_153 {dimension_numbers = #tpu.dot_dimension_numbers<[0], [0], [1], [1], [0, 1, 1, 1], [], []>, transpose_lhs_hint = false} : vector<512x512xf32>, vector<512x640xf32>, vector<512x640xf32> -> vector<512x640xf32>
    %eq3A_155 = arith.constant 0 : i32
    %eq3A_156 = arith.cmpi eq, %arg0, %eq3A_155 : i32
    %convert_element_type3A_157 = arith.extui %eq3A_156 : i1 to i32
    %cond3A_158 = arith.constant 0 : i32
    %cond3A_159 = arith.cmpi ne, %convert_element_type3A_157, %cond3A_158 : i32
    scf.if %cond3A_159 {
      %swap3A = arith.constant 6 : index
      %swap3A_396 = arith.constant 0 : index
      %swap3A_397 = arith.constant 0 : index
      %swap3A_398 = vector.load %arg5[%swap3A, %swap3A_396, %swap3A_397] : memref<18x512x640xf32, #tpu.memory_space<vmem>>, vector<1x512x640xf32>
      %swap3A_399 = vector.shape_cast %swap3A_398 : vector<1x512x640xf32> to vector<512x640xf32>
      %swap3A_400 = vector.shape_cast %dot_general3A_154 : vector<512x640xf32> to vector<1x512x640xf32>
      tpu.vector_store %arg5[%swap3A, %swap3A_396, %swap3A_397], %swap3A_400 {strides = array<i32>} : memref<18x512x640xf32, #tpu.memory_space<vmem>>, vector<1x512x640xf32>,
    } else {
    }
    %ne3A_160 = arith.constant 0 : i32
    %ne3A_161 = arith.cmpi ne, %arg0, %ne3A_160 : i32
    %convert_element_type3A_162 = arith.extui %ne3A_161 : i1 to i32
    %cond3A_163 = arith.constant 0 : i32
    %cond3A_164 = arith.cmpi ne, %convert_element_type3A_162, %cond3A_163 : i32
    scf.if %cond3A_164 {
      %get3A_396 = arith.constant 6 : index
      %get3A_397 = arith.constant 0 : index
      %get3A_398 = arith.constant 0 : index
      %get3A_399 = vector.load %arg5[%get3A_396, %get3A_397, %get3A_398] : memref<18x512x640xf32, #tpu.memory_space<vmem>>, vector<1x512x640xf32>
      %get3A_400 = vector.shape_cast %get3A_399 : vector<1x512x640xf32> to vector<512x640xf32>
      %add3A_401 = arith.addf %get3A_400, %dot_general3A_154 : vector<512x640xf32>
      %swap3A = arith.constant 6 : index
      %swap3A_402 = arith.constant 0 : index
      %swap3A_403 = arith.constant 0 : index
      %swap3A_404 = vector.load %arg5[%swap3A, %swap3A_402, %swap3A_403] : memref<18x512x640xf32, #tpu.memory_space<vmem>>, vector<1x512x640xf32>
      %swap3A_405 = vector.shape_cast %swap3A_404 : vector<1x512x640xf32> to vector<512x640xf32>
      %swap3A_406 = vector.shape_cast %add3A_401 : vector<512x640xf32> to vector<1x512x640xf32>
      tpu.vector_store %arg5[%swap3A, %swap3A_402, %swap3A_403], %swap3A_406 {strides = array<i32>} : memref<18x512x640xf32, #tpu.memory_space<vmem>>, vector<1x512x640xf32>,
    } else {
    }
    %iota3A_165 = tpu.iota {dimensions = array<i32: 1>} : vector<512x512xi32>
    %add3A_166 = arith.constant 3584 : i32
    %add3A_167 = vector.broadcast %add3A_166 : i32 to vector<512x512xi32>
    %add3A_168 = arith.addi %iota3A_165, %add3A_167 : vector<512x512xi32>
    %broadcast_in_dim3A_169 = vector.shape_cast %add3A_19 : vector<512xi32> to vector<512x1xi32>
    %eq3A_170 = vector.broadcast %broadcast_in_dim3A_169 : vector<512x1xi32> to vector<512x512xi32>
    %eq3A_171 = arith.cmpi eq, %eq3A_170, %add3A_168 : vector<512x512xi32>
    %convert_element_type3A_172 = arith.extui %eq3A_171 : vector<512x512xi1> to vector<512x512xi32>
    %convert_element_type3A_173 = arith.sitofp %convert_element_type3A_172 : vector<512x512xi32> to vector<512x512xf32>
    %dot_general3A_174 = arith.constant dense<0.000000e+00> : vector<512x640xf32>
    %dot_general3A_175 = tpu.matmul %convert_element_type3A_173, %get3A_24, %dot_general3A_174 {dimension_numbers = #tpu.dot_dimension_numbers<[0], [0], [1], [1], [0, 1, 1, 1], [], []>, transpose_lhs_hint = false} : vector<512x512xf32>, vector<512x640xf32>, vector<512x640xf32> -> vector<512x640xf32>
    %eq3A_176 = arith.constant 0 : i32
    %eq3A_177 = arith.cmpi eq, %arg0, %eq3A_176 : i32
    %convert_element_type3A_178 = arith.extui %eq3A_177 : i1 to i32
    %cond3A_179 = arith.constant 0 : i32
    %cond3A_180 = arith.cmpi ne, %convert_element_type3A_178, %cond3A_179 : i32
    scf.if %cond3A_180 {
      %swap3A = arith.constant 7 : index
      %swap3A_396 = arith.constant 0 : index
      %swap3A_397 = arith.constant 0 : index
      %swap3A_398 = vector.load %arg5[%swap3A, %swap3A_396, %swap3A_397] : memref<18x512x640xf32, #tpu.memory_space<vmem>>, vector<1x512x640xf32>
      %swap3A_399 = vector.shape_cast %swap3A_398 : vector<1x512x640xf32> to vector<512x640xf32>
      %swap3A_400 = vector.shape_cast %dot_general3A_175 : vector<512x640xf32> to vector<1x512x640xf32>
      tpu.vector_store %arg5[%swap3A, %swap3A_396, %swap3A_397], %swap3A_400 {strides = array<i32>} : memref<18x512x640xf32, #tpu.memory_space<vmem>>, vector<1x512x640xf32>,
    } else {
    }
    %ne3A_181 = arith.constant 0 : i32
    %ne3A_182 = arith.cmpi ne, %arg0, %ne3A_181 : i32
    %convert_element_type3A_183 = arith.extui %ne3A_182 : i1 to i32
    %cond3A_184 = arith.constant 0 : i32
    %cond3A_185 = arith.cmpi ne, %convert_element_type3A_183, %cond3A_184 : i32
    scf.if %cond3A_185 {
      %get3A_396 = arith.constant 7 : index
      %get3A_397 = arith.constant 0 : index
      %get3A_398 = arith.constant 0 : index
      %get3A_399 = vector.load %arg5[%get3A_396, %get3A_397, %get3A_398] : memref<18x512x640xf32, #tpu.memory_space<vmem>>, vector<1x512x640xf32>
      %get3A_400 = vector.shape_cast %get3A_399 : vector<1x512x640xf32> to vector<512x640xf32>
      %add3A_401 = arith.addf %get3A_400, %dot_general3A_175 : vector<512x640xf32>
      %swap3A = arith.constant 7 : index
      %swap3A_402 = arith.constant 0 : index
      %swap3A_403 = arith.constant 0 : index
      %swap3A_404 = vector.load %arg5[%swap3A, %swap3A_402, %swap3A_403] : memref<18x512x640xf32, #tpu.memory_space<vmem>>, vector<1x512x640xf32>
      %swap3A_405 = vector.shape_cast %swap3A_404 : vector<1x512x640xf32> to vector<512x640xf32>
      %swap3A_406 = vector.shape_cast %add3A_401 : vector<512x640xf32> to vector<1x512x640xf32>
      tpu.vector_store %arg5[%swap3A, %swap3A_402, %swap3A_403], %swap3A_406 {strides = array<i32>} : memref<18x512x640xf32, #tpu.memory_space<vmem>>, vector<1x512x640xf32>,
    } else {
    }
    %iota3A_186 = tpu.iota {dimensions = array<i32: 1>} : vector<512x512xi32>
    %add3A_187 = arith.constant 4096 : i32
    %add3A_188 = vector.broadcast %add3A_187 : i32 to vector<512x512xi32>
    %add3A_189 = arith.addi %iota3A_186, %add3A_188 : vector<512x512xi32>
    %broadcast_in_dim3A_190 = vector.shape_cast %add3A_19 : vector<512xi32> to vector<512x1xi32>
    %eq3A_191 = vector.broadcast %broadcast_in_dim3A_190 : vector<512x1xi32> to vector<512x512xi32>
    %eq3A_192 = arith.cmpi eq, %eq3A_191, %add3A_189 : vector<512x512xi32>
    %convert_element_type3A_193 = arith.extui %eq3A_192 : vector<512x512xi1> to vector<512x512xi32>
    %convert_element_type3A_194 = arith.sitofp %convert_element_type3A_193 : vector<512x512xi32> to vector<512x512xf32>
    %dot_general3A_195 = arith.constant dense<0.000000e+00> : vector<512x640xf32>
    %dot_general3A_196 = tpu.matmul %convert_element_type3A_194, %get3A_24, %dot_general3A_195 {dimension_numbers = #tpu.dot_dimension_numbers<[0], [0], [1], [1], [0, 1, 1, 1], [], []>, transpose_lhs_hint = false} : vector<512x512xf32>, vector<512x640xf32>, vector<512x640xf32> -> vector<512x640xf32>
    %eq3A_197 = arith.constant 0 : i32
    %eq3A_198 = arith.cmpi eq, %arg0, %eq3A_197 : i32
    %convert_element_type3A_199 = arith.extui %eq3A_198 : i1 to i32
    %cond3A_200 = arith.constant 0 : i32
    %cond3A_201 = arith.cmpi ne, %convert_element_type3A_199, %cond3A_200 : i32
    scf.if %cond3A_201 {
      %swap3A = arith.constant 8 : index
      %swap3A_396 = arith.constant 0 : index
      %swap3A_397 = arith.constant 0 : index
      %swap3A_398 = vector.load %arg5[%swap3A, %swap3A_396, %swap3A_397] : memref<18x512x640xf32, #tpu.memory_space<vmem>>, vector<1x512x640xf32>
      %swap3A_399 = vector.shape_cast %swap3A_398 : vector<1x512x640xf32> to vector<512x640xf32>
      %swap3A_400 = vector.shape_cast %dot_general3A_196 : vector<512x640xf32> to vector<1x512x640xf32>
      tpu.vector_store %arg5[%swap3A, %swap3A_396, %swap3A_397], %swap3A_400 {strides = array<i32>} : memref<18x512x640xf32, #tpu.memory_space<vmem>>, vector<1x512x640xf32>,
    } else {
    }
    %ne3A_202 = arith.constant 0 : i32
    %ne3A_203 = arith.cmpi ne, %arg0, %ne3A_202 : i32
    %convert_element_type3A_204 = arith.extui %ne3A_203 : i1 to i32
    %cond3A_205 = arith.constant 0 : i32
    %cond3A_206 = arith.cmpi ne, %convert_element_type3A_204, %cond3A_205 : i32
    scf.if %cond3A_206 {
      %get3A_396 = arith.constant 8 : index
      %get3A_397 = arith.constant 0 : index
      %get3A_398 = arith.constant 0 : index
      %get3A_399 = vector.load %arg5[%get3A_396, %get3A_397, %get3A_398] : memref<18x512x640xf32, #tpu.memory_space<vmem>>, vector<1x512x640xf32>
      %get3A_400 = vector.shape_cast %get3A_399 : vector<1x512x640xf32> to vector<512x640xf32>
      %add3A_401 = arith.addf %get3A_400, %dot_general3A_196 : vector<512x640xf32>
      %swap3A = arith.constant 8 : index
      %swap3A_402 = arith.constant 0 : index
      %swap3A_403 = arith.constant 0 : index
      %swap3A_404 = vector.load %arg5[%swap3A, %swap3A_402, %swap3A_403] : memref<18x512x640xf32, #tpu.memory_space<vmem>>, vector<1x512x640xf32>
      %swap3A_405 = vector.shape_cast %swap3A_404 : vector<1x512x640xf32> to vector<512x640xf32>
      %swap3A_406 = vector.shape_cast %add3A_401 : vector<512x640xf32> to vector<1x512x640xf32>
      tpu.vector_store %arg5[%swap3A, %swap3A_402, %swap3A_403], %swap3A_406 {strides = array<i32>} : memref<18x512x640xf32, #tpu.memory_space<vmem>>, vector<1x512x640xf32>,
    } else {
    }
    %iota3A_207 = tpu.iota {dimensions = array<i32: 1>} : vector<512x512xi32>
    %add3A_208 = arith.constant 4608 : i32
    %add3A_209 = vector.broadcast %add3A_208 : i32 to vector<512x512xi32>
    %add3A_210 = arith.addi %iota3A_207, %add3A_209 : vector<512x512xi32>
    %broadcast_in_dim3A_211 = vector.shape_cast %add3A_19 : vector<512xi32> to vector<512x1xi32>
    %eq3A_212 = vector.broadcast %broadcast_in_dim3A_211 : vector<512x1xi32> to vector<512x512xi32>
    %eq3A_213 = arith.cmpi eq, %eq3A_212, %add3A_210 : vector<512x512xi32>
    %convert_element_type3A_214 = arith.extui %eq3A_213 : vector<512x512xi1> to vector<512x512xi32>
    %convert_element_type3A_215 = arith.sitofp %convert_element_type3A_214 : vector<512x512xi32> to vector<512x512xf32>
    %dot_general3A_216 = arith.constant dense<0.000000e+00> : vector<512x640xf32>
    %dot_general3A_217 = tpu.matmul %convert_element_type3A_215, %get3A_24, %dot_general3A_216 {dimension_numbers = #tpu.dot_dimension_numbers<[0], [0], [1], [1], [0, 1, 1, 1], [], []>, transpose_lhs_hint = false} : vector<512x512xf32>, vector<512x640xf32>, vector<512x640xf32> -> vector<512x640xf32>
    %eq3A_218 = arith.constant 0 : i32
    %eq3A_219 = arith.cmpi eq, %arg0, %eq3A_218 : i32
    %convert_element_type3A_220 = arith.extui %eq3A_219 : i1 to i32
    %cond3A_221 = arith.constant 0 : i32
    %cond3A_222 = arith.cmpi ne, %convert_element_type3A_220, %cond3A_221 : i32
    scf.if %cond3A_222 {
      %swap3A = arith.constant 9 : index
      %swap3A_396 = arith.constant 0 : index
      %swap3A_397 = arith.constant 0 : index
      %swap3A_398 = vector.load %arg5[%swap3A, %swap3A_396, %swap3A_397] : memref<18x512x640xf32, #tpu.memory_space<vmem>>, vector<1x512x640xf32>
      %swap3A_399 = vector.shape_cast %swap3A_398 : vector<1x512x640xf32> to vector<512x640xf32>
      %swap3A_400 = vector.shape_cast %dot_general3A_217 : vector<512x640xf32> to vector<1x512x640xf32>
      tpu.vector_store %arg5[%swap3A, %swap3A_396, %swap3A_397], %swap3A_400 {strides = array<i32>} : memref<18x512x640xf32, #tpu.memory_space<vmem>>, vector<1x512x640xf32>,
    } else {
    }
    %ne3A_223 = arith.constant 0 : i32
    %ne3A_224 = arith.cmpi ne, %arg0, %ne3A_223 : i32
    %convert_element_type3A_225 = arith.extui %ne3A_224 : i1 to i32
    %cond3A_226 = arith.constant 0 : i32
    %cond3A_227 = arith.cmpi ne, %convert_element_type3A_225, %cond3A_226 : i32
    scf.if %cond3A_227 {
      %get3A_396 = arith.constant 9 : index
      %get3A_397 = arith.constant 0 : index
      %get3A_398 = arith.constant 0 : index
      %get3A_399 = vector.load %arg5[%get3A_396, %get3A_397, %get3A_398] : memref<18x512x640xf32, #tpu.memory_space<vmem>>, vector<1x512x640xf32>
      %get3A_400 = vector.shape_cast %get3A_399 : vector<1x512x640xf32> to vector<512x640xf32>
      %add3A_401 = arith.addf %get3A_400, %dot_general3A_217 : vector<512x640xf32>
      %swap3A = arith.constant 9 : index
      %swap3A_402 = arith.constant 0 : index
      %swap3A_403 = arith.constant 0 : index
      %swap3A_404 = vector.load %arg5[%swap3A, %swap3A_402, %swap3A_403] : memref<18x512x640xf32, #tpu.memory_space<vmem>>, vector<1x512x640xf32>
      %swap3A_405 = vector.shape_cast %swap3A_404 : vector<1x512x640xf32> to vector<512x640xf32>
      %swap3A_406 = vector.shape_cast %add3A_401 : vector<512x640xf32> to vector<1x512x640xf32>
      tpu.vector_store %arg5[%swap3A, %swap3A_402, %swap3A_403], %swap3A_406 {strides = array<i32>} : memref<18x512x640xf32, #tpu.memory_space<vmem>>, vector<1x512x640xf32>,
    } else {
    }
    %iota3A_228 = tpu.iota {dimensions = array<i32: 1>} : vector<512x512xi32>
    %add3A_229 = arith.constant 5120 : i32
    %add3A_230 = vector.broadcast %add3A_229 : i32 to vector<512x512xi32>
    %add3A_231 = arith.addi %iota3A_228, %add3A_230 : vector<512x512xi32>
    %broadcast_in_dim3A_232 = vector.shape_cast %add3A_19 : vector<512xi32> to vector<512x1xi32>
    %eq3A_233 = vector.broadcast %broadcast_in_dim3A_232 : vector<512x1xi32> to vector<512x512xi32>
    %eq3A_234 = arith.cmpi eq, %eq3A_233, %add3A_231 : vector<512x512xi32>
    %convert_element_type3A_235 = arith.extui %eq3A_234 : vector<512x512xi1> to vector<512x512xi32>
    %convert_element_type3A_236 = arith.sitofp %convert_element_type3A_235 : vector<512x512xi32> to vector<512x512xf32>
    %dot_general3A_237 = arith.constant dense<0.000000e+00> : vector<512x640xf32>
    %dot_general3A_238 = tpu.matmul %convert_element_type3A_236, %get3A_24, %dot_general3A_237 {dimension_numbers = #tpu.dot_dimension_numbers<[0], [0], [1], [1], [0, 1, 1, 1], [], []>, transpose_lhs_hint = false} : vector<512x512xf32>, vector<512x640xf32>, vector<512x640xf32> -> vector<512x640xf32>
    %eq3A_239 = arith.constant 0 : i32
    %eq3A_240 = arith.cmpi eq, %arg0, %eq3A_239 : i32
    %convert_element_type3A_241 = arith.extui %eq3A_240 : i1 to i32
    %cond3A_242 = arith.constant 0 : i32
    %cond3A_243 = arith.cmpi ne, %convert_element_type3A_241, %cond3A_242 : i32
    scf.if %cond3A_243 {
      %swap3A = arith.constant 10 : index
      %swap3A_396 = arith.constant 0 : index
      %swap3A_397 = arith.constant 0 : index
      %swap3A_398 = vector.load %arg5[%swap3A, %swap3A_396, %swap3A_397] : memref<18x512x640xf32, #tpu.memory_space<vmem>>, vector<1x512x640xf32>
      %swap3A_399 = vector.shape_cast %swap3A_398 : vector<1x512x640xf32> to vector<512x640xf32>
      %swap3A_400 = vector.shape_cast %dot_general3A_238 : vector<512x640xf32> to vector<1x512x640xf32>
      tpu.vector_store %arg5[%swap3A, %swap3A_396, %swap3A_397], %swap3A_400 {strides = array<i32>} : memref<18x512x640xf32, #tpu.memory_space<vmem>>, vector<1x512x640xf32>,
    } else {
    }
    %ne3A_244 = arith.constant 0 : i32
    %ne3A_245 = arith.cmpi ne, %arg0, %ne3A_244 : i32
    %convert_element_type3A_246 = arith.extui %ne3A_245 : i1 to i32
    %cond3A_247 = arith.constant 0 : i32
    %cond3A_248 = arith.cmpi ne, %convert_element_type3A_246, %cond3A_247 : i32
    scf.if %cond3A_248 {
      %get3A_396 = arith.constant 10 : index
      %get3A_397 = arith.constant 0 : index
      %get3A_398 = arith.constant 0 : index
      %get3A_399 = vector.load %arg5[%get3A_396, %get3A_397, %get3A_398] : memref<18x512x640xf32, #tpu.memory_space<vmem>>, vector<1x512x640xf32>
      %get3A_400 = vector.shape_cast %get3A_399 : vector<1x512x640xf32> to vector<512x640xf32>
      %add3A_401 = arith.addf %get3A_400, %dot_general3A_238 : vector<512x640xf32>
      %swap3A = arith.constant 10 : index
      %swap3A_402 = arith.constant 0 : index
      %swap3A_403 = arith.constant 0 : index
      %swap3A_404 = vector.load %arg5[%swap3A, %swap3A_402, %swap3A_403] : memref<18x512x640xf32, #tpu.memory_space<vmem>>, vector<1x512x640xf32>
      %swap3A_405 = vector.shape_cast %swap3A_404 : vector<1x512x640xf32> to vector<512x640xf32>
      %swap3A_406 = vector.shape_cast %add3A_401 : vector<512x640xf32> to vector<1x512x640xf32>
      tpu.vector_store %arg5[%swap3A, %swap3A_402, %swap3A_403], %swap3A_406 {strides = array<i32>} : memref<18x512x640xf32, #tpu.memory_space<vmem>>, vector<1x512x640xf32>,
    } else {
    }
    %iota3A_249 = tpu.iota {dimensions = array<i32: 1>} : vector<512x512xi32>
    %add3A_250 = arith.constant 5632 : i32
    %add3A_251 = vector.broadcast %add3A_250 : i32 to vector<512x512xi32>
    %add3A_252 = arith.addi %iota3A_249, %add3A_251 : vector<512x512xi32>
    %broadcast_in_dim3A_253 = vector.shape_cast %add3A_19 : vector<512xi32> to vector<512x1xi32>
    %eq3A_254 = vector.broadcast %broadcast_in_dim3A_253 : vector<512x1xi32> to vector<512x512xi32>
    %eq3A_255 = arith.cmpi eq, %eq3A_254, %add3A_252 : vector<512x512xi32>
    %convert_element_type3A_256 = arith.extui %eq3A_255 : vector<512x512xi1> to vector<512x512xi32>
    %convert_element_type3A_257 = arith.sitofp %convert_element_type3A_256 : vector<512x512xi32> to vector<512x512xf32>
    %dot_general3A_258 = arith.constant dense<0.000000e+00> : vector<512x640xf32>
    %dot_general3A_259 = tpu.matmul %convert_element_type3A_257, %get3A_24, %dot_general3A_258 {dimension_numbers = #tpu.dot_dimension_numbers<[0], [0], [1], [1], [0, 1, 1, 1], [], []>, transpose_lhs_hint = false} : vector<512x512xf32>, vector<512x640xf32>, vector<512x640xf32> -> vector<512x640xf32>
    %eq3A_260 = arith.constant 0 : i32
    %eq3A_261 = arith.cmpi eq, %arg0, %eq3A_260 : i32
    %convert_element_type3A_262 = arith.extui %eq3A_261 : i1 to i32
    %cond3A_263 = arith.constant 0 : i32
    %cond3A_264 = arith.cmpi ne, %convert_element_type3A_262, %cond3A_263 : i32
    scf.if %cond3A_264 {
      %swap3A = arith.constant 11 : index
      %swap3A_396 = arith.constant 0 : index
      %swap3A_397 = arith.constant 0 : index
      %swap3A_398 = vector.load %arg5[%swap3A, %swap3A_396, %swap3A_397] : memref<18x512x640xf32, #tpu.memory_space<vmem>>, vector<1x512x640xf32>
      %swap3A_399 = vector.shape_cast %swap3A_398 : vector<1x512x640xf32> to vector<512x640xf32>
      %swap3A_400 = vector.shape_cast %dot_general3A_259 : vector<512x640xf32> to vector<1x512x640xf32>
      tpu.vector_store %arg5[%swap3A, %swap3A_396, %swap3A_397], %swap3A_400 {strides = array<i32>} : memref<18x512x640xf32, #tpu.memory_space<vmem>>, vector<1x512x640xf32>,
    } else {
    }
    %ne3A_265 = arith.constant 0 : i32
    %ne3A_266 = arith.cmpi ne, %arg0, %ne3A_265 : i32
    %convert_element_type3A_267 = arith.extui %ne3A_266 : i1 to i32
    %cond3A_268 = arith.constant 0 : i32
    %cond3A_269 = arith.cmpi ne, %convert_element_type3A_267, %cond3A_268 : i32
    scf.if %cond3A_269 {
      %get3A_396 = arith.constant 11 : index
      %get3A_397 = arith.constant 0 : index
      %get3A_398 = arith.constant 0 : index
      %get3A_399 = vector.load %arg5[%get3A_396, %get3A_397, %get3A_398] : memref<18x512x640xf32, #tpu.memory_space<vmem>>, vector<1x512x640xf32>
      %get3A_400 = vector.shape_cast %get3A_399 : vector<1x512x640xf32> to vector<512x640xf32>
      %add3A_401 = arith.addf %get3A_400, %dot_general3A_259 : vector<512x640xf32>
      %swap3A = arith.constant 11 : index
      %swap3A_402 = arith.constant 0 : index
      %swap3A_403 = arith.constant 0 : index
      %swap3A_404 = vector.load %arg5[%swap3A, %swap3A_402, %swap3A_403] : memref<18x512x640xf32, #tpu.memory_space<vmem>>, vector<1x512x640xf32>
      %swap3A_405 = vector.shape_cast %swap3A_404 : vector<1x512x640xf32> to vector<512x640xf32>
      %swap3A_406 = vector.shape_cast %add3A_401 : vector<512x640xf32> to vector<1x512x640xf32>
      tpu.vector_store %arg5[%swap3A, %swap3A_402, %swap3A_403], %swap3A_406 {strides = array<i32>} : memref<18x512x640xf32, #tpu.memory_space<vmem>>, vector<1x512x640xf32>,
    } else {
    }
    %iota3A_270 = tpu.iota {dimensions = array<i32: 1>} : vector<512x512xi32>
    %add3A_271 = arith.constant 6144 : i32
    %add3A_272 = vector.broadcast %add3A_271 : i32 to vector<512x512xi32>
    %add3A_273 = arith.addi %iota3A_270, %add3A_272 : vector<512x512xi32>
    %broadcast_in_dim3A_274 = vector.shape_cast %add3A_19 : vector<512xi32> to vector<512x1xi32>
    %eq3A_275 = vector.broadcast %broadcast_in_dim3A_274 : vector<512x1xi32> to vector<512x512xi32>
    %eq3A_276 = arith.cmpi eq, %eq3A_275, %add3A_273 : vector<512x512xi32>
    %convert_element_type3A_277 = arith.extui %eq3A_276 : vector<512x512xi1> to vector<512x512xi32>
    %convert_element_type3A_278 = arith.sitofp %convert_element_type3A_277 : vector<512x512xi32> to vector<512x512xf32>
    %dot_general3A_279 = arith.constant dense<0.000000e+00> : vector<512x640xf32>
    %dot_general3A_280 = tpu.matmul %convert_element_type3A_278, %get3A_24, %dot_general3A_279 {dimension_numbers = #tpu.dot_dimension_numbers<[0], [0], [1], [1], [0, 1, 1, 1], [], []>, transpose_lhs_hint = false} : vector<512x512xf32>, vector<512x640xf32>, vector<512x640xf32> -> vector<512x640xf32>
    %eq3A_281 = arith.constant 0 : i32
    %eq3A_282 = arith.cmpi eq, %arg0, %eq3A_281 : i32
    %convert_element_type3A_283 = arith.extui %eq3A_282 : i1 to i32
    %cond3A_284 = arith.constant 0 : i32
    %cond3A_285 = arith.cmpi ne, %convert_element_type3A_283, %cond3A_284 : i32
    scf.if %cond3A_285 {
      %swap3A = arith.constant 12 : index
      %swap3A_396 = arith.constant 0 : index
      %swap3A_397 = arith.constant 0 : index
      %swap3A_398 = vector.load %arg5[%swap3A, %swap3A_396, %swap3A_397] : memref<18x512x640xf32, #tpu.memory_space<vmem>>, vector<1x512x640xf32>
      %swap3A_399 = vector.shape_cast %swap3A_398 : vector<1x512x640xf32> to vector<512x640xf32>
      %swap3A_400 = vector.shape_cast %dot_general3A_280 : vector<512x640xf32> to vector<1x512x640xf32>
      tpu.vector_store %arg5[%swap3A, %swap3A_396, %swap3A_397], %swap3A_400 {strides = array<i32>} : memref<18x512x640xf32, #tpu.memory_space<vmem>>, vector<1x512x640xf32>,
    } else {
    }
    %ne3A_286 = arith.constant 0 : i32
    %ne3A_287 = arith.cmpi ne, %arg0, %ne3A_286 : i32
    %convert_element_type3A_288 = arith.extui %ne3A_287 : i1 to i32
    %cond3A_289 = arith.constant 0 : i32
    %cond3A_290 = arith.cmpi ne, %convert_element_type3A_288, %cond3A_289 : i32
    scf.if %cond3A_290 {
      %get3A_396 = arith.constant 12 : index
      %get3A_397 = arith.constant 0 : index
      %get3A_398 = arith.constant 0 : index
      %get3A_399 = vector.load %arg5[%get3A_396, %get3A_397, %get3A_398] : memref<18x512x640xf32, #tpu.memory_space<vmem>>, vector<1x512x640xf32>
      %get3A_400 = vector.shape_cast %get3A_399 : vector<1x512x640xf32> to vector<512x640xf32>
      %add3A_401 = arith.addf %get3A_400, %dot_general3A_280 : vector<512x640xf32>
      %swap3A = arith.constant 12 : index
      %swap3A_402 = arith.constant 0 : index
      %swap3A_403 = arith.constant 0 : index
      %swap3A_404 = vector.load %arg5[%swap3A, %swap3A_402, %swap3A_403] : memref<18x512x640xf32, #tpu.memory_space<vmem>>, vector<1x512x640xf32>
      %swap3A_405 = vector.shape_cast %swap3A_404 : vector<1x512x640xf32> to vector<512x640xf32>
      %swap3A_406 = vector.shape_cast %add3A_401 : vector<512x640xf32> to vector<1x512x640xf32>
      tpu.vector_store %arg5[%swap3A, %swap3A_402, %swap3A_403], %swap3A_406 {strides = array<i32>} : memref<18x512x640xf32, #tpu.memory_space<vmem>>, vector<1x512x640xf32>,
    } else {
    }
    %iota3A_291 = tpu.iota {dimensions = array<i32: 1>} : vector<512x512xi32>
    %add3A_292 = arith.constant 6656 : i32
    %add3A_293 = vector.broadcast %add3A_292 : i32 to vector<512x512xi32>
    %add3A_294 = arith.addi %iota3A_291, %add3A_293 : vector<512x512xi32>
    %broadcast_in_dim3A_295 = vector.shape_cast %add3A_19 : vector<512xi32> to vector<512x1xi32>
    %eq3A_296 = vector.broadcast %broadcast_in_dim3A_295 : vector<512x1xi32> to vector<512x512xi32>
    %eq3A_297 = arith.cmpi eq, %eq3A_296, %add3A_294 : vector<512x512xi32>
    %convert_element_type3A_298 = arith.extui %eq3A_297 : vector<512x512xi1> to vector<512x512xi32>
    %convert_element_type3A_299 = arith.sitofp %convert_element_type3A_298 : vector<512x512xi32> to vector<512x512xf32>
    %dot_general3A_300 = arith.constant dense<0.000000e+00> : vector<512x640xf32>
    %dot_general3A_301 = tpu.matmul %convert_element_type3A_299, %get3A_24, %dot_general3A_300 {dimension_numbers = #tpu.dot_dimension_numbers<[0], [0], [1], [1], [0, 1, 1, 1], [], []>, transpose_lhs_hint = false} : vector<512x512xf32>, vector<512x640xf32>, vector<512x640xf32> -> vector<512x640xf32>
    %eq3A_302 = arith.constant 0 : i32
    %eq3A_303 = arith.cmpi eq, %arg0, %eq3A_302 : i32
    %convert_element_type3A_304 = arith.extui %eq3A_303 : i1 to i32
    %cond3A_305 = arith.constant 0 : i32
    %cond3A_306 = arith.cmpi ne, %convert_element_type3A_304, %cond3A_305 : i32
    scf.if %cond3A_306 {
      %swap3A = arith.constant 13 : index
      %swap3A_396 = arith.constant 0 : index
      %swap3A_397 = arith.constant 0 : index
      %swap3A_398 = vector.load %arg5[%swap3A, %swap3A_396, %swap3A_397] : memref<18x512x640xf32, #tpu.memory_space<vmem>>, vector<1x512x640xf32>
      %swap3A_399 = vector.shape_cast %swap3A_398 : vector<1x512x640xf32> to vector<512x640xf32>
      %swap3A_400 = vector.shape_cast %dot_general3A_301 : vector<512x640xf32> to vector<1x512x640xf32>
      tpu.vector_store %arg5[%swap3A, %swap3A_396, %swap3A_397], %swap3A_400 {strides = array<i32>} : memref<18x512x640xf32, #tpu.memory_space<vmem>>, vector<1x512x640xf32>,
    } else {
    }
    %ne3A_307 = arith.constant 0 : i32
    %ne3A_308 = arith.cmpi ne, %arg0, %ne3A_307 : i32
    %convert_element_type3A_309 = arith.extui %ne3A_308 : i1 to i32
    %cond3A_310 = arith.constant 0 : i32
    %cond3A_311 = arith.cmpi ne, %convert_element_type3A_309, %cond3A_310 : i32
    scf.if %cond3A_311 {
      %get3A_396 = arith.constant 13 : index
      %get3A_397 = arith.constant 0 : index
      %get3A_398 = arith.constant 0 : index
      %get3A_399 = vector.load %arg5[%get3A_396, %get3A_397, %get3A_398] : memref<18x512x640xf32, #tpu.memory_space<vmem>>, vector<1x512x640xf32>
      %get3A_400 = vector.shape_cast %get3A_399 : vector<1x512x640xf32> to vector<512x640xf32>
      %add3A_401 = arith.addf %get3A_400, %dot_general3A_301 : vector<512x640xf32>
      %swap3A = arith.constant 13 : index
      %swap3A_402 = arith.constant 0 : index
      %swap3A_403 = arith.constant 0 : index
      %swap3A_404 = vector.load %arg5[%swap3A, %swap3A_402, %swap3A_403] : memref<18x512x640xf32, #tpu.memory_space<vmem>>, vector<1x512x640xf32>
      %swap3A_405 = vector.shape_cast %swap3A_404 : vector<1x512x640xf32> to vector<512x640xf32>
      %swap3A_406 = vector.shape_cast %add3A_401 : vector<512x640xf32> to vector<1x512x640xf32>
      tpu.vector_store %arg5[%swap3A, %swap3A_402, %swap3A_403], %swap3A_406 {strides = array<i32>} : memref<18x512x640xf32, #tpu.memory_space<vmem>>, vector<1x512x640xf32>,
    } else {
    }
    %iota3A_312 = tpu.iota {dimensions = array<i32: 1>} : vector<512x512xi32>
    %add3A_313 = arith.constant 7168 : i32
    %add3A_314 = vector.broadcast %add3A_313 : i32 to vector<512x512xi32>
    %add3A_315 = arith.addi %iota3A_312, %add3A_314 : vector<512x512xi32>
    %broadcast_in_dim3A_316 = vector.shape_cast %add3A_19 : vector<512xi32> to vector<512x1xi32>
    %eq3A_317 = vector.broadcast %broadcast_in_dim3A_316 : vector<512x1xi32> to vector<512x512xi32>
    %eq3A_318 = arith.cmpi eq, %eq3A_317, %add3A_315 : vector<512x512xi32>
    %convert_element_type3A_319 = arith.extui %eq3A_318 : vector<512x512xi1> to vector<512x512xi32>
    %convert_element_type3A_320 = arith.sitofp %convert_element_type3A_319 : vector<512x512xi32> to vector<512x512xf32>
    %dot_general3A_321 = arith.constant dense<0.000000e+00> : vector<512x640xf32>
    %dot_general3A_322 = tpu.matmul %convert_element_type3A_320, %get3A_24, %dot_general3A_321 {dimension_numbers = #tpu.dot_dimension_numbers<[0], [0], [1], [1], [0, 1, 1, 1], [], []>, transpose_lhs_hint = false} : vector<512x512xf32>, vector<512x640xf32>, vector<512x640xf32> -> vector<512x640xf32>
    %eq3A_323 = arith.constant 0 : i32
    %eq3A_324 = arith.cmpi eq, %arg0, %eq3A_323 : i32
    %convert_element_type3A_325 = arith.extui %eq3A_324 : i1 to i32
    %cond3A_326 = arith.constant 0 : i32
    %cond3A_327 = arith.cmpi ne, %convert_element_type3A_325, %cond3A_326 : i32
    scf.if %cond3A_327 {
      %swap3A = arith.constant 14 : index
      %swap3A_396 = arith.constant 0 : index
      %swap3A_397 = arith.constant 0 : index
      %swap3A_398 = vector.load %arg5[%swap3A, %swap3A_396, %swap3A_397] : memref<18x512x640xf32, #tpu.memory_space<vmem>>, vector<1x512x640xf32>
      %swap3A_399 = vector.shape_cast %swap3A_398 : vector<1x512x640xf32> to vector<512x640xf32>
      %swap3A_400 = vector.shape_cast %dot_general3A_322 : vector<512x640xf32> to vector<1x512x640xf32>
      tpu.vector_store %arg5[%swap3A, %swap3A_396, %swap3A_397], %swap3A_400 {strides = array<i32>} : memref<18x512x640xf32, #tpu.memory_space<vmem>>, vector<1x512x640xf32>,
    } else {
    }
    %ne3A_328 = arith.constant 0 : i32
    %ne3A_329 = arith.cmpi ne, %arg0, %ne3A_328 : i32
    %convert_element_type3A_330 = arith.extui %ne3A_329 : i1 to i32
    %cond3A_331 = arith.constant 0 : i32
    %cond3A_332 = arith.cmpi ne, %convert_element_type3A_330, %cond3A_331 : i32
    scf.if %cond3A_332 {
      %get3A_396 = arith.constant 14 : index
      %get3A_397 = arith.constant 0 : index
      %get3A_398 = arith.constant 0 : index
      %get3A_399 = vector.load %arg5[%get3A_396, %get3A_397, %get3A_398] : memref<18x512x640xf32, #tpu.memory_space<vmem>>, vector<1x512x640xf32>
      %get3A_400 = vector.shape_cast %get3A_399 : vector<1x512x640xf32> to vector<512x640xf32>
      %add3A_401 = arith.addf %get3A_400, %dot_general3A_322 : vector<512x640xf32>
      %swap3A = arith.constant 14 : index
      %swap3A_402 = arith.constant 0 : index
      %swap3A_403 = arith.constant 0 : index
      %swap3A_404 = vector.load %arg5[%swap3A, %swap3A_402, %swap3A_403] : memref<18x512x640xf32, #tpu.memory_space<vmem>>, vector<1x512x640xf32>
      %swap3A_405 = vector.shape_cast %swap3A_404 : vector<1x512x640xf32> to vector<512x640xf32>
      %swap3A_406 = vector.shape_cast %add3A_401 : vector<512x640xf32> to vector<1x512x640xf32>
      tpu.vector_store %arg5[%swap3A, %swap3A_402, %swap3A_403], %swap3A_406 {strides = array<i32>} : memref<18x512x640xf32, #tpu.memory_space<vmem>>, vector<1x512x640xf32>,
    } else {
    }
    %iota3A_333 = tpu.iota {dimensions = array<i32: 1>} : vector<512x512xi32>
    %add3A_334 = arith.constant 7680 : i32
    %add3A_335 = vector.broadcast %add3A_334 : i32 to vector<512x512xi32>
    %add3A_336 = arith.addi %iota3A_333, %add3A_335 : vector<512x512xi32>
    %broadcast_in_dim3A_337 = vector.shape_cast %add3A_19 : vector<512xi32> to vector<512x1xi32>
    %eq3A_338 = vector.broadcast %broadcast_in_dim3A_337 : vector<512x1xi32> to vector<512x512xi32>
    %eq3A_339 = arith.cmpi eq, %eq3A_338, %add3A_336 : vector<512x512xi32>
    %convert_element_type3A_340 = arith.extui %eq3A_339 : vector<512x512xi1> to vector<512x512xi32>
    %convert_element_type3A_341 = arith.sitofp %convert_element_type3A_340 : vector<512x512xi32> to vector<512x512xf32>
    %dot_general3A_342 = arith.constant dense<0.000000e+00> : vector<512x640xf32>
    %dot_general3A_343 = tpu.matmul %convert_element_type3A_341, %get3A_24, %dot_general3A_342 {dimension_numbers = #tpu.dot_dimension_numbers<[0], [0], [1], [1], [0, 1, 1, 1], [], []>, transpose_lhs_hint = false} : vector<512x512xf32>, vector<512x640xf32>, vector<512x640xf32> -> vector<512x640xf32>
    %eq3A_344 = arith.constant 0 : i32
    %eq3A_345 = arith.cmpi eq, %arg0, %eq3A_344 : i32
    %convert_element_type3A_346 = arith.extui %eq3A_345 : i1 to i32
    %cond3A_347 = arith.constant 0 : i32
    %cond3A_348 = arith.cmpi ne, %convert_element_type3A_346, %cond3A_347 : i32
    scf.if %cond3A_348 {
      %swap3A = arith.constant 15 : index
      %swap3A_396 = arith.constant 0 : index
      %swap3A_397 = arith.constant 0 : index
      %swap3A_398 = vector.load %arg5[%swap3A, %swap3A_396, %swap3A_397] : memref<18x512x640xf32, #tpu.memory_space<vmem>>, vector<1x512x640xf32>
      %swap3A_399 = vector.shape_cast %swap3A_398 : vector<1x512x640xf32> to vector<512x640xf32>
      %swap3A_400 = vector.shape_cast %dot_general3A_343 : vector<512x640xf32> to vector<1x512x640xf32>
      tpu.vector_store %arg5[%swap3A, %swap3A_396, %swap3A_397], %swap3A_400 {strides = array<i32>} : memref<18x512x640xf32, #tpu.memory_space<vmem>>, vector<1x512x640xf32>,
    } else {
    }
    %ne3A_349 = arith.constant 0 : i32
    %ne3A_350 = arith.cmpi ne, %arg0, %ne3A_349 : i32
    %convert_element_type3A_351 = arith.extui %ne3A_350 : i1 to i32
    %cond3A_352 = arith.constant 0 : i32
    %cond3A_353 = arith.cmpi ne, %convert_element_type3A_351, %cond3A_352 : i32
    scf.if %cond3A_353 {
      %get3A_396 = arith.constant 15 : index
      %get3A_397 = arith.constant 0 : index
      %get3A_398 = arith.constant 0 : index
      %get3A_399 = vector.load %arg5[%get3A_396, %get3A_397, %get3A_398] : memref<18x512x640xf32, #tpu.memory_space<vmem>>, vector<1x512x640xf32>
      %get3A_400 = vector.shape_cast %get3A_399 : vector<1x512x640xf32> to vector<512x640xf32>
      %add3A_401 = arith.addf %get3A_400, %dot_general3A_343 : vector<512x640xf32>
      %swap3A = arith.constant 15 : index
      %swap3A_402 = arith.constant 0 : index
      %swap3A_403 = arith.constant 0 : index
      %swap3A_404 = vector.load %arg5[%swap3A, %swap3A_402, %swap3A_403] : memref<18x512x640xf32, #tpu.memory_space<vmem>>, vector<1x512x640xf32>
      %swap3A_405 = vector.shape_cast %swap3A_404 : vector<1x512x640xf32> to vector<512x640xf32>
      %swap3A_406 = vector.shape_cast %add3A_401 : vector<512x640xf32> to vector<1x512x640xf32>
      tpu.vector_store %arg5[%swap3A, %swap3A_402, %swap3A_403], %swap3A_406 {strides = array<i32>} : memref<18x512x640xf32, #tpu.memory_space<vmem>>, vector<1x512x640xf32>,
    } else {
    }
    %iota3A_354 = tpu.iota {dimensions = array<i32: 1>} : vector<512x512xi32>
    %add3A_355 = arith.constant 8192 : i32
    %add3A_356 = vector.broadcast %add3A_355 : i32 to vector<512x512xi32>
    %add3A_357 = arith.addi %iota3A_354, %add3A_356 : vector<512x512xi32>
    %broadcast_in_dim3A_358 = vector.shape_cast %add3A_19 : vector<512xi32> to vector<512x1xi32>
    %eq3A_359 = vector.broadcast %broadcast_in_dim3A_358 : vector<512x1xi32> to vector<512x512xi32>
    %eq3A_360 = arith.cmpi eq, %eq3A_359, %add3A_357 : vector<512x512xi32>
    %convert_element_type3A_361 = arith.extui %eq3A_360 : vector<512x512xi1> to vector<512x512xi32>
    %convert_element_type3A_362 = arith.sitofp %convert_element_type3A_361 : vector<512x512xi32> to vector<512x512xf32>
    %dot_general3A_363 = arith.constant dense<0.000000e+00> : vector<512x640xf32>
    %dot_general3A_364 = tpu.matmul %convert_element_type3A_362, %get3A_24, %dot_general3A_363 {dimension_numbers = #tpu.dot_dimension_numbers<[0], [0], [1], [1], [0, 1, 1, 1], [], []>, transpose_lhs_hint = false} : vector<512x512xf32>, vector<512x640xf32>, vector<512x640xf32> -> vector<512x640xf32>
    %eq3A_365 = arith.constant 0 : i32
    %eq3A_366 = arith.cmpi eq, %arg0, %eq3A_365 : i32
    %convert_element_type3A_367 = arith.extui %eq3A_366 : i1 to i32
    %cond3A_368 = arith.constant 0 : i32
    %cond3A_369 = arith.cmpi ne, %convert_element_type3A_367, %cond3A_368 : i32
    scf.if %cond3A_369 {
      %swap3A = arith.constant 16 : index
      %swap3A_396 = arith.constant 0 : index
      %swap3A_397 = arith.constant 0 : index
      %swap3A_398 = vector.load %arg5[%swap3A, %swap3A_396, %swap3A_397] : memref<18x512x640xf32, #tpu.memory_space<vmem>>, vector<1x512x640xf32>
      %swap3A_399 = vector.shape_cast %swap3A_398 : vector<1x512x640xf32> to vector<512x640xf32>
      %swap3A_400 = vector.shape_cast %dot_general3A_364 : vector<512x640xf32> to vector<1x512x640xf32>
      tpu.vector_store %arg5[%swap3A, %swap3A_396, %swap3A_397], %swap3A_400 {strides = array<i32>} : memref<18x512x640xf32, #tpu.memory_space<vmem>>, vector<1x512x640xf32>,
    } else {
    }
    %ne3A_370 = arith.constant 0 : i32
    %ne3A_371 = arith.cmpi ne, %arg0, %ne3A_370 : i32
    %convert_element_type3A_372 = arith.extui %ne3A_371 : i1 to i32
    %cond3A_373 = arith.constant 0 : i32
    %cond3A_374 = arith.cmpi ne, %convert_element_type3A_372, %cond3A_373 : i32
    scf.if %cond3A_374 {
      %get3A_396 = arith.constant 16 : index
      %get3A_397 = arith.constant 0 : index
      %get3A_398 = arith.constant 0 : index
      %get3A_399 = vector.load %arg5[%get3A_396, %get3A_397, %get3A_398] : memref<18x512x640xf32, #tpu.memory_space<vmem>>, vector<1x512x640xf32>
      %get3A_400 = vector.shape_cast %get3A_399 : vector<1x512x640xf32> to vector<512x640xf32>
      %add3A_401 = arith.addf %get3A_400, %dot_general3A_364 : vector<512x640xf32>
      %swap3A = arith.constant 16 : index
      %swap3A_402 = arith.constant 0 : index
      %swap3A_403 = arith.constant 0 : index
      %swap3A_404 = vector.load %arg5[%swap3A, %swap3A_402, %swap3A_403] : memref<18x512x640xf32, #tpu.memory_space<vmem>>, vector<1x512x640xf32>
      %swap3A_405 = vector.shape_cast %swap3A_404 : vector<1x512x640xf32> to vector<512x640xf32>
      %swap3A_406 = vector.shape_cast %add3A_401 : vector<512x640xf32> to vector<1x512x640xf32>
      tpu.vector_store %arg5[%swap3A, %swap3A_402, %swap3A_403], %swap3A_406 {strides = array<i32>} : memref<18x512x640xf32, #tpu.memory_space<vmem>>, vector<1x512x640xf32>,
    } else {
    }
    %iota3A_375 = tpu.iota {dimensions = array<i32: 1>} : vector<512x512xi32>
    %add3A_376 = arith.constant 8704 : i32
    %add3A_377 = vector.broadcast %add3A_376 : i32 to vector<512x512xi32>
    %add3A_378 = arith.addi %iota3A_375, %add3A_377 : vector<512x512xi32>
    %broadcast_in_dim3A_379 = vector.shape_cast %add3A_19 : vector<512xi32> to vector<512x1xi32>
    %eq3A_380 = vector.broadcast %broadcast_in_dim3A_379 : vector<512x1xi32> to vector<512x512xi32>
    %eq3A_381 = arith.cmpi eq, %eq3A_380, %add3A_378 : vector<512x512xi32>
    %convert_element_type3A_382 = arith.extui %eq3A_381 : vector<512x512xi1> to vector<512x512xi32>
    %convert_element_type3A_383 = arith.sitofp %convert_element_type3A_382 : vector<512x512xi32> to vector<512x512xf32>
    %dot_general3A_384 = arith.constant dense<0.000000e+00> : vector<512x640xf32>
    %dot_general3A_385 = tpu.matmul %convert_element_type3A_383, %get3A_24, %dot_general3A_384 {dimension_numbers = #tpu.dot_dimension_numbers<[0], [0], [1], [1], [0, 1, 1, 1], [], []>, transpose_lhs_hint = false} : vector<512x512xf32>, vector<512x640xf32>, vector<512x640xf32> -> vector<512x640xf32>
    %eq3A_386 = arith.constant 0 : i32
    %eq3A_387 = arith.cmpi eq, %arg0, %eq3A_386 : i32
    %convert_element_type3A_388 = arith.extui %eq3A_387 : i1 to i32
    %cond3A_389 = arith.constant 0 : i32
    %cond3A_390 = arith.cmpi ne, %convert_element_type3A_388, %cond3A_389 : i32
    scf.if %cond3A_390 {
      %swap3A = arith.constant 17 : index
      %swap3A_396 = arith.constant 0 : index
      %swap3A_397 = arith.constant 0 : index
      %swap3A_398 = vector.load %arg5[%swap3A, %swap3A_396, %swap3A_397] : memref<18x512x640xf32, #tpu.memory_space<vmem>>, vector<1x512x640xf32>
      %swap3A_399 = vector.shape_cast %swap3A_398 : vector<1x512x640xf32> to vector<512x640xf32>
      %swap3A_400 = vector.shape_cast %dot_general3A_385 : vector<512x640xf32> to vector<1x512x640xf32>
      tpu.vector_store %arg5[%swap3A, %swap3A_396, %swap3A_397], %swap3A_400 {strides = array<i32>} : memref<18x512x640xf32, #tpu.memory_space<vmem>>, vector<1x512x640xf32>,
    } else {
    }
    %ne3A_391 = arith.constant 0 : i32
    %ne3A_392 = arith.cmpi ne, %arg0, %ne3A_391 : i32
    %convert_element_type3A_393 = arith.extui %ne3A_392 : i1 to i32
    %cond3A_394 = arith.constant 0 : i32
    %cond3A_395 = arith.cmpi ne, %convert_element_type3A_393, %cond3A_394 : i32
    scf.if %cond3A_395 {
      %get3A_396 = arith.constant 17 : index
      %get3A_397 = arith.constant 0 : index
      %get3A_398 = arith.constant 0 : index
      %get3A_399 = vector.load %arg5[%get3A_396, %get3A_397, %get3A_398] : memref<18x512x640xf32, #tpu.memory_space<vmem>>, vector<1x512x640xf32>
      %get3A_400 = vector.shape_cast %get3A_399 : vector<1x512x640xf32> to vector<512x640xf32>
      %add3A_401 = arith.addf %get3A_400, %dot_general3A_385 : vector<512x640xf32>
      %swap3A = arith.constant 17 : index
      %swap3A_402 = arith.constant 0 : index
      %swap3A_403 = arith.constant 0 : index
      %swap3A_404 = vector.load %arg5[%swap3A, %swap3A_402, %swap3A_403] : memref<18x512x640xf32, #tpu.memory_space<vmem>>, vector<1x512x640xf32>
      %swap3A_405 = vector.shape_cast %swap3A_404 : vector<1x512x640xf32> to vector<512x640xf32>
      %swap3A_406 = vector.shape_cast %add3A_401 : vector<512x640xf32> to vector<1x512x640xf32>
      tpu.vector_store %arg5[%swap3A, %swap3A_402, %swap3A_403], %swap3A_406 {strides = array<i32>} : memref<18x512x640xf32, #tpu.memory_space<vmem>>, vector<1x512x640xf32>,
    } else {
    }
    return
  }
  func.func @transform_0(%arg0: i32) -> (i32, i32, i32) {
    %c0_i32 = arith.constant 0 : i32
    %c0_i32_0 = arith.constant 0 : i32
    %c0_i32_1 = arith.constant 0 : i32
    return %arg0, %c0_i32, %c0_i32_0 : i32, i32, i32
  }
  func.func @transform_1(%arg0: i32) -> (i32, i32, i32) {
    %c0_i32 = arith.constant 0 : i32
    %c0_i32_0 = arith.constant 0 : i32
    %c0_i32_1 = arith.constant 0 : i32
    return %arg0, %c0_i32, %c0_i32_0 : i32, i32, i32
  }
  func.func @transform_2(%arg0: i32) -> (i32, i32, i32) {
    %c0_i32 = arith.constant 0 : i32
    %c0_i32_0 = arith.constant 0 : i32
    %c0_i32_1 = arith.constant 0 : i32
    return %arg0, %c0_i32, %c0_i32_0 : i32, i32, i32
  }
  func.func @transform_3(%arg0: i32) -> (i32, i32, i32) {
    %c0_i32 = arith.constant 0 : i32
    %c0_i32_0 = arith.constant 0 : i32
    %c0_i32_1 = arith.constant 0 : i32
    return %arg0, %c0_i32, %c0_i32_0 : i32, i32, i32
  }
  func.func @transform_4(%arg0: i32) -> (i32, i32, i32) {
    %c0_i32 = arith.constant 0 : i32
    %c0_i32_0 = arith.constant 0 : i32
    %c0_i32_1 = arith.constant 0 : i32
    %c0_i32_2 = arith.constant 0 : i32
    return %c0_i32, %c0_i32_0, %c0_i32_1 : i32, i32, i32
  }
}

module attributes {stable_mosaic.version = 14 : i64} {
  func.func @_tc_body(%arg0: i32, %arg1: i32, %arg2: memref<1x1x48x640xf32, #tpu.memory_space<vmem>>, %arg3: memref<1x1x48x640xf32, #tpu.memory_space<vmem>>, %arg4: memref<1x1x72x3456xf32, #tpu.memory_space<vmem>>) attributes {dimension_semantics = [#tpu.dimension_semantics<arbitrary>, #tpu.dimension_semantics<arbitrary>], iteration_bounds = array<i64: 4, 48>, scalar_prefetch = 0 : i64, scratch_operands = 0 : i64, tpu.core_type = #tpu.core_type<tc>, window_params = [{transform_indices = @transform_0, window_bounds = array<i64: 1, 1, 48, 640>}, {transform_indices = @transform_1, window_bounds = array<i64: 1, 1, 48, 640>}, {transform_indices = @transform_2, window_bounds = array<i64: 1, 1, 72, 3456>}]} {
    %get3A = arith.constant 0 : index
    %get3A_0 = arith.constant 0 : index
    %get3A_1 = arith.constant 0 : index
    %get3A_2 = arith.constant 0 : index
    %get3A_3 = vector.load %arg2[%get3A, %get3A_0, %get3A_1, %get3A_2] : memref<1x1x48x640xf32, #tpu.memory_space<vmem>>, vector<1x1x48x640xf32>
    %get3A_4 = vector.shape_cast %get3A_3 : vector<1x1x48x640xf32> to vector<48x640xf32>
    %slice3A = vector.extract_strided_slice %get3A_4 {offsets = [0, 0], sizes = [48, 576], strides = [1, 1]} : vector<48x640xf32> to vector<48x576xf32>
    %reshape3A = vector.shape_cast %slice3A : vector<48x576xf32> to vector<48x24x24xf32>
    %transpose3A = tpu.transpose %reshape3A, [1, 0, 2] : vector<48x24x24xf32> -> vector<24x48x24xf32>
    %get3A_5 = arith.constant 0 : index
    %get3A_6 = arith.constant 0 : index
    %get3A_7 = arith.constant 0 : index
    %get3A_8 = arith.constant 0 : index
    %get3A_9 = vector.load %arg3[%get3A_5, %get3A_6, %get3A_7, %get3A_8] : memref<1x1x48x640xf32, #tpu.memory_space<vmem>>, vector<1x1x48x640xf32>
    %get3A_10 = vector.shape_cast %get3A_9 : vector<1x1x48x640xf32> to vector<48x640xf32>
    %slice3A_11 = vector.extract_strided_slice %get3A_10 {offsets = [0, 0], sizes = [48, 576], strides = [1, 1]} : vector<48x640xf32> to vector<48x576xf32>
    %reshape3A_12 = vector.shape_cast %slice3A_11 : vector<48x576xf32> to vector<48x24x24xf32>
    %transpose3A_13 = tpu.transpose %reshape3A_12, [2, 0, 1] : vector<48x24x24xf32> -> vector<24x48x24xf32>
    %add3A = arith.addf %transpose3A, %transpose3A_13 : vector<24x48x24xf32>
    %mul3A = arith.constant 5.000000e-01 : f32
    %mul3A_14 = vector.broadcast %mul3A : f32 to vector<24x48x24xf32>
    %mul3A_15 = arith.mulf %mul3A_14, %add3A : vector<24x48x24xf32>
    %broadcast_in_dim3A = arith.constant 0.000000e+00 : f32
    %broadcast_in_dim3A_16 = vector.broadcast %broadcast_in_dim3A : f32 to vector<24x48x8xf32>
    %broadcast_in_dim3A_17 = arith.constant 0.000000e+00 : f32
    %broadcast_in_dim3A_18 = vector.broadcast %broadcast_in_dim3A_17 : f32 to vector<24x48x40xf32>
    %concatenate3A = tpu.concatenate %broadcast_in_dim3A_16, %mul3A_15, %broadcast_in_dim3A_18 in 2 : vector<24x48x8xf32>, vector<24x48x24xf32>, vector<24x48x40xf32> -> vector<24x48x72xf32>
    %reshape3A_19 = vector.shape_cast %concatenate3A : vector<24x48x72xf32> to vector<24x3456xf32>
    %broadcast_in_dim3A_20 = arith.constant 0.000000e+00 : f32
    %broadcast_in_dim3A_21 = vector.broadcast %broadcast_in_dim3A_20 : f32 to vector<72x3456xf32>
    %swap3A = arith.constant 0 : index
    %swap3A_22 = arith.constant 0 : index
    %swap3A_23 = arith.constant 0 : index
    %swap3A_24 = arith.constant 0 : index
    %swap3A_25 = vector.load %arg4[%swap3A, %swap3A_22, %swap3A_23, %swap3A_24] : memref<1x1x72x3456xf32, #tpu.memory_space<vmem>>, vector<1x1x72x3456xf32>
    %swap3A_26 = vector.shape_cast %swap3A_25 : vector<1x1x72x3456xf32> to vector<72x3456xf32>
    %swap3A_27 = vector.shape_cast %broadcast_in_dim3A_21 : vector<72x3456xf32> to vector<1x1x72x3456xf32>
    tpu.vector_store %arg4[%swap3A, %swap3A_22, %swap3A_23, %swap3A_24], %swap3A_27 {strides = array<i32>} : memref<1x1x72x3456xf32, #tpu.memory_space<vmem>>, vector<1x1x72x3456xf32>,
    %swap3A_28 = arith.constant 0 : index
    %swap3A_29 = arith.constant 0 : index
    %swap3A_30 = arith.constant 8 : index
    %swap3A_31 = arith.constant 0 : index
    %swap3A_32 = vector.load %arg4[%swap3A_28, %swap3A_29, %swap3A_30, %swap3A_31] : memref<1x1x72x3456xf32, #tpu.memory_space<vmem>>, vector<1x1x24x3456xf32>
    %swap3A_33 = vector.shape_cast %swap3A_32 : vector<1x1x24x3456xf32> to vector<24x3456xf32>
    %swap3A_34 = vector.shape_cast %reshape3A_19 : vector<24x3456xf32> to vector<1x1x24x3456xf32>
    tpu.vector_store %arg4[%swap3A_28, %swap3A_29, %swap3A_30, %swap3A_31], %swap3A_34 {strides = array<i32>} : memref<1x1x72x3456xf32, #tpu.memory_space<vmem>>, vector<1x1x24x3456xf32>,
    return
  }
  func.func @transform_0(%arg0: i32, %arg1: i32) -> (i32, i32, i32, i32) {
    %c0_i32 = arith.constant 0 : i32
    %c0_i32_0 = arith.constant 0 : i32
    %c0_i32_1 = arith.constant 0 : i32
    return %arg0, %arg1, %c0_i32, %c0_i32_0 : i32, i32, i32, i32
  }
  func.func @transform_1(%arg0: i32, %arg1: i32) -> (i32, i32, i32, i32) {
    %c0_i32 = arith.constant 0 : i32
    %c0_i32_0 = arith.constant 0 : i32
    %c0_i32_1 = arith.constant 0 : i32
    return %arg0, %arg1, %c0_i32, %c0_i32_0 : i32, i32, i32, i32
  }
  func.func @transform_2(%arg0: i32, %arg1: i32) -> (i32, i32, i32, i32) {
    %c0_i32 = arith.constant 0 : i32
    %c0_i32_0 = arith.constant 0 : i32
    %c0_i32_1 = arith.constant 0 : i32
    return %arg0, %arg1, %c0_i32, %c0_i32_0 : i32, i32, i32, i32
  }
}

</mosaic_0001>

<sc_bundles>
// kernel: kernel.6.cloned.1.call-start
scs
__scs_entry_jumppad:
0x0: {  	(pc) =	sbr.rel $0x88, $3  }
0x1: {  	(tag) =	ssettag $0x0;
	lr =	simm.s32 $0x1  }
0x2: {  	[smem:$0x3F9C] =	sst lr;
	_ =	strace $0xD0000000  }
0x3: {  	_ = 	snop  }
0x4: {  	_ = 	snop  }
0x5: {  	_ = 	snop  }
0x6: {  	_ = 	snop  }
0x7: {  	_ = 	snop  }
__scs_overlays_trampoline_lowered:
0x8: {  	[smem:$0x3FAB] =	sst s0  }
0x9: {  	[smem:$0x3FAC] =	sst s1  }
0xa: {  	[smem:$0x3FAD] =	sst s2  }
0xb: {  	[smem:$0x3FAE] =	sst s3  }
0xc: {  	[smem:$0x3FAF] =	sst s4  }
0xd: {  	[smem:$0x3FB0] =	sst s5  }
0xe: {  	[smem:$0x3FB1] =	sst s6  }
0xf: {  	[smem:$0x3FB2] =	sst s7  }
0x10: {  	[smem:$0x3FB3] =	sst s8  }
0x11: {  	[smem:$0x3FB4] =	sst s9;
	s0 =	simm.s32 @!p0 $0x0  }
0x12: {  	s1 =	sld [smem:$0x3F9A];
	s0 =	simm.s32 @p0 $0x1  }
0x13: {  	[smem:$0x3FB5] =	sst s0;
	s0 =	simm.s32 @!p1 $0x0  }
0x14: {  	s2 =	sld [smem:$0x3F99];
	s0 =	simm.s32 @p1 $0x1  }
0x15: {  	[smem:$0x3FB6] =	sst s0;
	s0 =	simm.s32 @!p2 $0x0  }
0x16: {  	s3 =	sld [smem:$0x3FDB];
	s0 =	simm.s32 @p2 $0x1  }
0x17: {  	s4 =	simm.s32 $0x1BF5;
	[smem:$0x3FB8] =	sst s0  }
0x18: {  	s0 =	sld [smem:$0x3F9B];
	_ =	swait.ge [sflag:s4], $0x0  }
0x19: {  	s7 =	sld [smem:$0x3F9C]  }
0x1a: {  	s8 =	sadd.s32 $0xFFFFE003, lr  }
0x1b: {  	s9 =	sadd.s32 $0xFFFFFEF7, lr;
	s5 =	simm.s32 $0xFFFFFFFF;
	p2 =	slt.u32 s8, $0xFFFFF086  }
0x1c: {  	p1 =	slt.u32 s9, $0xF7A;
	s5 =	simm.s32 @!p2 $0x0  }
0x1d: {  	s5 =	simm.s32 @p1 $0x1;
	p0 =	seq.s32 s7, s2  }
0x1e: {  	s7 =	smul.u32 @!p0 $0xF7A, s2;
	p2 =	seq.s32 @!p0 s5, $0x0  }
0x1f: {  	s9 =	smul.u32 $0xF7A, s1;
	s8 =	simm.s32 @!p0 $0x1BF5;
	p2 =	por !p2, p0  }
0x20: {  	[sflag:s8] =	ssyncset.s32 @!p0 $0xFFFFF086;
	s6 =	sadd.s32 @!p0 s3, s7;
	s7 =	simm.s32 @!p0 $0x108  }
0x21: {  	s3 =	sadd.s32 s3, s9;
	s6 =	sadd.s32 @!p0 $0x88, s6;
	s7 =	simm.s32 @p2 $0x1082  }
0x22: {  	[simem:s7], [sflag:s8] =	dma.local @!p0 [hbm:s6], $0xF7A  }
0x23: {  	s9 =	sor.u32 $0xD0000000, s2;
	s6 =	simm.s32 $0x108;
	_ =	swait.ge @!p0 [sflag:s8], $0x0  }
0x24: {  	s3 =	sadd.s32 $0x88, s3;
	s6 =	simm.s32 @!p1 $0x1082;
	[sflag:s4] =	ssyncset.s32 $0xFFFFF086  }
0x25: {  	[simem:s6], [sflag:s4] =	dma.local [hbm:s3], $0xF7A  }
0x26: {  	[smem:$0x3F9C] =	sst s1;
	(tag) =	ssettag s2;
	_ =	strace s9  }
0x27: {  	s1 =	sld [smem:$0x3FAC]  }
0x28: {  	s2 =	sld [smem:$0x3FAD]  }
0x29: {  	s4 =	sld [smem:$0x3FAF]  }
0x2a: {  	p0 =	seq.s32 s5, $0x0;
	s5 =	sld [smem:$0x3FB0]  }
0x2b: {  	s6 =	sld [smem:$0x3FB1]  }
0x2c: {  	s7 =	sld [smem:$0x3FB2]  }
0x2d: {  	s3 =	simm.s32 $0x108;
	s8 =	sld [smem:$0x3FB3]  }
0x2e: {  	s3 =	simm.s32 @!p0 $0x1082;
	s9 =	sld [smem:$0x3FB4]  }
0x2f: {  	lr =	sadd.s32 s0, s3;
	s0 =	sld [smem:$0x3FAB]  }
0x30: {  	s3 =	sld [smem:$0x3FAE]  }
0x31: {  	[smem:$0x3FB7] =	sst s10  }
0x32: {  	s10 =	sld [smem:$0x3FB5];
	_ =	sdelay $0x3  }
0x33: {  	p0 =	seq.s32 s10, $0x1;
	s10 =	sld [smem:$0x3FB7];
	_ =	sdelay $0x3  }
0x34: {  	[smem:$0x3FB7] =	sst s10  }
0x35: {  	s10 =	sld [smem:$0x3FB6];
	_ =	sdelay $0x3  }
0x36: {  	p1 =	seq.s32 s10, $0x1;
	s10 =	sld [smem:$0x3FB7];
	_ =	sdelay $0x3  }
0x37: {  	[smem:$0x3FB7] =	sst s10  }
0x38: {  	s10 =	sld [smem:$0x3FB8]  }
0x39: {  	_ = 	snop;
	(pc) =	sbr.ind lr, $3  }
0x3a: {  	_ = 	snop  }
0x3b: {  	_ = 	snop  }
0x3c: {  	p2 =	seq.s32 s10, $0x1;
	s10 =	sld [smem:$0x3FB7]  }
0x3d: {  	_ =	shalt  }
0x3e: {  	_ =	shalt  }
0x3f: {  	_ =	shalt  }
0x40: {  	_ =	shalt  }
0x41: {  	_ =	shalt  }
0x42: {  	_ =	shalt  }
0x43: {  	_ =	shalt  }
0x44: {  	_ =	shalt  }
0x45: {  	_ =	shalt  }
0x46: {  	_ =	shalt  }
0x47: {  	_ =	shalt  }
0x48: {  	_ =	shalt  }
0x49: {  	_ =	shalt  }
0x4a: {  	_ =	shalt  }
0x4b: {  	_ =	shalt  }
0x4c: {  	_ =	shalt  }
0x4d: {  	_ =	shalt  }
0x4e: {  	_ =	shalt  }
0x4f: {  	_ =	shalt  }
0x50: {  	_ =	shalt  }
0x51: {  	_ =	shalt  }
0x52: {  	_ =	shalt  }
0x53: {  	_ =	shalt  }
0x54: {  	_ =	shalt  }
0x55: {  	_ =	shalt  }
0x56: {  	_ =	shalt  }
0x57: {  	_ =	shalt  }
0x58: {  	_ =	shalt  }
0x59: {  	_ =	shalt  }
0x5a: {  	_ =	shalt  }
0x5b: {  	_ =	shalt  }
0x5c: {  	_ =	shalt  }
0x5d: {  	_ =	shalt  }
0x5e: {  	_ =	shalt  }
0x5f: {  	_ =	shalt  }
0x60: {  	_ =	shalt  }
0x61: {  	_ =	shalt  }
0x62: {  	_ =	shalt  }
0x63: {  	_ =	shalt  }
0x64: {  	_ =	shalt  }
0x65: {  	_ =	shalt  }
0x66: {  	_ =	shalt  }
0x67: {  	_ =	shalt  }
0x68: {  	_ =	shalt  }
0x69: {  	_ =	shalt  }
0x6a: {  	_ =	shalt  }
0x6b: {  	_ =	shalt  }
0x6c: {  	_ =	shalt  }
0x6d: {  	_ =	shalt  }
0x6e: {  	_ =	shalt  }
0x6f: {  	_ =	shalt  }
0x70: {  	_ =	shalt  }
0x71: {  	_ =	shalt  }
0x72: {  	_ =	shalt  }
0x73: {  	_ =	shalt  }
0x74: {  	_ =	shalt  }
0x75: {  	_ =	shalt  }
0x76: {  	_ =	shalt  }
0x77: {  	_ =	shalt  }
0x78: {  	_ =	shalt  }
0x79: {  	_ =	shalt  }
0x7a: {  	_ =	shalt  }
0x7b: {  	_ =	shalt  }
0x7c: {  	_ =	shalt  }
0x7d: {  	_ =	shalt  }
0x7e: {  	_ =	shalt  }
0x7f: {  	_ =	shalt  }
0x80: {  	_ =	shalt  }
0x81: {  	_ =	shalt  }
0x82: {  	_ =	shalt  }
0x83: {  	_ =	shalt  }
0x84: {  	_ =	shalt  }
0x85: {  	_ =	shalt  }
0x86: {  	_ =	shalt  }
0x87: {  	_ =	shalt  }
.Lfunc_end0:
.L_simem_size_0:
called_computation_lowered:
.L_overlay_start_0:
0x88: {  	s2 =	sld [smem:$0x3FD9]  }
0x89: {  	s3 =	sld [smem:$0x3FFE];
	_ =	sdelay $0x1  }
0x8a: {  	s1 =	srdreg.scid  }
0x8b: {  	s0 =	sand.u32 $0x1, s1  }
0x8c: {  	s16 =	sshll.u32 s0, $0xA;
	s2 =	sadd.s32 s3, s2  }
0x8d: {  	s2 =	sadd.s32 s2, s16  }
0x8e: {  	[smem:$0x3FC3] =	sst s2  }
0x8f: {  	_ = 	snop  }
0x90: {  	(tm) =	ssettm $0x1  }
0x91: {  	s17 =	sld [smem:$0x3FFB];
	_ =	sdelay $0x3  }
0x92: {  	_ =	strace s17  }
0x93: {  	s2 =	sld [smem:$0x3FFC];
	_ =	sdelay $0x3  }
0x94: {  	_ =	strace s2  }
0x95: {  	s2 =	sld [smem:$0x3FFD];
	_ =	sdelay $0x3  }
0x96: {  	_ =	strace s2  }
0x97: {  	_ =	strace $0x8FFFFFFF  }
0x98: {  	s18 =	sld [smem:$0x3FDB];
	_ =	sdelay $0x1  }
0x99: {  	s19 =	simm.s32 $_scs_section_size  }
0x9a: {  	s4 =	simm.s32 $_size__tile_overlayer_lowered;
	s5 =	simm.s32 $_tile_overlayer_lowered  }
0x9b: {  	s22 =	simm.s32 $0x1BFF;
	s21 =	sshll.u32 s5, $0x1;
	s2 =	sadd.s32 s19, s18  }
0x9c: {  	s6 =	simm.s32 $0x0;
	s20 =	sshll.u32 s4, $0x1;
	s4 =	sadd.s32 s21, s2  }
0x9d: {  	[timem:s6], [sflag:s22] =	dma.local [hbm:s4], s20  }
0x9e: {  	_ =	swait.ge [sflag:s22], s20  }
0x9f: {  	s3 =	ssub.s32 $0x0, s20;
	[sflag:s22] =	ssyncset.done $0x0  }
0xa0: {  	[sflag:s22] =	ssyncadd.s32 s3;
	_ =	sdelay $0x1  }
0xa1: {  	s23 =	simm.s32 $0x1B8B  }
0xa2: {  	_ =	swait.ge [sflag:s23], $0x1  }
0xa3: {  	[sflag:s23] =	ssyncset.done $0x0  }
0xa4: {  	s25 =	simm.s32 $0x1B8E;
	s24 =	sld [smem:$0x3FFE];
	[sflag:s23] =	ssyncadd.s32 $0xFFFFFFFF  }
0xa5: {  	s26 =	simm.s32 $execute0_lowered;
	[smem:$0x3FD2] =	sst s25  }
0xa6: {  	s4 =	sshll.u32 s26, $0x1;
	_ =	strace $0x80000046;
	[dreg:$0x1] =	wrdreg $0xFFFFFFFF  }
0xa7: {  	s28 =	simm.s32 $_size_execute0_lowered;
	s2 =	sadd.s32 s2, s4;
	[dreg:$0x0] =	wrdreg $0x0  }
0xa8: {  	s4 =	sshll.u32 s28, $0x1;
	[dreg:$0x2] =	wrdreg s2  }
0xa9: {  	[dreg:$0x3] =	wrdreg s4  }
0xaa: {  	[dreg:$0x4] =	wrdreg $0xC0  }
0xab: {  	_ =	task [dreg:s6], $0x5FFFF  }
0xac: {  	[dreg:$0x1] =	wrdreg $0xFFFFFFFF  }
0xad: {  	[dreg:$0x0] =	wrdreg $0x60  }
0xae: {  	[dreg:$0x2] =	wrdreg s24  }
0xaf: {  	[dreg:$0x3] =	wrdreg $0x9  }
0xb0: {  	_ =	task.clear_ibuf [dreg:s6], $0x4FFFF;
	_ =	strace $0x90000046  }
0xb1: {  	s29 =	simm.s32 $0x9;
	_ =	strace $0x80000048  }
0xb2: {  	_ =	swait.ge [sflag:s29], $0x1  }
0xb3: {  	[sflag:s29] =	ssyncadd.s32 $0xFFFFFFFF  }
0xb4: {  	_ =	strace $0x90000048  }
0xb5: {  	_ =	sfence  }
0xb6: {  	s30 =	sld [smem:$0x0];
	_ =	sdelay $0x2  }
0xb7: {  	s31 =	sshll.u32 s1, $0xD;
	s1 =	sshrl.u32 s1, $0x2  }
0xb8: {  	s3 =	sand.u32 $0x4000, s31;
	s1 =	sadd.s32 s1, s30  }
0xb9: {  	s0 =	sor.u32 s3, s0;
	s1 =	sshll.u32 s1, $0x11  }
0xba: {  	s0 =	sor.u32 s1, s0  }
0xbb: {  	s0 =	sadd.s32 $0x8F2B, s0  }
0xbc: {  	[sflag:s0] =	ssyncadd.remote.s32 $0x1  }
0xbd: {  	_ =	sfence.sel $0xFFFF  }
0xbe: {  	[dreg:$0x0] =	wrdreg $0xFFFFFFFF;
	(pc) =	sbr.abs _section_cstart, $3  }
0xbf: {  	[dreg:$0x1] =	wrdreg $0xFFFFFFFF  }
0xc0: {  	_ =	task.clear_ibuf [dreg:s6], $0x2FFFF;
	_ =	strace $0x9FFFFFFF  }
0xc1: {  	(tm) =	ssettm $0x7FFFFFFF  }
tec
execute0_lowered:
.L_overlay_start_1:
0x0: {  	(tag) =	ssettag $0x1  }
0x1: {  	s0 =	srdreg.scid  }
0x2: {  	s2 =	stileid.u32;
	s5 =	rddreg [dreg:$0x0];
	s0 =	sand.u32 $0x1, s0  }
0x3: {  	s28 =	simm.s32 $0x3C00;
	s29 =	simm.s32 $0x4400;
	s1 =	sshll.u32 s0, $0x4  }
0x4: {  	s30 =	simm.s32 $0x4C00;
	s31 =	simm.s32 $0x5000;
	s1 =	sor.u32 s2, s1  }
0x5: {  	s16 =	simm.s32 $0x9C00;
	s0 =	ssub.s32 $0x2, s0;
	s3 =	smul.u32 $0x120, s1  }
0x6: {  	s2 =	simm.s32 $0x0;
	s8 =	sshrl.u32 s0, $0x1;
	s4 =	smul.u32 $0x6, s1  }
0x7: {  	[smem:$0x7FF] =	sst s2;
	s1 =	sshrl.u32 s1, $0x3;
	s0 =	ssub.s32 s0, s8  }
0x8: {  	s8 =	simm.s32 $0x6400;
	_ =	strace $0x80000047;
	s1 =	smul.u32 $0x8D0, s1  }
0x9: {  	s3 =	sshrl.u32 s3, $0x3;
	s6 =	sadd.s32 $0x2, s4;
	s11 =	sadd.s32 $0x3, s4  }
0xa: {  	s13 =	sadd.s32 $0x4, s4;
	s3 =	smul.u32 $0x280, s3;
	s17 =	sand.u32 $0xFE, s6  }
0xb: {  	v20 =	vlaneseq.u32;
	s15 =	sadd.s32 $0x5, s4;
	s12 =	sand.u32 $0xFF, s11;
	s9 =	smul.u32 $0xAB, s17  }
0xc: {  	v15 =	vmul.u32 $0x30, v20;
	s1 =	sadd.s32 s4, s1;
	s14 =	sand.u32 $0xFE, s13;
	s12 =	smul.u32 $0xAB, s12  }
0xd: {  	s20 =	sand.u32 $0xFF, s15;
	s4 =	sadd.s32 $0xB4B00, s5;
	s19 =	smul.u32 $0xAB, s14  }
0xe: {  	v16 =	vadd.s32 $0x300, v15;
	v17 =	vadd.s32 $0x600, v15;
	s18 =	sor.u32 $0x1, s1;
	s14 =	smul.u32 $0xAB, s20;
	s20 =	simm.s32 $0x1000  }
0xf: {  	v0 =	vadd.s32 s1, v15;
	v1 =	vadd.s32 s1, v16;
	v2 =	vadd.s32 s1, v17;
	s1 =	simm.s32 $0x5800;
	s17 =	simm.s32 $0xA000;
	s7 =	sadd.s32 s3, s5  }
0x10: {  	s3 =	sadd.s32 $0xB4A00, s5;
	s5 =	sadd.s32 $0xB4C00, s5;
	s10 =	sadd.s32 $0xA00, s7  }
0x11: {  	s9 =	sshrl.u32 s9, $0xD;
	s12 =	sshrl.u32 s12, $0xD;
	s22 =	sshrl.u32 s14, $0xD  }
0x12: {  	s23 =	sadd.s32 $0x2800, s7;
	s25 =	sadd.s32 $0x4600, s7;
	s7 =	simm.s32 $0x1  }
0x13: {  	s14 =	simm.s32 $0x8C00;
	s9 =	smul.u32 $0x8D0, s9;
	[dreg:$0x2] =	wrdreg s10  }
0x14: {  	s12 =	smul.u32 $0x8D0, s12;
	s10 =	sshrl.u32 s19, $0xD;
	[dreg:$0x3] =	wrdreg s23  }
0x15: {  	vm0 =	vmmov $0xffff;
	vm1 =	vmmov $0xff;
	v19 =	vshrl.u32 v20, $0x3;
	[dreg:$0x4] =	wrdreg s25;
	s19 =	simm.s32 $0x800;
	s21 =	smul.u32 $0x8D0, s10  }
0x16: {  	v18 =	vand.u32 $0x7, v20;
	v20 =	vor.u32 $0x8, v20;
	v19 =	vmul.u32 $0x8, v19;
	s23 =	simm.s32 $0x2400;
	s25 =	simm.s32 $0x3000;
	s10 =	smul.u32 $0x8D0, s22  }
0x17: {  	v3 =	vadd.s32 s18, v15;
	v4 =	vadd.s32 s18, v16;
	v5 =	vadd.s32 s18, v17;
	s22 =	simm.s32 $0x1C00;
	s9 =	sadd.s32 s6, s9;
	s11 =	sadd.s32 s11, s12  }
0x18: {  	s6 =	smax.u32 s0, $0x1;
	s12 =	simm.s32 $0x8000;
	s24 =	sadd.s32 s13, s21;
	v6 =	vadd.s32 s9, v15;
	v7 =	vadd.s32 s9, v16;
	v8 =	vadd.s32 s9, v17  }
0x19: {  	s26 =	sadd.s32 s15, s10;
	v9 =	vadd.s32 s11, v15;
	v10 =	vadd.s32 s11, v16;
	v11 =	vadd.s32 s11, v17;
	s21 =	simm.s32 $0x1400;
	s9 =	simm.s32 $0x6C00  }
0x1a: {  	s10 =	simm.s32 $0x7400;
	s11 =	simm.s32 $0x7800;
	s13 =	simm.s32 $0x8800;
	v12 =	vadd.s32 s24, v15;
	v13 =	vadd.s32 s24, v16;
	v14 =	vadd.s32 s24, v17  }
0x1b: {  	s15 =	simm.s32 $0x9400;
	v15 =	vadd.s32 s26, v15;
	v16 =	vadd.s32 s26, v16;
	v17 =	vadd.s32 s26, v17;
	s24 =	simm.s32 $0x2800;
	s26 =	simm.s32 $0x3800  }
.LBB2_1:
0x1c: {  	[tilespmem:$0xF000] =	vst v0  }
0x1d: {  	[tilespmem:$0xF010] =	vst v1  }
0x1e: {  	[tilespmem:$0xF020] =	vst v2  }
0x1f: {  	[tilespmem:$0xF030] =	vst v3  }
0x20: {  	[tilespmem:$0xF040] =	vst v4  }
0x21: {  	s18 =	rddreg [dreg:$0x2];
	[tilespmem:$0xF050] =	vst v5  }
0x22: {  	[tilespmem:s2], [sflag:$0x1] =	stream.linear.gather [hbm4b:s18+s2], $0xF000, $0x38;
	[tilespmem:$0xF200] =	vst v63  }
0x23: {  	_ =	swait.ge [sflag:s7], $0xF000  }
0x24: {  	[sflag:s7] =	ssyncset.done $0x0  }
0x25: {  	[sflag:s7] =	ssyncadd.s32 $0xFFFF1000  }
0x26: {  	v21 =	vld [tilespmem:$0xF000];
	_ =	sdelay $0x4  }
0x27: {  	v22 =	vshrl.u32 v21, $0x3  }
0x28: {  	v22 =	vmul.u32 $0x28, v22  }
0x29: {  	v21 =	vand.u32 $0x7, v21  }
0x2a: {  	v21 =	vor.u32 v21, v22  }
0x2b: {  	v22 =	vperm.xlane v21, v18;
	_ =	sdelay $0x1  }
0x2c: {  	v22 =	vadd.s32 v19, v22;
	_ =	sdelay $0x3  }
0x2d: {  	v21 =	vperm.xlane v21, v20  }
0x2e: {  	[hbm4b:s3+s2] =	stream.indirect_vreg.scatter [tilespmem:s2], [sflag:$0x1], $0x80, v22, vm0, $0xb8;
	[tilespmem:$0xF200] =	vst v63  }
0x2f: {  	v21 =	vadd.s32 v19, v21  }
0x30: {  	[hbm4b:s4+s2] =	stream.indirect_vreg.scatter [tilespmem:s19], [sflag:$0x1], $0x80, v22, vm0, $0xb8;
	[tilespmem:$0xF200] =	vst v63  }
0x31: {  	_ = 	snop  }
0x32: {  	[hbm4b:s5+s2] =	stream.indirect_vreg.scatter [tilespmem:s20], [sflag:$0x1], $0x80, v22, vm1, $0xb8;
	[tilespmem:$0xF200] =	vst v63  }
0x33: {  	_ = 	snop  }
0x34: {  	[hbm4b:s3+s2] =	stream.indirect_vreg.scatter [tilespmem:s21], [sflag:$0x1], $0x80, v21, vm0, $0xb8;
	[tilespmem:$0xF200] =	vst v63  }
0x35: {  	_ = 	snop  }
0x36: {  	[hbm4b:s4+s2] =	stream.indirect_vreg.scatter [tilespmem:s22], [sflag:$0x1], $0x80, v21, vm0, $0xb8;
	[tilespmem:$0xF200] =	vst v63  }
0x37: {  	_ = 	snop  }
0x38: {  	[hbm4b:s5+s2] =	stream.indirect_vreg.scatter [tilespmem:s23], [sflag:$0x1], $0x80, v21, vm1, $0xb8;
	[tilespmem:$0xF200] =	vst v63  }
0x39: {  	v21 =	vld [tilespmem:$0xF010];
	_ =	sdelay $0x4  }
0x3a: {  	v22 =	vshrl.u32 v21, $0x3  }
0x3b: {  	v22 =	vmul.u32 $0x28, v22  }
0x3c: {  	v21 =	vand.u32 $0x7, v21  }
0x3d: {  	v21 =	vor.u32 v21, v22  }
0x3e: {  	v22 =	vperm.xlane v21, v18;
	_ =	sdelay $0x1  }
0x3f: {  	v22 =	vadd.s32 v19, v22;
	_ =	sdelay $0x3  }
0x40: {  	v21 =	vperm.xlane v21, v20  }
0x41: {  	[hbm4b:s3+s2] =	stream.indirect_vreg.scatter [tilespmem:s24], [sflag:$0x1], $0x80, v22, vm0, $0xb8;
	[tilespmem:$0xF200] =	vst v63  }
0x42: {  	v21 =	vadd.s32 v19, v21  }
0x43: {  	[hbm4b:s4+s2] =	stream.indirect_vreg.scatter [tilespmem:s25], [sflag:$0x1], $0x80, v22, vm0, $0xb8;
	[tilespmem:$0xF200] =	vst v63  }
0x44: {  	_ = 	snop  }
0x45: {  	[hbm4b:s5+s2] =	stream.indirect_vreg.scatter [tilespmem:s26], [sflag:$0x1], $0x80, v22, vm1, $0xb8;
	[tilespmem:$0xF200] =	vst v63  }
0x46: {  	_ = 	snop  }
0x47: {  	[hbm4b:s3+s2] =	stream.indirect_vreg.scatter [tilespmem:s28], [sflag:$0x1], $0x80, v21, vm0, $0xb8;
	[tilespmem:$0xF200] =	vst v63  }
0x48: {  	_ = 	snop  }
0x49: {  	[hbm4b:s4+s2] =	stream.indirect_vreg.scatter [tilespmem:s29], [sflag:$0x1], $0x80, v21, vm0, $0xb8;
	[tilespmem:$0xF200] =	vst v63  }
0x4a: {  	_ = 	snop  }
0x4b: {  	[hbm4b:s5+s2] =	stream.indirect_vreg.scatter [tilespmem:s30], [sflag:$0x1], $0x80, v21, vm1, $0xb8;
	[tilespmem:$0xF200] =	vst v63  }
0x4c: {  	v21 =	vld [tilespmem:$0xF020];
	_ =	sdelay $0x4  }
0x4d: {  	v22 =	vshrl.u32 v21, $0x3  }
0x4e: {  	v22 =	vmul.u32 $0x28, v22  }
0x4f: {  	v21 =	vand.u32 $0x7, v21  }
0x50: {  	v21 =	vor.u32 v21, v22  }
0x51: {  	v22 =	vperm.xlane v21, v18;
	_ =	sdelay $0x1  }
0x52: {  	v22 =	vadd.s32 v19, v22;
	_ =	sdelay $0x3  }
0x53: {  	v21 =	vperm.xlane v21, v20  }
0x54: {  	[hbm4b:s3+s2] =	stream.indirect_vreg.scatter [tilespmem:s31], [sflag:$0x1], $0x80, v22, vm0, $0xb8;
	[tilespmem:$0xF200] =	vst v63  }
0x55: {  	v21 =	vadd.s32 v19, v21  }
0x56: {  	[hbm4b:s4+s2] =	stream.indirect_vreg.scatter [tilespmem:s1], [sflag:$0x1], $0x80, v22, vm0, $0xb8;
	[tilespmem:$0xF200] =	vst v63  }
0x57: {  	s0 =	simm.s32 $0x6000  }
0x58: {  	[hbm4b:s5+s2] =	stream.indirect_vreg.scatter [tilespmem:s0], [sflag:$0x1], $0x80, v22, vm1, $0xb8;
	[tilespmem:$0xF200] =	vst v63  }
0x59: {  	_ = 	snop  }
0x5a: {  	[hbm4b:s3+s2] =	stream.indirect_vreg.scatter [tilespmem:s8], [sflag:$0x1], $0x80, v21, vm0, $0xb8;
	[tilespmem:$0xF200] =	vst v63  }
0x5b: {  	_ = 	snop  }
0x5c: {  	[hbm4b:s4+s2] =	stream.indirect_vreg.scatter [tilespmem:s9], [sflag:$0x1], $0x80, v21, vm0, $0xb8;
	[tilespmem:$0xF200] =	vst v63  }
0x5d: {  	_ = 	snop  }
0x5e: {  	[hbm4b:s5+s2] =	stream.indirect_vreg.scatter [tilespmem:s10], [sflag:$0x1], $0x80, v21, vm1, $0xb8;
	[tilespmem:$0xF200] =	vst v63  }
0x5f: {  	v21 =	vld [tilespmem:$0xF030];
	_ =	sdelay $0x4  }
0x60: {  	v22 =	vshrl.u32 v21, $0x3  }
0x61: {  	v22 =	vmul.u32 $0x28, v22  }
0x62: {  	v21 =	vand.u32 $0x7, v21  }
0x63: {  	v21 =	vor.u32 v21, v22  }
0x64: {  	v22 =	vperm.xlane v21, v18;
	_ =	sdelay $0x1  }
0x65: {  	v22 =	vadd.s32 v19, v22;
	_ =	sdelay $0x3  }
0x66: {  	v21 =	vperm.xlane v21, v20  }
0x67: {  	[hbm4b:s3+s2] =	stream.indirect_vreg.scatter [tilespmem:s11], [sflag:$0x1], $0x80, v22, vm0, $0xb8;
	[tilespmem:$0xF200] =	vst v63  }
0x68: {  	v21 =	vadd.s32 v19, v21  }
0x69: {  	[hbm4b:s4+s2] =	stream.indirect_vreg.scatter [tilespmem:s12], [sflag:$0x1], $0x80, v22, vm0, $0xb8;
	[tilespmem:$0xF200] =	vst v63  }
0x6a: {  	_ = 	snop  }
0x6b: {  	[hbm4b:s5+s2] =	stream.indirect_vreg.scatter [tilespmem:s13], [sflag:$0x1], $0x80, v22, vm1, $0xb8;
	[tilespmem:$0xF200] =	vst v63  }
0x6c: {  	_ = 	snop  }
0x6d: {  	[hbm4b:s3+s2] =	stream.indirect_vreg.scatter [tilespmem:s14], [sflag:$0x1], $0x80, v21, vm0, $0xb8;
	[tilespmem:$0xF200] =	vst v63  }
0x6e: {  	_ = 	snop  }
0x6f: {  	[hbm4b:s4+s2] =	stream.indirect_vreg.scatter [tilespmem:s15], [sflag:$0x1], $0x80, v21, vm0, $0xb8;
	[tilespmem:$0xF200] =	vst v63  }
0x70: {  	_ = 	snop  }
0x71: {  	[hbm4b:s5+s2] =	stream.indirect_vreg.scatter [tilespmem:s16], [sflag:$0x1], $0x80, v21, vm1, $0xb8;
	[tilespmem:$0xF200] =	vst v63  }
0x72: {  	v21 =	vld [tilespmem:$0xF040];
	_ =	sdelay $0x4  }
0x73: {  	v22 =	vshrl.u32 v21, $0x3  }
0x74: {  	v22 =	vmul.u32 $0x28, v22  }
0x75: {  	v21 =	vand.u32 $0x7, v21  }
0x76: {  	v21 =	vor.u32 v21, v22  }
0x77: {  	v22 =	vperm.xlane v21, v18;
	_ =	sdelay $0x1  }
0x78: {  	v22 =	vadd.s32 v19, v22;
	_ =	sdelay $0x3  }
0x79: {  	v21 =	vperm.xlane v21, v20  }
0x7a: {  	[hbm4b:s3+s2] =	stream.indirect_vreg.scatter [tilespmem:s17], [sflag:$0x1], $0x80, v22, vm0, $0xb8;
	[tilespmem:$0xF200] =	vst v63  }
0x7b: {  	s18 =	simm.s32 $0xA800;
	v21 =	vadd.s32 v19, v21  }
0x7c: {  	[hbm4b:s4+s2] =	stream.indirect_vreg.scatter [tilespmem:s18], [sflag:$0x1], $0x80, v22, vm0, $0xb8;
	[tilespmem:$0xF200] =	vst v63  }
0x7d: {  	s18 =	simm.s32 $0xB000  }
0x7e: {  	[hbm4b:s5+s2] =	stream.indirect_vreg.scatter [tilespmem:s18], [sflag:$0x1], $0x80, v22, vm1, $0xb8;
	[tilespmem:$0xF200] =	vst v63  }
0x7f: {  	s18 =	simm.s32 $0xB400  }
0x80: {  	[hbm4b:s3+s2] =	stream.indirect_vreg.scatter [tilespmem:s18], [sflag:$0x1], $0x80, v21, vm0, $0xb8;
	[tilespmem:$0xF200] =	vst v63  }
0x81: {  	s18 =	simm.s32 $0xBC00  }
0x82: {  	[hbm4b:s4+s2] =	stream.indirect_vreg.scatter [tilespmem:s18], [sflag:$0x1], $0x80, v21, vm0, $0xb8;
	[tilespmem:$0xF200] =	vst v63  }
0x83: {  	s18 =	simm.s32 $0xC400  }
0x84: {  	[hbm4b:s5+s2] =	stream.indirect_vreg.scatter [tilespmem:s18], [sflag:$0x1], $0x80, v21, vm1, $0xb8;
	[tilespmem:$0xF200] =	vst v63  }
0x85: {  	v21 =	vld [tilespmem:$0xF050];
	_ =	sdelay $0x4  }
0x86: {  	v22 =	vshrl.u32 v21, $0x3  }
0x87: {  	v22 =	vmul.u32 $0x28, v22  }
0x88: {  	v21 =	vand.u32 $0x7, v21  }
0x89: {  	v21 =	vor.u32 v21, v22  }
0x8a: {  	v22 =	vperm.xlane v21, v18;
	_ =	sdelay $0x1  }
0x8b: {  	v22 =	vadd.s32 v19, v22;
	_ =	sdelay $0x3  }
0x8c: {  	s18 =	simm.s32 $0xC800;
	v21 =	vperm.xlane v21, v20  }
0x8d: {  	[hbm4b:s3+s2] =	stream.indirect_vreg.scatter [tilespmem:s18], [sflag:$0x1], $0x80, v22, vm0, $0xb8;
	[tilespmem:$0xF200] =	vst v63  }
0x8e: {  	v21 =	vadd.s32 v19, v21;
	s18 =	simm.s32 $0xD000  }
0x8f: {  	[hbm4b:s4+s2] =	stream.indirect_vreg.scatter [tilespmem:s18], [sflag:$0x1], $0x80, v22, vm0, $0xb8;
	[tilespmem:$0xF200] =	vst v63  }
0x90: {  	s18 =	simm.s32 $0xD800  }
0x91: {  	[hbm4b:s5+s2] =	stream.indirect_vreg.scatter [tilespmem:s18], [sflag:$0x1], $0x80, v22, vm1, $0xb8;
	[tilespmem:$0xF200] =	vst v63  }
0x92: {  	s18 =	simm.s32 $0xDC00  }
0x93: {  	[hbm4b:s3+s2] =	stream.indirect_vreg.scatter [tilespmem:s18], [sflag:$0x1], $0x80, v21, vm0, $0xb8;
	[tilespmem:$0xF200] =	vst v63  }
0x94: {  	s18 =	simm.s32 $0xE400  }
0x95: {  	[hbm4b:s4+s2] =	stream.indirect_vreg.scatter [tilespmem:s18], [sflag:$0x1], $0x80, v21, vm0, $0xb8;
	[tilespmem:$0xF200] =	vst v63  }
0x96: {  	s18 =	simm.s32 $0xEC00  }
0x97: {  	[hbm4b:s5+s2] =	stream.indirect_vreg.scatter [tilespmem:s18], [sflag:$0x1], $0x80, v21, vm1, $0xb8;
	[tilespmem:$0xF200] =	vst v63  }
0x98: {  	_ =	swait.ge [sflag:s7], $0xF000  }
0x99: {  	[sflag:s7] =	ssyncset.done $0x0  }
0x9a: {  	[sflag:s7] =	ssyncadd.s32 $0xFFFF1000  }
0x9b: {  	[tilespmem:$0xF080] =	vst v6  }
0x9c: {  	[tilespmem:$0xF090] =	vst v7  }
0x9d: {  	[tilespmem:$0xF0A0] =	vst v8  }
0x9e: {  	[tilespmem:$0xF0B0] =	vst v9  }
0x9f: {  	[tilespmem:$0xF0C0] =	vst v10  }
0xa0: {  	s18 =	rddreg [dreg:$0x3];
	[tilespmem:$0xF0D0] =	vst v11  }
0xa1: {  	[tilespmem:s2], [sflag:$0x1] =	stream.linear.gather [hbm4b:s18+s2], $0xF000, $0x38;
	[tilespmem:$0xF200] =	vst v63  }
0xa2: {  	_ =	swait.ge [sflag:s7], $0xF000  }
0xa3: {  	[sflag:s7] =	ssyncset.done $0x0  }
0xa4: {  	[sflag:s7] =	ssyncadd.s32 $0xFFFF1000  }
0xa5: {  	v21 =	vld [tilespmem:$0xF080];
	_ =	sdelay $0x4  }
0xa6: {  	v22 =	vshrl.u32 v21, $0x3  }
0xa7: {  	v22 =	vmul.u32 $0x28, v22  }
0xa8: {  	v21 =	vand.u32 $0x7, v21  }
0xa9: {  	v21 =	vor.u32 v21, v22  }
0xaa: {  	v22 =	vperm.xlane v21, v18;
	_ =	sdelay $0x1  }
0xab: {  	v22 =	vadd.s32 v19, v22;
	_ =	sdelay $0x3  }
0xac: {  	v21 =	vperm.xlane v21, v20  }
0xad: {  	[hbm4b:s3+s2] =	stream.indirect_vreg.scatter [tilespmem:s2], [sflag:$0x1], $0x80, v22, vm0, $0xb8;
	[tilespmem:$0xF200] =	vst v63  }
0xae: {  	v21 =	vadd.s32 v19, v21  }
0xaf: {  	[hbm4b:s4+s2] =	stream.indirect_vreg.scatter [tilespmem:s19], [sflag:$0x1], $0x80, v22, vm0, $0xb8;
	[tilespmem:$0xF200] =	vst v63  }
0xb0: {  	_ = 	snop  }
0xb1: {  	[hbm4b:s5+s2] =	stream.indirect_vreg.scatter [tilespmem:s20], [sflag:$0x1], $0x80, v22, vm1, $0xb8;
	[tilespmem:$0xF200] =	vst v63  }
0xb2: {  	_ = 	snop  }
0xb3: {  	[hbm4b:s3+s2] =	stream.indirect_vreg.scatter [tilespmem:s21], [sflag:$0x1], $0x80, v21, vm0, $0xb8;
	[tilespmem:$0xF200] =	vst v63  }
0xb4: {  	_ = 	snop  }
0xb5: {  	[hbm4b:s4+s2] =	stream.indirect_vreg.scatter [tilespmem:s22], [sflag:$0x1], $0x80, v21, vm0, $0xb8;
	[tilespmem:$0xF200] =	vst v63  }
0xb6: {  	_ = 	snop  }
0xb7: {  	[hbm4b:s5+s2] =	stream.indirect_vreg.scatter [tilespmem:s23], [sflag:$0x1], $0x80, v21, vm1, $0xb8;
	[tilespmem:$0xF200] =	vst v63  }
0xb8: {  	v21 =	vld [tilespmem:$0xF090];
	_ =	sdelay $0x4  }
0xb9: {  	v22 =	vshrl.u32 v21, $0x3  }
0xba: {  	v22 =	vmul.u32 $0x28, v22  }
0xbb: {  	v21 =	vand.u32 $0x7, v21  }
0xbc: {  	v21 =	vor.u32 v21, v22  }
0xbd: {  	v22 =	vperm.xlane v21, v18;
	_ =	sdelay $0x1  }
0xbe: {  	v22 =	vadd.s32 v19, v22;
	_ =	sdelay $0x3  }
0xbf: {  	v21 =	vperm.xlane v21, v20  }
0xc0: {  	[hbm4b:s3+s2] =	stream.indirect_vreg.scatter [tilespmem:s24], [sflag:$0x1], $0x80, v22, vm0, $0xb8;
	[tilespmem:$0xF200] =	vst v63  }
0xc1: {  	v21 =	vadd.s32 v19, v21  }
0xc2: {  	[hbm4b:s4+s2] =	stream.indirect_vreg.scatter [tilespmem:s25], [sflag:$0x1], $0x80, v22, vm0, $0xb8;
	[tilespmem:$0xF200] =	vst v63  }
0xc3: {  	_ = 	snop  }
0xc4: {  	[hbm4b:s5+s2] =	stream.indirect_vreg.scatter [tilespmem:s26], [sflag:$0x1], $0x80, v22, vm1, $0xb8;
	[tilespmem:$0xF200] =	vst v63  }
0xc5: {  	_ = 	snop  }
0xc6: {  	[hbm4b:s3+s2] =	stream.indirect_vreg.scatter [tilespmem:s28], [sflag:$0x1], $0x80, v21, vm0, $0xb8;
	[tilespmem:$0xF200] =	vst v63  }
0xc7: {  	_ = 	snop  }
0xc8: {  	[hbm4b:s4+s2] =	stream.indirect_vreg.scatter [tilespmem:s29], [sflag:$0x1], $0x80, v21, vm0, $0xb8;
	[tilespmem:$0xF200] =	vst v63  }
0xc9: {  	_ = 	snop  }
0xca: {  	[hbm4b:s5+s2] =	stream.indirect_vreg.scatter [tilespmem:s30], [sflag:$0x1], $0x80, v21, vm1, $0xb8;
	[tilespmem:$0xF200] =	vst v63  }
0xcb: {  	v21 =	vld [tilespmem:$0xF0A0];
	_ =	sdelay $0x4  }
0xcc: {  	v22 =	vshrl.u32 v21, $0x3  }
0xcd: {  	v22 =	vmul.u32 $0x28, v22  }
0xce: {  	v21 =	vand.u32 $0x7, v21  }
0xcf: {  	v21 =	vor.u32 v21, v22  }
0xd0: {  	v22 =	vperm.xlane v21, v18;
	_ =	sdelay $0x1  }
0xd1: {  	v22 =	vadd.s32 v19, v22;
	_ =	sdelay $0x3  }
0xd2: {  	v21 =	vperm.xlane v21, v20  }
0xd3: {  	[hbm4b:s3+s2] =	stream.indirect_vreg.scatter [tilespmem:s31], [sflag:$0x1], $0x80, v22, vm0, $0xb8;
	[tilespmem:$0xF200] =	vst v63  }
0xd4: {  	v21 =	vadd.s32 v19, v21  }
0xd5: {  	[hbm4b:s4+s2] =	stream.indirect_vreg.scatter [tilespmem:s1], [sflag:$0x1], $0x80, v22, vm0, $0xb8;
	[tilespmem:$0xF200] =	vst v63  }
0xd6: {  	_ = 	snop  }
0xd7: {  	[hbm4b:s5+s2] =	stream.indirect_vreg.scatter [tilespmem:s0], [sflag:$0x1], $0x80, v22, vm1, $0xb8;
	[tilespmem:$0xF200] =	vst v63  }
0xd8: {  	_ = 	snop  }
0xd9: {  	[hbm4b:s3+s2] =	stream.indirect_vreg.scatter [tilespmem:s8], [sflag:$0x1], $0x80, v21, vm0, $0xb8;
	[tilespmem:$0xF200] =	vst v63  }
0xda: {  	_ = 	snop  }
0xdb: {  	[hbm4b:s4+s2] =	stream.indirect_vreg.scatter [tilespmem:s9], [sflag:$0x1], $0x80, v21, vm0, $0xb8;
	[tilespmem:$0xF200] =	vst v63  }
0xdc: {  	_ = 	snop  }
0xdd: {  	[hbm4b:s5+s2] =	stream.indirect_vreg.scatter [tilespmem:s10], [sflag:$0x1], $0x80, v21, vm1, $0xb8;
	[tilespmem:$0xF200] =	vst v63  }
0xde: {  	v21 =	vld [tilespmem:$0xF0B0];
	_ =	sdelay $0x4  }
0xdf: {  	v22 =	vshrl.u32 v21, $0x3  }
0xe0: {  	v22 =	vmul.u32 $0x28, v22  }
0xe1: {  	v21 =	vand.u32 $0x7, v21  }
0xe2: {  	v21 =	vor.u32 v21, v22  }
0xe3: {  	v22 =	vperm.xlane v21, v18;
	_ =	sdelay $0x1  }
0xe4: {  	v22 =	vadd.s32 v19, v22;
	_ =	sdelay $0x3  }
0xe5: {  	v21 =	vperm.xlane v21, v20  }
0xe6: {  	[hbm4b:s3+s2] =	stream.indirect_vreg.scatter [tilespmem:s11], [sflag:$0x1], $0x80, v22, vm0, $0xb8;
	[tilespmem:$0xF200] =	vst v63  }
0xe7: {  	v21 =	vadd.s32 v19, v21  }
0xe8: {  	[hbm4b:s4+s2] =	stream.indirect_vreg.scatter [tilespmem:s12], [sflag:$0x1], $0x80, v22, vm0, $0xb8;
	[tilespmem:$0xF200] =	vst v63  }
0xe9: {  	_ = 	snop  }
0xea: {  	[hbm4b:s5+s2] =	stream.indirect_vreg.scatter [tilespmem:s13], [sflag:$0x1], $0x80, v22, vm1, $0xb8;
	[tilespmem:$0xF200] =	vst v63  }
0xeb: {  	_ = 	snop  }
0xec: {  	[hbm4b:s3+s2] =	stream.indirect_vreg.scatter [tilespmem:s14], [sflag:$0x1], $0x80, v21, vm0, $0xb8;
	[tilespmem:$0xF200] =	vst v63  }
0xed: {  	_ = 	snop  }
0xee: {  	[hbm4b:s4+s2] =	stream.indirect_vreg.scatter [tilespmem:s15], [sflag:$0x1], $0x80, v21, vm0, $0xb8;
	[tilespmem:$0xF200] =	vst v63  }
0xef: {  	_ = 	snop  }
0xf0: {  	[hbm4b:s5+s2] =	stream.indirect_vreg.scatter [tilespmem:s16], [sflag:$0x1], $0x80, v21, vm1, $0xb8;
	[tilespmem:$0xF200] =	vst v63  }
0xf1: {  	v21 =	vld [tilespmem:$0xF0C0];
	_ =	sdelay $0x4  }
0xf2: {  	v22 =	vshrl.u32 v21, $0x3  }
0xf3: {  	v22 =	vmul.u32 $0x28, v22  }
0xf4: {  	v21 =	vand.u32 $0x7, v21  }
0xf5: {  	v21 =	vor.u32 v21, v22  }
0xf6: {  	v22 =	vperm.xlane v21, v18;
	_ =	sdelay $0x1  }
0xf7: {  	v22 =	vadd.s32 v19, v22;
	_ =	sdelay $0x3  }
0xf8: {  	v21 =	vperm.xlane v21, v20  }
0xf9: {  	[hbm4b:s3+s2] =	stream.indirect_vreg.scatter [tilespmem:s17], [sflag:$0x1], $0x80, v22, vm0, $0xb8;
	[tilespmem:$0xF200] =	vst v63  }
0xfa: {  	s18 =	simm.s32 $0xA800;
	v21 =	vadd.s32 v19, v21  }
0xfb: {  	[hbm4b:s4+s2] =	stream.indirect_vreg.scatter [tilespmem:s18], [sflag:$0x1], $0x80, v22, vm0, $0xb8;
	[tilespmem:$0xF200] =	vst v63  }
0xfc: {  	s18 =	simm.s32 $0xB000  }
0xfd: {  	[hbm4b:s5+s2] =	stream.indirect_vreg.scatter [tilespmem:s18], [sflag:$0x1], $0x80, v22, vm1, $0xb8;
	[tilespmem:$0xF200] =	vst v63  }
0xfe: {  	s18 =	simm.s32 $0xB400  }
0xff: {  	[hbm4b:s3+s2] =	stream.indirect_vreg.scatter [tilespmem:s18], [sflag:$0x1], $0x80, v21, vm0, $0xb8;
	[tilespmem:$0xF200] =	vst v63  }
0x100: {  	s18 =	simm.s32 $0xBC00  }
0x101: {  	[hbm4b:s4+s2] =	stream.indirect_vreg.scatter [tilespmem:s18], [sflag:$0x1], $0x80, v21, vm0, $0xb8;
	[tilespmem:$0xF200] =	vst v63  }
0x102: {  	s18 =	simm.s32 $0xC400  }
0x103: {  	[hbm4b:s5+s2] =	stream.indirect_vreg.scatter [tilespmem:s18], [sflag:$0x1], $0x80, v21, vm1, $0xb8;
	[tilespmem:$0xF200] =	vst v63  }
0x104: {  	v21 =	vld [tilespmem:$0xF0D0];
	_ =	sdelay $0x4  }
0x105: {  	v22 =	vshrl.u32 v21, $0x3  }
0x106: {  	v22 =	vmul.u32 $0x28, v22  }
0x107: {  	v21 =	vand.u32 $0x7, v21  }
0x108: {  	v21 =	vor.u32 v21, v22  }
0x109: {  	v22 =	vperm.xlane v21, v18;
	_ =	sdelay $0x1  }
0x10a: {  	v22 =	vadd.s32 v19, v22;
	_ =	sdelay $0x3  }
0x10b: {  	s18 =	simm.s32 $0xC800;
	v21 =	vperm.xlane v21, v20  }
0x10c: {  	[hbm4b:s3+s2] =	stream.indirect_vreg.scatter [tilespmem:s18], [sflag:$0x1], $0x80, v22, vm0, $0xb8;
	[tilespmem:$0xF200] =	vst v63  }
0x10d: {  	v21 =	vadd.s32 v19, v21;
	s18 =	simm.s32 $0xD000  }
0x10e: {  	[hbm4b:s4+s2] =	stream.indirect_vreg.scatter [tilespmem:s18], [sflag:$0x1], $0x80, v22, vm0, $0xb8;
	[tilespmem:$0xF200] =	vst v63  }
0x10f: {  	s18 =	simm.s32 $0xD800  }
0x110: {  	[hbm4b:s5+s2] =	stream.indirect_vreg.scatter [tilespmem:s18], [sflag:$0x1], $0x80, v22, vm1, $0xb8;
	[tilespmem:$0xF200] =	vst v63  }
0x111: {  	s18 =	simm.s32 $0xDC00  }
0x112: {  	[hbm4b:s3+s2] =	stream.indirect_vreg.scatter [tilespmem:s18], [sflag:$0x1], $0x80, v21, vm0, $0xb8;
	[tilespmem:$0xF200] =	vst v63  }
0x113: {  	s18 =	simm.s32 $0xE400  }
0x114: {  	[hbm4b:s4+s2] =	stream.indirect_vreg.scatter [tilespmem:s18], [sflag:$0x1], $0x80, v21, vm0, $0xb8;
	[tilespmem:$0xF200] =	vst v63  }
0x115: {  	s18 =	simm.s32 $0xEC00  }
0x116: {  	[hbm4b:s5+s2] =	stream.indirect_vreg.scatter [tilespmem:s18], [sflag:$0x1], $0x80, v21, vm1, $0xb8;
	[tilespmem:$0xF200] =	vst v63  }
0x117: {  	_ =	swait.ge [sflag:s7], $0xF000  }
0x118: {  	[sflag:s7] =	ssyncset.done $0x0  }
0x119: {  	[sflag:s7] =	ssyncadd.s32 $0xFFFF1000  }
0x11a: {  	[tilespmem:$0xF100] =	vst v12  }
0x11b: {  	[tilespmem:$0xF110] =	vst v13  }
0x11c: {  	[tilespmem:$0xF120] =	vst v14  }
0x11d: {  	[tilespmem:$0xF130] =	vst v15  }
0x11e: {  	[tilespmem:$0xF140] =	vst v16  }
0x11f: {  	s18 =	rddreg [dreg:$0x4];
	[tilespmem:$0xF150] =	vst v17  }
0x120: {  	[tilespmem:s2], [sflag:$0x1] =	stream.linear.gather [hbm4b:s18+s2], $0xF000, $0x38;
	[tilespmem:$0xF200] =	vst v63  }
0x121: {  	_ =	swait.ge [sflag:s7], $0xF000  }
0x122: {  	[sflag:s7] =	ssyncset.done $0x0  }
0x123: {  	[sflag:s7] =	ssyncadd.s32 $0xFFFF1000  }
0x124: {  	v21 =	vld [tilespmem:$0xF100];
	_ =	sdelay $0x4  }
0x125: {  	v22 =	vshrl.u32 v21, $0x3  }
0x126: {  	v22 =	vmul.u32 $0x28, v22  }
0x127: {  	v21 =	vand.u32 $0x7, v21  }
0x128: {  	v21 =	vor.u32 v21, v22  }
0x129: {  	v22 =	vperm.xlane v21, v18;
	_ =	sdelay $0x1  }
0x12a: {  	v22 =	vadd.s32 v19, v22;
	_ =	sdelay $0x3  }
0x12b: {  	v21 =	vperm.xlane v21, v20  }
0x12c: {  	[hbm4b:s3+s2] =	stream.indirect_vreg.scatter [tilespmem:s2], [sflag:$0x1], $0x80, v22, vm0, $0xb8;
	[tilespmem:$0xF200] =	vst v63  }
0x12d: {  	v21 =	vadd.s32 v19, v21  }
0x12e: {  	[hbm4b:s4+s2] =	stream.indirect_vreg.scatter [tilespmem:s19], [sflag:$0x1], $0x80, v22, vm0, $0xb8;
	[tilespmem:$0xF200] =	vst v63  }
0x12f: {  	_ = 	snop  }
0x130: {  	[hbm4b:s5+s2] =	stream.indirect_vreg.scatter [tilespmem:s20], [sflag:$0x1], $0x80, v22, vm1, $0xb8;
	[tilespmem:$0xF200] =	vst v63  }
0x131: {  	_ = 	snop  }
0x132: {  	[hbm4b:s3+s2] =	stream.indirect_vreg.scatter [tilespmem:s21], [sflag:$0x1], $0x80, v21, vm0, $0xb8;
	[tilespmem:$0xF200] =	vst v63  }
0x133: {  	_ = 	snop  }
0x134: {  	[hbm4b:s4+s2] =	stream.indirect_vreg.scatter [tilespmem:s22], [sflag:$0x1], $0x80, v21, vm0, $0xb8;
	[tilespmem:$0xF200] =	vst v63  }
0x135: {  	_ = 	snop  }
0x136: {  	[hbm4b:s5+s2] =	stream.indirect_vreg.scatter [tilespmem:s23], [sflag:$0x1], $0x80, v21, vm1, $0xb8;
	[tilespmem:$0xF200] =	vst v63  }
0x137: {  	v21 =	vld [tilespmem:$0xF110];
	_ =	sdelay $0x4  }
0x138: {  	v22 =	vshrl.u32 v21, $0x3  }
0x139: {  	v22 =	vmul.u32 $0x28, v22  }
0x13a: {  	v21 =	vand.u32 $0x7, v21  }
0x13b: {  	v21 =	vor.u32 v21, v22  }
0x13c: {  	v22 =	vperm.xlane v21, v18;
	_ =	sdelay $0x1  }
0x13d: {  	v22 =	vadd.s32 v19, v22;
	_ =	sdelay $0x3  }
0x13e: {  	v21 =	vperm.xlane v21, v20  }
0x13f: {  	[hbm4b:s3+s2] =	stream.indirect_vreg.scatter [tilespmem:s24], [sflag:$0x1], $0x80, v22, vm0, $0xb8;
	[tilespmem:$0xF200] =	vst v63  }
0x140: {  	v21 =	vadd.s32 v19, v21  }
0x141: {  	[hbm4b:s4+s2] =	stream.indirect_vreg.scatter [tilespmem:s25], [sflag:$0x1], $0x80, v22, vm0, $0xb8;
	[tilespmem:$0xF200] =	vst v63  }
0x142: {  	_ = 	snop  }
0x143: {  	[hbm4b:s5+s2] =	stream.indirect_vreg.scatter [tilespmem:s26], [sflag:$0x1], $0x80, v22, vm1, $0xb8;
	[tilespmem:$0xF200] =	vst v63  }
0x144: {  	_ = 	snop  }
0x145: {  	[hbm4b:s3+s2] =	stream.indirect_vreg.scatter [tilespmem:s28], [sflag:$0x1], $0x80, v21, vm0, $0xb8;
	[tilespmem:$0xF200] =	vst v63  }
0x146: {  	_ = 	snop  }
0x147: {  	[hbm4b:s4+s2] =	stream.indirect_vreg.scatter [tilespmem:s29], [sflag:$0x1], $0x80, v21, vm0, $0xb8;
	[tilespmem:$0xF200] =	vst v63  }
0x148: {  	_ = 	snop  }
0x149: {  	[hbm4b:s5+s2] =	stream.indirect_vreg.scatter [tilespmem:s30], [sflag:$0x1], $0x80, v21, vm1, $0xb8;
	[tilespmem:$0xF200] =	vst v63  }
0x14a: {  	v21 =	vld [tilespmem:$0xF120];
	_ =	sdelay $0x4  }
0x14b: {  	v22 =	vshrl.u32 v21, $0x3  }
0x14c: {  	v22 =	vmul.u32 $0x28, v22  }
0x14d: {  	v21 =	vand.u32 $0x7, v21  }
0x14e: {  	v21 =	vor.u32 v21, v22  }
0x14f: {  	v22 =	vperm.xlane v21, v18;
	_ =	sdelay $0x1  }
0x150: {  	v22 =	vadd.s32 v19, v22;
	_ =	sdelay $0x3  }
0x151: {  	v21 =	vperm.xlane v21, v20  }
0x152: {  	[hbm4b:s3+s2] =	stream.indirect_vreg.scatter [tilespmem:s31], [sflag:$0x1], $0x80, v22, vm0, $0xb8;
	[tilespmem:$0xF200] =	vst v63  }
0x153: {  	v21 =	vadd.s32 v19, v21  }
0x154: {  	[hbm4b:s4+s2] =	stream.indirect_vreg.scatter [tilespmem:s1], [sflag:$0x1], $0x80, v22, vm0, $0xb8;
	[tilespmem:$0xF200] =	vst v63  }
0x155: {  	_ = 	snop  }
0x156: {  	[hbm4b:s5+s2] =	stream.indirect_vreg.scatter [tilespmem:s0], [sflag:$0x1], $0x80, v22, vm1, $0xb8;
	[tilespmem:$0xF200] =	vst v63  }
0x157: {  	_ = 	snop  }
0x158: {  	[hbm4b:s3+s2] =	stream.indirect_vreg.scatter [tilespmem:s8], [sflag:$0x1], $0x80, v21, vm0, $0xb8;
	[tilespmem:$0xF200] =	vst v63  }
0x159: {  	_ = 	snop  }
0x15a: {  	[hbm4b:s4+s2] =	stream.indirect_vreg.scatter [tilespmem:s9], [sflag:$0x1], $0x80, v21, vm0, $0xb8;
	[tilespmem:$0xF200] =	vst v63  }
0x15b: {  	_ = 	snop  }
0x15c: {  	[hbm4b:s5+s2] =	stream.indirect_vreg.scatter [tilespmem:s10], [sflag:$0x1], $0x80, v21, vm1, $0xb8;
	[tilespmem:$0xF200] =	vst v63  }
0x15d: {  	v21 =	vld [tilespmem:$0xF130];
	_ =	sdelay $0x4  }
0x15e: {  	v22 =	vshrl.u32 v21, $0x3  }
0x15f: {  	v22 =	vmul.u32 $0x28, v22  }
0x160: {  	v21 =	vand.u32 $0x7, v21  }
0x161: {  	v21 =	vor.u32 v21, v22  }
0x162: {  	v22 =	vperm.xlane v21, v18;
	_ =	sdelay $0x1  }
0x163: {  	v22 =	vadd.s32 v19, v22;
	_ =	sdelay $0x3  }
0x164: {  	v21 =	vperm.xlane v21, v20  }
0x165: {  	[hbm4b:s3+s2] =	stream.indirect_vreg.scatter [tilespmem:s11], [sflag:$0x1], $0x80, v22, vm0, $0xb8;
	[tilespmem:$0xF200] =	vst v63  }
0x166: {  	v21 =	vadd.s32 v19, v21  }
0x167: {  	[hbm4b:s4+s2] =	stream.indirect_vreg.scatter [tilespmem:s12], [sflag:$0x1], $0x80, v22, vm0, $0xb8;
	[tilespmem:$0xF200] =	vst v63  }
0x168: {  	_ = 	snop  }
0x169: {  	[hbm4b:s5+s2] =	stream.indirect_vreg.scatter [tilespmem:s13], [sflag:$0x1], $0x80, v22, vm1, $0xb8;
	[tilespmem:$0xF200] =	vst v63  }
0x16a: {  	_ = 	snop  }
0x16b: {  	[hbm4b:s3+s2] =	stream.indirect_vreg.scatter [tilespmem:s14], [sflag:$0x1], $0x80, v21, vm0, $0xb8;
	[tilespmem:$0xF200] =	vst v63  }
0x16c: {  	_ = 	snop  }
0x16d: {  	[hbm4b:s4+s2] =	stream.indirect_vreg.scatter [tilespmem:s15], [sflag:$0x1], $0x80, v21, vm0, $0xb8;
	[tilespmem:$0xF200] =	vst v63  }
0x16e: {  	_ = 	snop  }
0x16f: {  	[hbm4b:s5+s2] =	stream.indirect_vreg.scatter [tilespmem:s16], [sflag:$0x1], $0x80, v21, vm1, $0xb8;
	[tilespmem:$0xF200] =	vst v63  }
0x170: {  	v21 =	vld [tilespmem:$0xF140];
	_ =	sdelay $0x4  }
0x171: {  	v22 =	vshrl.u32 v21, $0x3  }
0x172: {  	v22 =	vmul.u32 $0x28, v22  }
0x173: {  	v21 =	vand.u32 $0x7, v21  }
0x174: {  	v21 =	vor.u32 v21, v22  }
0x175: {  	v22 =	vperm.xlane v21, v18;
	_ =	sdelay $0x1  }
0x176: {  	v22 =	vadd.s32 v19, v22;
	_ =	sdelay $0x3  }
0x177: {  	v21 =	vperm.xlane v21, v20  }
0x178: {  	[hbm4b:s3+s2] =	stream.indirect_vreg.scatter [tilespmem:s17], [sflag:$0x1], $0x80, v22, vm0, $0xb8;
	[tilespmem:$0xF200] =	vst v63  }
0x179: {  	s18 =	simm.s32 $0xA800;
	v21 =	vadd.s32 v19, v21  }
0x17a: {  	[hbm4b:s4+s2] =	stream.indirect_vreg.scatter [tilespmem:s18], [sflag:$0x1], $0x80, v22, vm0, $0xb8;
	[tilespmem:$0xF200] =	vst v63  }
0x17b: {  	s18 =	simm.s32 $0xB000  }
0x17c: {  	[hbm4b:s5+s2] =	stream.indirect_vreg.scatter [tilespmem:s18], [sflag:$0x1], $0x80, v22, vm1, $0xb8;
	[tilespmem:$0xF200] =	vst v63  }
0x17d: {  	s18 =	simm.s32 $0xB400  }
0x17e: {  	[hbm4b:s3+s2] =	stream.indirect_vreg.scatter [tilespmem:s18], [sflag:$0x1], $0x80, v21, vm0, $0xb8;
	[tilespmem:$0xF200] =	vst v63  }
0x17f: {  	s18 =	simm.s32 $0xBC00  }
0x180: {  	[hbm4b:s4+s2] =	stream.indirect_vreg.scatter [tilespmem:s18], [sflag:$0x1], $0x80, v21, vm0, $0xb8;
	[tilespmem:$0xF200] =	vst v63  }
0x181: {  	s18 =	simm.s32 $0xC400  }
0x182: {  	[hbm4b:s5+s2] =	stream.indirect_vreg.scatter [tilespmem:s18], [sflag:$0x1], $0x80, v21, vm1, $0xb8;
	[tilespmem:$0xF200] =	vst v63  }
0x183: {  	v21 =	vld [tilespmem:$0xF150];
	_ =	sdelay $0x4  }
0x184: {  	v22 =	vshrl.u32 v21, $0x3  }
0x185: {  	v22 =	vmul.u32 $0x28, v22  }
0x186: {  	v21 =	vand.u32 $0x7, v21  }
0x187: {  	v21 =	vor.u32 v21, v22  }
0x188: {  	v22 =	vperm.xlane v21, v18;
	_ =	sdelay $0x1  }
0x189: {  	v22 =	vadd.s32 v19, v22;
	_ =	sdelay $0x3  }
0x18a: {  	s18 =	simm.s32 $0xC800;
	v21 =	vperm.xlane v21, v20  }
0x18b: {  	[hbm4b:s3+s2] =	stream.indirect_vreg.scatter [tilespmem:s18], [sflag:$0x1], $0x80, v22, vm0, $0xb8;
	[tilespmem:$0xF200] =	vst v63  }
0x18c: {  	v21 =	vadd.s32 v19, v21;
	s18 =	simm.s32 $0xD000  }
0x18d: {  	[hbm4b:s4+s2] =	stream.indirect_vreg.scatter [tilespmem:s18], [sflag:$0x1], $0x80, v22, vm0, $0xb8;
	[tilespmem:$0xF200] =	vst v63  }
0x18e: {  	s18 =	simm.s32 $0xD800  }
0x18f: {  	[hbm4b:s5+s2] =	stream.indirect_vreg.scatter [tilespmem:s18], [sflag:$0x1], $0x80, v22, vm1, $0xb8;
	[tilespmem:$0xF200] =	vst v63  }
0x190: {  	s18 =	simm.s32 $0xDC00  }
0x191: {  	[hbm4b:s3+s2] =	stream.indirect_vreg.scatter [tilespmem:s18], [sflag:$0x1], $0x80, v21, vm0, $0xb8;
	[tilespmem:$0xF200] =	vst v63  }
0x192: {  	p0 =	sne.s32 s6, $0x1;
	s18 =	simm.s32 $0xE400  }
0x193: {  	[hbm4b:s4+s2] =	stream.indirect_vreg.scatter [tilespmem:s18], [sflag:$0x1], $0x80, v21, vm0, $0xb8;
	[tilespmem:$0xF200] =	vst v63  }
.Ltmp0:
0x194: {  	s18 =	simm.s32 $0xEC00;
	(pc) =	sbr.rel @p0 .LBB2_1-.Ltmp0, $4  }
0x195: {  	[hbm4b:s5+s2] =	stream.indirect_vreg.scatter [tilespmem:s18], [sflag:$0x1], $0x80, v21, vm1, $0xb8;
	[tilespmem:$0xF200] =	vst v63  }
0x196: {  	_ =	swait.ge [sflag:s7], $0xF000  }
0x197: {  	[sflag:s7] =	ssyncset.done $0x0  }
0x198: {  	s6 =	sadd.s32 $0xFFFFFFFF, s6;
	[sflag:s7] =	ssyncadd.s32 $0xFFFF1000  }
0x199: {  	_ =	sfence.sel $0x180000  }
0x19a: {  	[bflag:$0x0] =	sbarrier.arrive $0xFFFF  }
0x19b: {  	_ =	strace $0x90000047  }
0x19c: {  	s0 =	stileid.u32;
	[bflag:$0x2] =	sbarrier.arrive $0xFFFF  }
0x19d: {  	p0 =	sne.s32 s0, $0x0;
	s0 =	rddreg [dreg:$0x1]  }
0x19e: {  	s0 =	sadd.s32 @!p0 $0x100000, s0  }
0x19f: {  	[sflag:s0] =	ssyncadd.tile.s32 @!p0 $0x1;
	_ =	shalt  }
.Lfunc_end2:
_tile_overlayer_lowered:
.L_overlay_start_2:
0x1a0: {  	(tag) =	ssettag $0x2  }
0x1a1: {  	s0 =	rddreg [dreg:$0x0];
	s2 =	stileid.u32  }
0x1a2: {  	s1 =	rddreg [dreg:$0x1];
	p0 =	sne.s32 s2, $0x0  }
0x1a3: {  	s3 =	rddreg [dreg:$0x2];
	[bflag:$0x3] =	sbarrier.arrive $0xFFFF;
	s2 =	simm.s32 @!p0 $0x1C01  }
0x1a4: {  	[timem:s3], [sflag:s2] =	dma.local @!p0 [hbm:s0], s1  }
0x1a5: {  	s0 =	simm.s32 @!p0 $0x1  }
0x1a6: {  	_ =	swait.ge @!p0 [sflag:s0], s1  }
0x1a7: {  	s1 =	ssub.s32 @!p0 $0x0, s1;
	[sflag:s0] =	ssyncset.done @!p0 $0x0  }
0x1a8: {  	[sflag:s0] =	ssyncadd.s32 @!p0 s1  }
0x1a9: {  	[bflag:$0x3] =	sbarrier.arrive $0xFFFF  }
0x1aa: {  	_ =	shalt  }

</sc_bundles>
